<compile_context>
chip_gen: v7x
topology: tpu7x:2x2x1
jax: 0.10.2.dev20260603
libtpu: 0.0.44.dev20260713+nightly
codegen_flags: <defaults>
</compile_context>

<pallas_src>
import math

import jax
import jax.numpy as jnp
import numpy as np
from jax import lax
from jax.experimental import pallas as pl
from jax.experimental.pallas import tpu as pltpu
from jax.experimental.pallas import tpu_sc as plsc

N_ATOMS = 100000
N_EDGES = 3200000
N_BATCH = 16

NC = 2
NS = 16
NW = NC * NS

G128 = 128
CHUNK_G = 3
CHUNK = CHUNK_G * G128

N_CHUNKS_W = 261
N_EDGES_PAD = NW * N_CHUNKS_W * CHUNK
N_GROUPS_PAD = N_EDGES_PAD // G128

ROWS_A = 6248
ROWS_LAST = N_ATOMS - 15 * ROWS_A


def _sc_edge_body(evx, evy, evz, src2, dst2, z8, f_out, v_out,
                  f_acc, v_acc,
                  xb0, yb0, zb0, srcb0, dstb0, vec0, nvec0, vir0,
                  xb1, yb1, zb1, srcb1, dstb1, vec1, nvec1, vir1,
                  sem_i0, sem_i1, sem_s0, sem_s1, sem_x0, sem_x1):
    c = lax.axis_index("c")
    s = lax.axis_index("s")
    w = s * NC + c

    xb = (xb0, xb1)
    yb = (yb0, yb1)
    zb = (zb0, zb1)
    srcb = (srcb0, srcb1)
    dstb = (dstb0, dstb1)
    vecb = (vec0, vec1)
    nvecb = (nvec0, nvec1)
    virb = (vir0, vir1)
    sem_i = (sem_i0, sem_i1)
    sem_s = (sem_s0, sem_s1)
    sem_x = (sem_x0, sem_x1)

    r0 = s * ROWS_A
    pltpu.sync_copy(z8, f_acc.at[pl.ds(r0, ROWS_LAST), :])
    pltpu.sync_copy(z8, v_acc.at[pl.ds(r0, ROWS_LAST), :])
    for b in range(2):
        pltpu.sync_copy(z8.at[pl.ds(0, CHUNK), :], vecb[b])
        pltpu.sync_copy(z8.at[pl.ds(0, CHUNK), :], nvecb[b])
        pltpu.sync_copy(z8.at[pl.ds(0, CHUNK), :], virb[b])
    plsc.subcore_barrier()

    iota = lax.iota(jnp.int32, 16)
    cols = [jnp.full((16,), j, jnp.int32) for j in range(6)]
    neg1 = jnp.full((16,), -1.0, jnp.float32)
    ebase = w * N_CHUNKS_W * CHUNK

    def fire_in(b, k):
        e0 = ebase + k * CHUNK
        pltpu.async_copy(evx.at[pl.ds(e0, CHUNK)], xb[b], sem_i[b])
        pltpu.async_copy(evy.at[pl.ds(e0, CHUNK)], yb[b], sem_i[b])
        pltpu.async_copy(evz.at[pl.ds(e0, CHUNK)], zb[b], sem_i[b])

    def drain_in(b):
        pltpu.make_async_copy(evx.at[pl.ds(0, CHUNK)], xb[b], sem_i[b]).wait()
        pltpu.make_async_copy(evy.at[pl.ds(0, CHUNK)], yb[b], sem_i[b]).wait()
        pltpu.make_async_copy(evz.at[pl.ds(0, CHUNK)], zb[b], sem_i[b]).wait()

    def fire_idx(b, k):
        g0 = (ebase + k * CHUNK) // G128
        pltpu.async_copy(src2.at[pl.ds(g0, CHUNK_G), :], srcb[b], sem_x[b])
        pltpu.async_copy(dst2.at[pl.ds(g0, CHUNK_G), :], dstb[b], sem_x[b])

    def drain_idx(b):
        pltpu.make_async_copy(src2.at[pl.ds(0, CHUNK_G), :], srcb[b],
                              sem_x[b]).wait()
        pltpu.make_async_copy(dst2.at[pl.ds(0, CHUNK_G), :], dstb[b],
                              sem_x[b]).wait()

    def fire_s(b):
        for g in range(CHUNK_G):
            rows = pl.ds(g * G128, G128)
            pltpu.async_copy(vecb[b].at[rows, :], f_acc.at[srcb[b].at[g]],
                             sem_s[b], add=True)
            pltpu.async_copy(nvecb[b].at[rows, :], f_acc.at[dstb[b].at[g]],
                             sem_s[b], add=True)
            pltpu.async_copy(virb[b].at[rows, :], v_acc.at[dstb[b].at[g]],
                             sem_s[b], add=True)

    def drain_s(b):
        for _ in range(3 * CHUNK_G):
            pltpu.make_async_copy(z8.at[pl.ds(0, G128), :],
                                  vecb[b].at[pl.ds(0, G128), :],
                                  sem_s[b]).wait()

    def compute(b):
        def cbody(i, _):
            rows = i * 16 + iota
            x = plsc.load_gather(xb[b], [rows])
            y = plsc.load_gather(yb[b], [rows])
            z = plsc.load_gather(zb[b], [rows])
            plsc.store_scatter(vecb[b], [rows, cols[0]], x)
            plsc.store_scatter(vecb[b], [rows, cols[1]], y)
            plsc.store_scatter(vecb[b], [rows, cols[2]], z)
            plsc.store_scatter(nvecb[b], [rows, cols[0]], x * neg1)
            plsc.store_scatter(nvecb[b], [rows, cols[1]], y * neg1)
            plsc.store_scatter(nvecb[b], [rows, cols[2]], z * neg1)
            plsc.store_scatter(virb[b], [rows, cols[0]], x * x)
            plsc.store_scatter(virb[b], [rows, cols[1]], y * y)
            plsc.store_scatter(virb[b], [rows, cols[2]], z * z)
            plsc.store_scatter(virb[b], [rows, cols[3]], x * y)
            plsc.store_scatter(virb[b], [rows, cols[4]], y * z)
            plsc.store_scatter(virb[b], [rows, cols[5]], z * x)
            return _

        lax.fori_loop(0, CHUNK // 16, cbody, 0, unroll=4)

    fire_in(0, 0)
    fire_in(1, 1)

    def outer(m, carry):
        for b in range(2):
            k = 2 * m + b

            @pl.when(k < N_CHUNKS_W)
            def _():
                @pl.when(k >= 2)
                def _():
                    drain_s(b)

                fire_idx(b, k)
                drain_in(b)
                compute(b)
                drain_idx(b)
                fire_s(b)

                @pl.when(k + 2 < N_CHUNKS_W)
                def _():
                    fire_in(b, k + 2)

        return carry

    lax.fori_loop(0, (N_CHUNKS_W + 1) // 2, outer, 0)
    drain_s(0)
    drain_s(1)

    plsc.subcore_barrier()

    @pl.when(s < 15)
    def _():
        rows = pl.ds(s * ROWS_A, ROWS_A)
        pltpu.sync_copy(f_acc.at[rows, :], f_out.at[c, rows, :])
        pltpu.sync_copy(v_acc.at[rows, :], v_out.at[c, rows, :])

    @pl.when(s == 15)
    def _():
        rows = pl.ds(15 * ROWS_A, ROWS_LAST)
        pltpu.sync_copy(f_acc.at[rows, :], f_out.at[c, rows, :])
        pltpu.sync_copy(v_acc.at[rows, :], v_out.at[c, rows, :])


@jax.jit
def _sc_edge_scatter(evx, evy, evz, src2, dst2):
    z8 = jnp.zeros((ROWS_LAST, 8), jnp.float32)
    f = pl.kernel(
        _sc_edge_body,
        out_type=(
            jax.ShapeDtypeStruct((NC, N_ATOMS, 8), jnp.float32),
            jax.ShapeDtypeStruct((NC, N_ATOMS, 8), jnp.float32),
        ),
        mesh=plsc.VectorSubcoreMesh(
            core_axis_name="c", subcore_axis_name="s",
            num_cores=NC, num_subcores=NS),
        compiler_params=pltpu.CompilerParams(
            needs_layout_passes=False, use_tc_tiling_on_sc=False),
        scratch_types=[
            pltpu.VMEM_SHARED((N_ATOMS, 8), jnp.float32),
            pltpu.VMEM_SHARED((N_ATOMS, 8), jnp.float32),
        ] + 2 * [
            pltpu.VMEM((CHUNK,), jnp.float32),
            pltpu.VMEM((CHUNK,), jnp.float32),
            pltpu.VMEM((CHUNK,), jnp.float32),
            pltpu.VMEM((CHUNK_G, G128), jnp.int32),
            pltpu.VMEM((CHUNK_G, G128), jnp.int32),
            pltpu.VMEM((CHUNK, 8), jnp.float32),
            pltpu.VMEM((CHUNK, 8), jnp.float32),
            pltpu.VMEM((CHUNK, 8), jnp.float32),
        ] + 6 * [pltpu.SemaphoreType.DMA],
    )
    return f(evx, evy, evz, src2, dst2, z8)


_A_T = np.array([
    [0.0, 0.0, 0.0, 0.0, 0.0, 1 / math.sqrt(2)],
    [0.0, 0.0, 0.0, 1 / math.sqrt(2), 0.0, 0.0],
    [-1 / math.sqrt(6), math.sqrt(2) / math.sqrt(3), -1 / math.sqrt(6), 0.0, 0.0, 0.0],
    [0.0, 0.0, 0.0, 0.0, 1 / math.sqrt(2), 0.0],
    [-1 / math.sqrt(2), 0.0, 1 / math.sqrt(2), 0.0, 0.0, 0.0],
], dtype=np.float32)

_BLK = 5000
_NBLK = N_ATOMS // _BLK


def _tc_iso_body(batch3, iso, aniso, a_t, andev_o, dev_o):
    i = pl.program_id(0)
    b = batch3[0]
    oh = (lax.broadcasted_iota(jnp.int32, (N_BATCH, _BLK), 0) == b
          ).astype(jnp.float32)
    ap = jnp.dot(jnp.dot(oh, aniso[...], preferred_element_type=jnp.float32),
                 a_t[...], preferred_element_type=jnp.float32)
    ip = jnp.dot(oh, iso[...], preferred_element_type=jnp.float32)
    colmask = (lax.broadcasted_iota(jnp.int32, (N_BATCH, 6), 1) < 3
               ).astype(jnp.float32)

    @pl.when(i == 0)
    def _():
        andev_o[...] = jnp.zeros_like(andev_o)
        dev_o[...] = jnp.zeros_like(dev_o)

    andev_o[...] += ap
    dev_o[...] += ip * colmask


@jax.jit
def _tc_iso(batch3, iso, aniso):
    return pl.pallas_call(
        _tc_iso_body,
        grid=(_NBLK,),
        in_specs=[
            pl.BlockSpec((1, 1, _BLK), lambda i: (i, 0, 0)),
            pl.BlockSpec((_BLK, 1), lambda i: (i, 0)),
            pl.BlockSpec((_BLK, 5), lambda i: (i, 0)),
            pl.BlockSpec((5, 6), lambda i: (0, 0)),
        ],
        out_specs=[
            pl.BlockSpec((N_BATCH, 6), lambda i: (0, 0)),
            pl.BlockSpec((N_BATCH, 6), lambda i: (0, 0)),
        ],
        out_shape=[
            jax.ShapeDtypeStruct((N_BATCH, 6), jnp.float32),
            jax.ShapeDtypeStruct((N_BATCH, 6), jnp.float32),
        ],
    )(batch3, iso, aniso, _A_T)


def _tc_combine_body(fv, vv, batch3, vol, force_o, stress_o):
    i = pl.program_id(0)
    fvb = fv[...]
    vvb = vv[...]
    force_o[...] = fvb[0, :, 0:3] + fvb[1, :, 0:3]

    b = batch3[0]
    oh = (lax.broadcasted_iota(jnp.int32, (N_BATCH, _BLK), 0) == b
          ).astype(jnp.float32)
    sp = jnp.dot(oh, vvb[0] + vvb[1], preferred_element_type=jnp.float32)

    @pl.when(i == 0)
    def _():
        stress_o[...] = jnp.zeros_like(stress_o)

    stress_o[...] += sp[:, 0:6]

    @pl.when(i == _NBLK - 1)
    def _():
        stress_o[...] = stress_o[...] * (-1.0 / vol[...])


@jax.jit
def _tc_combine(fv, vv, batch3, vol2):
    return pl.pallas_call(
        _tc_combine_body,
        grid=(_NBLK,),
        in_specs=[
            pl.BlockSpec((NC, _BLK, 8), lambda i: (0, i, 0)),
            pl.BlockSpec((NC, _BLK, 8), lambda i: (0, i, 0)),
            pl.BlockSpec((1, 1, _BLK), lambda i: (i, 0, 0)),
            pl.BlockSpec((N_BATCH, 1), lambda i: (0, 0)),
        ],
        out_specs=[
            pl.BlockSpec((_BLK, 3), lambda i: (i, 0)),
            pl.BlockSpec((N_BATCH, 6), lambda i: (0, 0)),
        ],
        out_shape=[
            jax.ShapeDtypeStruct((N_ATOMS, 3), jnp.float32),
            jax.ShapeDtypeStruct((N_BATCH, 6), jnp.float32),
        ],
    )(fv, vv, batch3, vol2)


def kernel(edge_vec, edge_idx, pred_energy, atomic_stress_iso,
           atomic_stress_aniso, cell_volume, num_atoms, batch):
    pad_e = N_EDGES_PAD - N_EDGES
    zpad = jnp.zeros((pad_e,), jnp.float32)
    ipad = jnp.zeros((pad_e,), edge_idx.dtype)
    src2 = jnp.concatenate([edge_idx[0], ipad]).reshape(N_GROUPS_PAD, G128)
    dst2 = jnp.concatenate([edge_idx[1], ipad]).reshape(N_GROUPS_PAD, G128)
    fv, vv = _sc_edge_scatter(
        jnp.concatenate([edge_vec[:, 0], zpad]),
        jnp.concatenate([edge_vec[:, 1], zpad]),
        jnp.concatenate([edge_vec[:, 2], zpad]),
        src2, dst2)

    batch3 = batch.reshape(_NBLK, 1, _BLK)
    vol2 = cell_volume.reshape(N_BATCH, 1)
    output_andev, output_dev = _tc_iso(
        batch3, atomic_stress_iso, atomic_stress_aniso)
    force_drv, stress_drv = _tc_combine(fv, vv, batch3, vol2)

    energy_out = jnp.squeeze(pred_energy, -1)
    return (energy_out, force_drv, stress_drv, output_andev, output_dev)

# --- scband reference (transcript-rebuilt; emitter-appended) ---
"""Pipeline reference for scband-direct-energy-stress-output-18382460027059 (READ-ONLY COPY).

The authoritative reference and input builder live on the scoring server;
editing this copy changes nothing except your own understanding.
"""

import jax, jax.numpy as jnp
import numpy as np
import math

N_ATOMS = 100000
N_EDGES = 3200000
N_BATCH = 16


def setup_inputs(seed: int = 0) -> dict:
    key = jax.random.key(seed)
    ks = jax.random.split(key, 6)
    edge_vec = jax.random.normal(ks[0], (N_EDGES, 3), dtype=jnp.float32)
    edge_idx = jax.random.randint(ks[1], (2, N_EDGES), 0, N_ATOMS)
    pred_energy = jax.random.normal(ks[2], (N_ATOMS, 1), dtype=jnp.float32)
    atomic_stress_iso = jax.random.normal(ks[3], (N_ATOMS, 1), dtype=jnp.float32)
    atomic_stress_aniso = jax.random.normal(ks[4], (N_ATOMS, 5), dtype=jnp.float32)
    cell_volume = jnp.ones((N_BATCH,), dtype=jnp.float32)
    num_atoms = jnp.ones((N_ATOMS,), dtype=jnp.int32)
    batch = jnp.sort(jax.random.randint(ks[5], (N_ATOMS,), 0, N_BATCH))
    return {
        'edge_vec': edge_vec,
        'edge_idx': edge_idx,
        'pred_energy': pred_energy,
        'atomic_stress_iso': atomic_stress_iso,
        'atomic_stress_aniso': atomic_stress_aniso,
        'cell_volume': cell_volume,
        'num_atoms': num_atoms,
        'batch': batch,
    }


def _A_matrix(dtype):
    return jnp.array([
        [0.0, 0.0, -1 / math.sqrt(6), 0.0, -1 / math.sqrt(2)],
        [0.0, 0.0, math.sqrt(2) / math.sqrt(3), 0.0, 0.0],
        [0.0, 0.0, -1 / math.sqrt(6), 0.0, 1 / math.sqrt(2)],
        [0.0, 1 / math.sqrt(2), 0.0, 0.0, 0.0],
        [0.0, 0.0, 0.0, 1 / math.sqrt(2), 0.0],
        [1 / math.sqrt(2), 0.0, 0.0, 0.0, 0.0],
    ], dtype=dtype)


def reference(edge_vec, edge_idx, pred_energy, atomic_stress_iso, atomic_stress_aniso, cell_volume, num_atoms, batch):
    A = _A_matrix(atomic_stress_aniso.dtype)
    tot_num = atomic_stress_iso.shape[0]  # == sum(num_atoms) since num_atoms are per-atom ones
    nbatch = cell_volume.shape[0]
    energy_out = jnp.squeeze(pred_energy, -1)

    # Upstream model produces energy as a function of edge vectors; the original
    # module takes d(total energy)/d(rij) via autograd. We model the upstream
    # dependence with a surrogate quadratic edge energy so fij is well defined.
    def e_fn(rij):
        return jnp.sum(energy_out) + 0.5 * jnp.sum(rij * rij)

    fij = jax.grad(e_fn)(edge_vec)
    src = edge_idx[0]
    dst = edge_idx[1]

    pf = jnp.zeros((tot_num, 3), dtype=fij.dtype).at[src].add(fij)
    nf = jnp.zeros((tot_num, 3), dtype=fij.dtype).at[dst].add(fij)
    force_drv = pf - nf

    diag = edge_vec * fij
    s12 = edge_vec[..., 0] * fij[..., 1]
    s23 = edge_vec[..., 1] * fij[..., 2]
    s31 = edge_vec[..., 2] * fij[..., 0]
    _virial = jnp.concatenate([diag, s12[:, None], s23[:, None], s31[:, None]], axis=-1)
    _s = jnp.zeros((tot_num, 6), dtype=_virial.dtype).at[dst].add(_virial)
    sout = jnp.zeros((nbatch, 6), dtype=_virial.dtype).at[batch].add(_s)
    stress_drv = -sout / cell_volume[:, None]

    src_andev = atomic_stress_aniso @ A.T
    src_dev = jnp.concatenate([
        atomic_stress_iso, atomic_stress_iso, atomic_stress_iso,
        jnp.zeros((tot_num, 3), dtype=atomic_stress_aniso.dtype)
    ], axis=-1)
    output_andev = jnp.zeros((nbatch, 6), dtype=src_andev.dtype).at[batch].add(src_andev)
    output_dev = jnp.zeros((nbatch, 6), dtype=src_dev.dtype).at[batch].add(src_dev)

    return (energy_out, force_drv, stress_drv, output_andev, output_dev)

if __name__ == "__main__":
    import jax
    _d = setup_inputs()
    print(jax.jit(kernel)(*tuple(_d.values())))

</pallas_src>

<mosaic_0001>
#map = affine_map<(d0, d1) -> (0)>
#map1 = affine_map<(d0, d1) -> (0, 0)>
#map2 = affine_map<(d0, d1) -> (0, 0, 0)>
module attributes {stable_mosaic.version = 14 : i64} {
  func.func @_sc_edge_body(%arg0: i32, %arg1: i32, %arg2: memref<3207168xf32, #tpu.memory_space<hbm>>, %arg3: memref<3207168xf32, #tpu.memory_space<hbm>>, %arg4: memref<3207168xf32, #tpu.memory_space<hbm>>, %arg5: memref<25056x128xi32, #tpu.memory_space<hbm>>, %arg6: memref<25056x128xi32, #tpu.memory_space<hbm>>, %arg7: memref<6280x8xf32, #tpu.memory_space<hbm>>, %arg8: memref<2x100000x8xf32, #tpu.memory_space<hbm>>, %arg9: memref<2x100000x8xf32, #tpu.memory_space<hbm>>, %arg10: memref<100000x8xf32, #tpu.memory_space<vmem_shared>>, %arg11: memref<100000x8xf32, #tpu.memory_space<vmem_shared>>, %arg12: memref<384xf32, #tpu.memory_space<vmem>>, %arg13: memref<384xf32, #tpu.memory_space<vmem>>, %arg14: memref<384xf32, #tpu.memory_space<vmem>>, %arg15: memref<3x128xi32, #tpu.memory_space<vmem>>, %arg16: memref<3x128xi32, #tpu.memory_space<vmem>>, %arg17: memref<384x8xf32, #tpu.memory_space<vmem>>, %arg18: memref<384x8xf32, #tpu.memory_space<vmem>>, %arg19: memref<384x8xf32, #tpu.memory_space<vmem>>, %arg20: memref<384xf32, #tpu.memory_space<vmem>>, %arg21: memref<384xf32, #tpu.memory_space<vmem>>, %arg22: memref<384xf32, #tpu.memory_space<vmem>>, %arg23: memref<3x128xi32, #tpu.memory_space<vmem>>, %arg24: memref<3x128xi32, #tpu.memory_space<vmem>>, %arg25: memref<384x8xf32, #tpu.memory_space<vmem>>, %arg26: memref<384x8xf32, #tpu.memory_space<vmem>>, %arg27: memref<384x8xf32, #tpu.memory_space<vmem>>, %arg28: memref<!tpu.dma_semaphore, #tpu.memory_space<semaphore_mem>>, %arg29: memref<!tpu.dma_semaphore, #tpu.memory_space<semaphore_mem>>, %arg30: memref<!tpu.dma_semaphore, #tpu.memory_space<semaphore_mem>>, %arg31: memref<!tpu.dma_semaphore, #tpu.memory_space<semaphore_mem>>, %arg32: memref<!tpu.dma_semaphore, #tpu.memory_space<semaphore_mem>>, %arg33: memref<!tpu.dma_semaphore, #tpu.memory_space<semaphore_mem>>) attributes {dimension_semantics = [#tpu.dimension_semantics<core_parallel>, #tpu.dimension_semantics<subcore_parallel>], iteration_bounds = array<i64: 2, 16>, scalar_prefetch = 0 : i64, scratch_operands = 24 : i64, tpu.core_type = #tpu.core_type<sc_vector_subcore>, window_params = [{transform_indices = #map}, {transform_indices = #map}, {transform_indices = #map}, {transform_indices = #map1}, {transform_indices = #map1}, {transform_indices = #map1}, {transform_indices = #map2}, {transform_indices = #map2}]} {
    %mul3A = arith.constant 2 : i32
    %mul3A_0 = arith.muli %arg1, %mul3A : i32
    %add3A = arith.addi %mul3A_0, %arg0 : i32
    %mul3A_1 = arith.constant 6248 : i32
    %mul3A_2 = arith.muli %arg1, %mul3A_1 : i32
    "tpu.region"() ({
      %run_scoped3A = tpu.sem_alloc : memref<!tpu.dma_semaphore, #tpu.memory_space<semaphore_mem>>
      %dma_start3A_262 = arith.constant 0 : i32
      %dma_start3A_263 = tpu.memref_slice %arg10[%mul3A_2, %dma_start3A_262] : memref<100000x8xf32, #tpu.memory_space<vmem_shared>> -> memref<6280x8xf32, #tpu.memory_space<vmem_shared>>
      tpu.enqueue_dma source(%arg7 : memref<6280x8xf32, #tpu.memory_space<hbm>>) target(%dma_start3A_263 : memref<6280x8xf32, #tpu.memory_space<vmem_shared>>) target_semaphore(%run_scoped3A : memref<!tpu.dma_semaphore, #tpu.memory_space<semaphore_mem>>)
      %dma_wait3A_264 = arith.constant 0 : i32
      %dma_wait3A_265 = tpu.memref_slice %arg10[%mul3A_2, %dma_wait3A_264] : memref<100000x8xf32, #tpu.memory_space<vmem_shared>> -> memref<6280x8xf32, #tpu.memory_space<vmem_shared>>
      tpu.wait_dma2 semaphore(%run_scoped3A : memref<!tpu.dma_semaphore, #tpu.memory_space<semaphore_mem>>) src(%arg7 : memref<6280x8xf32, #tpu.memory_space<hbm>>) dst(%dma_wait3A_265 : memref<6280x8xf32, #tpu.memory_space<vmem_shared>>)
      tpu.yield
    }) : () -> ()
    "tpu.region"() ({
      %run_scoped3A = tpu.sem_alloc : memref<!tpu.dma_semaphore, #tpu.memory_space<semaphore_mem>>
      %dma_start3A_262 = arith.constant 0 : i32
      %dma_start3A_263 = tpu.memref_slice %arg11[%mul3A_2, %dma_start3A_262] : memref<100000x8xf32, #tpu.memory_space<vmem_shared>> -> memref<6280x8xf32, #tpu.memory_space<vmem_shared>>
      tpu.enqueue_dma source(%arg7 : memref<6280x8xf32, #tpu.memory_space<hbm>>) target(%dma_start3A_263 : memref<6280x8xf32, #tpu.memory_space<vmem_shared>>) target_semaphore(%run_scoped3A : memref<!tpu.dma_semaphore, #tpu.memory_space<semaphore_mem>>)
      %dma_wait3A_264 = arith.constant 0 : i32
      %dma_wait3A_265 = tpu.memref_slice %arg11[%mul3A_2, %dma_wait3A_264] : memref<100000x8xf32, #tpu.memory_space<vmem_shared>> -> memref<6280x8xf32, #tpu.memory_space<vmem_shared>>
      tpu.wait_dma2 semaphore(%run_scoped3A : memref<!tpu.dma_semaphore, #tpu.memory_space<semaphore_mem>>) src(%arg7 : memref<6280x8xf32, #tpu.memory_space<hbm>>) dst(%dma_wait3A_265 : memref<6280x8xf32, #tpu.memory_space<vmem_shared>>)
      tpu.yield
    }) : () -> ()
    "tpu.region"() ({
      %run_scoped3A = tpu.sem_alloc : memref<!tpu.dma_semaphore, #tpu.memory_space<semaphore_mem>>
      %dma_start3A_262 = arith.constant 0 : i32
      %dma_start3A_263 = arith.constant 0 : i32
      %dma_start3A_264 = tpu.memref_slice %arg7[%dma_start3A_262, %dma_start3A_263] : memref<6280x8xf32, #tpu.memory_space<hbm>> -> memref<384x8xf32, #tpu.memory_space<hbm>>
      %dma_start3A_265 = arith.constant 0 : i32
      %dma_start3A_266 = arith.constant 0 : i32
      %dma_start3A_267 = tpu.memref_slice %arg7[%dma_start3A_265, %dma_start3A_266] : memref<6280x8xf32, #tpu.memory_space<hbm>> -> memref<384x8xf32, #tpu.memory_space<hbm>>
      tpu.enqueue_dma source(%dma_start3A_267 : memref<384x8xf32, #tpu.memory_space<hbm>>) target(%arg17 : memref<384x8xf32, #tpu.memory_space<vmem>>) target_semaphore(%run_scoped3A : memref<!tpu.dma_semaphore, #tpu.memory_space<semaphore_mem>>)
      %dma_wait3A_268 = arith.constant 0 : i32
      %dma_wait3A_269 = arith.constant 0 : i32
      %dma_wait3A_270 = tpu.memref_slice %arg7[%dma_wait3A_268, %dma_wait3A_269] : memref<6280x8xf32, #tpu.memory_space<hbm>> -> memref<384x8xf32, #tpu.memory_space<hbm>>
      %dma_wait3A_271 = arith.constant 0 : i32
      %dma_wait3A_272 = arith.constant 0 : i32
      %dma_wait3A_273 = tpu.memref_slice %arg7[%dma_wait3A_271, %dma_wait3A_272] : memref<6280x8xf32, #tpu.memory_space<hbm>> -> memref<384x8xf32, #tpu.memory_space<hbm>>
      tpu.wait_dma2 semaphore(%run_scoped3A : memref<!tpu.dma_semaphore, #tpu.memory_space<semaphore_mem>>) src(%dma_wait3A_273 : memref<384x8xf32, #tpu.memory_space<hbm>>) dst(%arg17 : memref<384x8xf32, #tpu.memory_space<vmem>>)
      tpu.yield
    }) : () -> ()
    "tpu.region"() ({
      %run_scoped3A = tpu.sem_alloc : memref<!tpu.dma_semaphore, #tpu.memory_space<semaphore_mem>>
      %dma_start3A_262 = arith.constant 0 : i32
      %dma_start3A_263 = arith.constant 0 : i32
      %dma_start3A_264 = tpu.memref_slice %arg7[%dma_start3A_262, %dma_start3A_263] : memref<6280x8xf32, #tpu.memory_space<hbm>> -> memref<384x8xf32, #tpu.memory_space<hbm>>
      %dma_start3A_265 = arith.constant 0 : i32
      %dma_start3A_266 = arith.constant 0 : i32
      %dma_start3A_267 = tpu.memref_slice %arg7[%dma_start3A_265, %dma_start3A_266] : memref<6280x8xf32, #tpu.memory_space<hbm>> -> memref<384x8xf32, #tpu.memory_space<hbm>>
      tpu.enqueue_dma source(%dma_start3A_267 : memref<384x8xf32, #tpu.memory_space<hbm>>) target(%arg18 : memref<384x8xf32, #tpu.memory_space<vmem>>) target_semaphore(%run_scoped3A : memref<!tpu.dma_semaphore, #tpu.memory_space<semaphore_mem>>)
      %dma_wait3A_268 = arith.constant 0 : i32
      %dma_wait3A_269 = arith.constant 0 : i32
      %dma_wait3A_270 = tpu.memref_slice %arg7[%dma_wait3A_268, %dma_wait3A_269] : memref<6280x8xf32, #tpu.memory_space<hbm>> -> memref<384x8xf32, #tpu.memory_space<hbm>>
      %dma_wait3A_271 = arith.constant 0 : i32
      %dma_wait3A_272 = arith.constant 0 : i32
      %dma_wait3A_273 = tpu.memref_slice %arg7[%dma_wait3A_271, %dma_wait3A_272] : memref<6280x8xf32, #tpu.memory_space<hbm>> -> memref<384x8xf32, #tpu.memory_space<hbm>>
      tpu.wait_dma2 semaphore(%run_scoped3A : memref<!tpu.dma_semaphore, #tpu.memory_space<semaphore_mem>>) src(%dma_wait3A_273 : memref<384x8xf32, #tpu.memory_space<hbm>>) dst(%arg18 : memref<384x8xf32, #tpu.memory_space<vmem>>)
      tpu.yield
    }) : () -> ()
    "tpu.region"() ({
      %run_scoped3A = tpu.sem_alloc : memref<!tpu.dma_semaphore, #tpu.memory_space<semaphore_mem>>
      %dma_start3A_262 = arith.constant 0 : i32
      %dma_start3A_263 = arith.constant 0 : i32
      %dma_start3A_264 = tpu.memref_slice %arg7[%dma_start3A_262, %dma_start3A_263] : memref<6280x8xf32, #tpu.memory_space<hbm>> -> memref<384x8xf32, #tpu.memory_space<hbm>>
      %dma_start3A_265 = arith.constant 0 : i32
      %dma_start3A_266 = arith.constant 0 : i32
      %dma_start3A_267 = tpu.memref_slice %arg7[%dma_start3A_265, %dma_start3A_266] : memref<6280x8xf32, #tpu.memory_space<hbm>> -> memref<384x8xf32, #tpu.memory_space<hbm>>
      tpu.enqueue_dma source(%dma_start3A_267 : memref<384x8xf32, #tpu.memory_space<hbm>>) target(%arg19 : memref<384x8xf32, #tpu.memory_space<vmem>>) target_semaphore(%run_scoped3A : memref<!tpu.dma_semaphore, #tpu.memory_space<semaphore_mem>>)
      %dma_wait3A_268 = arith.constant 0 : i32
      %dma_wait3A_269 = arith.constant 0 : i32
      %dma_wait3A_270 = tpu.memref_slice %arg7[%dma_wait3A_268, %dma_wait3A_269] : memref<6280x8xf32, #tpu.memory_space<hbm>> -> memref<384x8xf32, #tpu.memory_space<hbm>>
      %dma_wait3A_271 = arith.constant 0 : i32
      %dma_wait3A_272 = arith.constant 0 : i32
      %dma_wait3A_273 = tpu.memref_slice %arg7[%dma_wait3A_271, %dma_wait3A_272] : memref<6280x8xf32, #tpu.memory_space<hbm>> -> memref<384x8xf32, #tpu.memory_space<hbm>>
      tpu.wait_dma2 semaphore(%run_scoped3A : memref<!tpu.dma_semaphore, #tpu.memory_space<semaphore_mem>>) src(%dma_wait3A_273 : memref<384x8xf32, #tpu.memory_space<hbm>>) dst(%arg19 : memref<384x8xf32, #tpu.memory_space<vmem>>)
      tpu.yield
    }) : () -> ()
    "tpu.region"() ({
      %run_scoped3A = tpu.sem_alloc : memref<!tpu.dma_semaphore, #tpu.memory_space<semaphore_mem>>
      %dma_start3A_262 = arith.constant 0 : i32
      %dma_start3A_263 = arith.constant 0 : i32
      %dma_start3A_264 = tpu.memref_slice %arg7[%dma_start3A_262, %dma_start3A_263] : memref<6280x8xf32, #tpu.memory_space<hbm>> -> memref<384x8xf32, #tpu.memory_space<hbm>>
      %dma_start3A_265 = arith.constant 0 : i32
      %dma_start3A_266 = arith.constant 0 : i32
      %dma_start3A_267 = tpu.memref_slice %arg7[%dma_start3A_265, %dma_start3A_266] : memref<6280x8xf32, #tpu.memory_space<hbm>> -> memref<384x8xf32, #tpu.memory_space<hbm>>
      tpu.enqueue_dma source(%dma_start3A_267 : memref<384x8xf32, #tpu.memory_space<hbm>>) target(%arg25 : memref<384x8xf32, #tpu.memory_space<vmem>>) target_semaphore(%run_scoped3A : memref<!tpu.dma_semaphore, #tpu.memory_space<semaphore_mem>>)
      %dma_wait3A_268 = arith.constant 0 : i32
      %dma_wait3A_269 = arith.constant 0 : i32
      %dma_wait3A_270 = tpu.memref_slice %arg7[%dma_wait3A_268, %dma_wait3A_269] : memref<6280x8xf32, #tpu.memory_space<hbm>> -> memref<384x8xf32, #tpu.memory_space<hbm>>
      %dma_wait3A_271 = arith.constant 0 : i32
      %dma_wait3A_272 = arith.constant 0 : i32
      %dma_wait3A_273 = tpu.memref_slice %arg7[%dma_wait3A_271, %dma_wait3A_272] : memref<6280x8xf32, #tpu.memory_space<hbm>> -> memref<384x8xf32, #tpu.memory_space<hbm>>
      tpu.wait_dma2 semaphore(%run_scoped3A : memref<!tpu.dma_semaphore, #tpu.memory_space<semaphore_mem>>) src(%dma_wait3A_273 : memref<384x8xf32, #tpu.memory_space<hbm>>) dst(%arg25 : memref<384x8xf32, #tpu.memory_space<vmem>>)
      tpu.yield
    }) : () -> ()
    "tpu.region"() ({
      %run_scoped3A = tpu.sem_alloc : memref<!tpu.dma_semaphore, #tpu.memory_space<semaphore_mem>>
      %dma_start3A_262 = arith.constant 0 : i32
      %dma_start3A_263 = arith.constant 0 : i32
      %dma_start3A_264 = tpu.memref_slice %arg7[%dma_start3A_262, %dma_start3A_263] : memref<6280x8xf32, #tpu.memory_space<hbm>> -> memref<384x8xf32, #tpu.memory_space<hbm>>
      %dma_start3A_265 = arith.constant 0 : i32
      %dma_start3A_266 = arith.constant 0 : i32
      %dma_start3A_267 = tpu.memref_slice %arg7[%dma_start3A_265, %dma_start3A_266] : memref<6280x8xf32, #tpu.memory_space<hbm>> -> memref<384x8xf32, #tpu.memory_space<hbm>>
      tpu.enqueue_dma source(%dma_start3A_267 : memref<384x8xf32, #tpu.memory_space<hbm>>) target(%arg26 : memref<384x8xf32, #tpu.memory_space<vmem>>) target_semaphore(%run_scoped3A : memref<!tpu.dma_semaphore, #tpu.memory_space<semaphore_mem>>)
      %dma_wait3A_268 = arith.constant 0 : i32
      %dma_wait3A_269 = arith.constant 0 : i32
      %dma_wait3A_270 = tpu.memref_slice %arg7[%dma_wait3A_268, %dma_wait3A_269] : memref<6280x8xf32, #tpu.memory_space<hbm>> -> memref<384x8xf32, #tpu.memory_space<hbm>>
      %dma_wait3A_271 = arith.constant 0 : i32
      %dma_wait3A_272 = arith.constant 0 : i32
      %dma_wait3A_273 = tpu.memref_slice %arg7[%dma_wait3A_271, %dma_wait3A_272] : memref<6280x8xf32, #tpu.memory_space<hbm>> -> memref<384x8xf32, #tpu.memory_space<hbm>>
      tpu.wait_dma2 semaphore(%run_scoped3A : memref<!tpu.dma_semaphore, #tpu.memory_space<semaphore_mem>>) src(%dma_wait3A_273 : memref<384x8xf32, #tpu.memory_space<hbm>>) dst(%arg26 : memref<384x8xf32, #tpu.memory_space<vmem>>)
      tpu.yield
    }) : () -> ()
    "tpu.region"() ({
      %run_scoped3A = tpu.sem_alloc : memref<!tpu.dma_semaphore, #tpu.memory_space<semaphore_mem>>
      %dma_start3A_262 = arith.constant 0 : i32
      %dma_start3A_263 = arith.constant 0 : i32
      %dma_start3A_264 = tpu.memref_slice %arg7[%dma_start3A_262, %dma_start3A_263] : memref<6280x8xf32, #tpu.memory_space<hbm>> -> memref<384x8xf32, #tpu.memory_space<hbm>>
      %dma_start3A_265 = arith.constant 0 : i32
      %dma_start3A_266 = arith.constant 0 : i32
      %dma_start3A_267 = tpu.memref_slice %arg7[%dma_start3A_265, %dma_start3A_266] : memref<6280x8xf32, #tpu.memory_space<hbm>> -> memref<384x8xf32, #tpu.memory_space<hbm>>
      tpu.enqueue_dma source(%dma_start3A_267 : memref<384x8xf32, #tpu.memory_space<hbm>>) target(%arg27 : memref<384x8xf32, #tpu.memory_space<vmem>>) target_semaphore(%run_scoped3A : memref<!tpu.dma_semaphore, #tpu.memory_space<semaphore_mem>>)
      %dma_wait3A_268 = arith.constant 0 : i32
      %dma_wait3A_269 = arith.constant 0 : i32
      %dma_wait3A_270 = tpu.memref_slice %arg7[%dma_wait3A_268, %dma_wait3A_269] : memref<6280x8xf32, #tpu.memory_space<hbm>> -> memref<384x8xf32, #tpu.memory_space<hbm>>
      %dma_wait3A_271 = arith.constant 0 : i32
      %dma_wait3A_272 = arith.constant 0 : i32
      %dma_wait3A_273 = tpu.memref_slice %arg7[%dma_wait3A_271, %dma_wait3A_272] : memref<6280x8xf32, #tpu.memory_space<hbm>> -> memref<384x8xf32, #tpu.memory_space<hbm>>
      tpu.wait_dma2 semaphore(%run_scoped3A : memref<!tpu.dma_semaphore, #tpu.memory_space<semaphore_mem>>) src(%dma_wait3A_273 : memref<384x8xf32, #tpu.memory_space<hbm>>) dst(%arg27 : memref<384x8xf32, #tpu.memory_space<vmem>>)
      tpu.yield
    }) : () -> ()
    %barrier3A = arith.constant 0 : index
    tpu.barrier barrier_id(%barrier3A)
    %iota3A = tpu.iota {dimensions = array<i32: 0>} : vector<16xi32>
    %broadcast_in_dim3A = arith.constant 0 : i32
    %broadcast_in_dim3A_3 = vector.broadcast %broadcast_in_dim3A : i32 to vector<16xi32>
    %broadcast_in_dim3A_4 = arith.constant 1 : i32
    %broadcast_in_dim3A_5 = vector.broadcast %broadcast_in_dim3A_4 : i32 to vector<16xi32>
    %broadcast_in_dim3A_6 = arith.constant 2 : i32
    %broadcast_in_dim3A_7 = vector.broadcast %broadcast_in_dim3A_6 : i32 to vector<16xi32>
    %broadcast_in_dim3A_8 = arith.constant 3 : i32
    %broadcast_in_dim3A_9 = vector.broadcast %broadcast_in_dim3A_8 : i32 to vector<16xi32>
    %broadcast_in_dim3A_10 = arith.constant 4 : i32
    %broadcast_in_dim3A_11 = vector.broadcast %broadcast_in_dim3A_10 : i32 to vector<16xi32>
    %broadcast_in_dim3A_12 = arith.constant 5 : i32
    %broadcast_in_dim3A_13 = vector.broadcast %broadcast_in_dim3A_12 : i32 to vector<16xi32>
    %broadcast_in_dim3A_14 = arith.constant -1.000000e+00 : f32
    %broadcast_in_dim3A_15 = vector.broadcast %broadcast_in_dim3A_14 : f32 to vector<16xf32>
    %mul3A_16 = arith.constant 261 : i32
    %mul3A_17 = arith.muli %add3A, %mul3A_16 : i32
    %mul3A_18 = arith.constant 384 : i32
    %mul3A_19 = arith.muli %mul3A_17, %mul3A_18 : i32
    %add3A_20 = arith.constant 0 : i32
    %add3A_21 = arith.addi %mul3A_19, %add3A_20 : i32
    %dma_start3A = tpu.memref_slice %arg2[%add3A_21] : memref<3207168xf32, #tpu.memory_space<hbm>> -> memref<384xf32, #tpu.memory_space<hbm>>
    %dma_start3A_22 = tpu.memref_slice %arg2[%add3A_21] : memref<3207168xf32, #tpu.memory_space<hbm>> -> memref<384xf32, #tpu.memory_space<hbm>>
    tpu.enqueue_dma source(%dma_start3A_22 : memref<384xf32, #tpu.memory_space<hbm>>) target(%arg12 : memref<384xf32, #tpu.memory_space<vmem>>) target_semaphore(%arg28 : memref<!tpu.dma_semaphore, #tpu.memory_space<semaphore_mem>>)
    %dma_start3A_23 = tpu.memref_slice %arg3[%add3A_21] : memref<3207168xf32, #tpu.memory_space<hbm>> -> memref<384xf32, #tpu.memory_space<hbm>>
    %dma_start3A_24 = tpu.memref_slice %arg3[%add3A_21] : memref<3207168xf32, #tpu.memory_space<hbm>> -> memref<384xf32, #tpu.memory_space<hbm>>
    tpu.enqueue_dma source(%dma_start3A_24 : memref<384xf32, #tpu.memory_space<hbm>>) target(%arg13 : memref<384xf32, #tpu.memory_space<vmem>>) target_semaphore(%arg28 : memref<!tpu.dma_semaphore, #tpu.memory_space<semaphore_mem>>)
    %dma_start3A_25 = tpu.memref_slice %arg4[%add3A_21] : memref<3207168xf32, #tpu.memory_space<hbm>> -> memref<384xf32, #tpu.memory_space<hbm>>
    %dma_start3A_26 = tpu.memref_slice %arg4[%add3A_21] : memref<3207168xf32, #tpu.memory_space<hbm>> -> memref<384xf32, #tpu.memory_space<hbm>>
    tpu.enqueue_dma source(%dma_start3A_26 : memref<384xf32, #tpu.memory_space<hbm>>) target(%arg14 : memref<384xf32, #tpu.memory_space<vmem>>) target_semaphore(%arg28 : memref<!tpu.dma_semaphore, #tpu.memory_space<semaphore_mem>>)
    %add3A_27 = arith.constant 384 : i32
    %add3A_28 = arith.addi %mul3A_19, %add3A_27 : i32
    %dma_start3A_29 = tpu.memref_slice %arg2[%add3A_28] : memref<3207168xf32, #tpu.memory_space<hbm>> -> memref<384xf32, #tpu.memory_space<hbm>>
    %dma_start3A_30 = tpu.memref_slice %arg2[%add3A_28] : memref<3207168xf32, #tpu.memory_space<hbm>> -> memref<384xf32, #tpu.memory_space<hbm>>
    tpu.enqueue_dma source(%dma_start3A_30 : memref<384xf32, #tpu.memory_space<hbm>>) target(%arg20 : memref<384xf32, #tpu.memory_space<vmem>>) target_semaphore(%arg29 : memref<!tpu.dma_semaphore, #tpu.memory_space<semaphore_mem>>)
    %dma_start3A_31 = tpu.memref_slice %arg3[%add3A_28] : memref<3207168xf32, #tpu.memory_space<hbm>> -> memref<384xf32, #tpu.memory_space<hbm>>
    %dma_start3A_32 = tpu.memref_slice %arg3[%add3A_28] : memref<3207168xf32, #tpu.memory_space<hbm>> -> memref<384xf32, #tpu.memory_space<hbm>>
    tpu.enqueue_dma source(%dma_start3A_32 : memref<384xf32, #tpu.memory_space<hbm>>) target(%arg21 : memref<384xf32, #tpu.memory_space<vmem>>) target_semaphore(%arg29 : memref<!tpu.dma_semaphore, #tpu.memory_space<semaphore_mem>>)
    %dma_start3A_33 = tpu.memref_slice %arg4[%add3A_28] : memref<3207168xf32, #tpu.memory_space<hbm>> -> memref<384xf32, #tpu.memory_space<hbm>>
    %dma_start3A_34 = tpu.memref_slice %arg4[%add3A_28] : memref<3207168xf32, #tpu.memory_space<hbm>> -> memref<384xf32, #tpu.memory_space<hbm>>
    tpu.enqueue_dma source(%dma_start3A_34 : memref<384xf32, #tpu.memory_space<hbm>>) target(%arg22 : memref<384xf32, #tpu.memory_space<vmem>>) target_semaphore(%arg29 : memref<!tpu.dma_semaphore, #tpu.memory_space<semaphore_mem>>)
    %scan3A = arith.constant 0 : i32
    %scan3A_35 = arith.constant 0 : i32
    %scan3A_36 = arith.constant 131 : i32
    %scan3A_37 = arith.addi %scan3A_35, %scan3A_36 : i32
    %scan3A_38 = arith.constant 1 : i32
    scf.for %scan3A_262 = %scan3A_35 to %scan3A_37 step %scan3A_38  : i32 {
      %mul3A_263 = arith.constant 2 : i32
      %mul3A_264 = arith.muli %mul3A_263, %scan3A_262 : i32
      %add3A_265 = arith.constant 0 : i32
      %add3A_266 = arith.addi %mul3A_264, %add3A_265 : i32
      %lt3A_267 = arith.constant 261 : i32
      %lt3A_268 = arith.cmpi slt, %add3A_266, %lt3A_267 : i32
      %convert_element_type3A_269 = arith.extui %lt3A_268 : i1 to i32
      %cond3A_270 = arith.constant 0 : i32
      %cond3A_271 = arith.cmpi ne, %convert_element_type3A_269, %cond3A_270 : i32
      scf.if %cond3A_271 {
        %ge3A = arith.constant 2 : i32
        %ge3A_281 = arith.cmpi sge, %add3A_266, %ge3A : i32
        %convert_element_type3A_282 = arith.extui %ge3A_281 : i1 to i32
        %cond3A_283 = arith.constant 0 : i32
        %cond3A_284 = arith.cmpi ne, %convert_element_type3A_282, %cond3A_283 : i32
        scf.if %cond3A_284 {
          %dma_wait3A_439 = arith.constant 0 : i32
          %dma_wait3A_440 = arith.constant 0 : i32
          %dma_wait3A_441 = tpu.memref_slice %arg17[%dma_wait3A_439, %dma_wait3A_440] : memref<384x8xf32, #tpu.memory_space<vmem>> -> memref<128x8xf32, #tpu.memory_space<vmem>>
          %dma_wait3A_442 = arith.constant 0 : i32
          %dma_wait3A_443 = arith.constant 0 : i32
          %dma_wait3A_444 = tpu.memref_slice %arg7[%dma_wait3A_442, %dma_wait3A_443] : memref<6280x8xf32, #tpu.memory_space<hbm>> -> memref<128x8xf32, #tpu.memory_space<hbm>>
          %dma_wait3A_445 = arith.constant 0 : i32
          %dma_wait3A_446 = arith.constant 0 : i32
          %dma_wait3A_447 = tpu.memref_slice %arg17[%dma_wait3A_445, %dma_wait3A_446] : memref<384x8xf32, #tpu.memory_space<vmem>> -> memref<128x8xf32, #tpu.memory_space<vmem>>
          %dma_wait3A_448 = arith.constant 0 : i32
          %dma_wait3A_449 = arith.constant 0 : i32
          %dma_wait3A_450 = tpu.memref_slice %arg7[%dma_wait3A_448, %dma_wait3A_449] : memref<6280x8xf32, #tpu.memory_space<hbm>> -> memref<128x8xf32, #tpu.memory_space<hbm>>
          tpu.wait_dma2 semaphore(%arg30 : memref<!tpu.dma_semaphore, #tpu.memory_space<semaphore_mem>>) src(%dma_wait3A_450 : memref<128x8xf32, #tpu.memory_space<hbm>>) dst(%dma_wait3A_447 : memref<128x8xf32, #tpu.memory_space<vmem>>)
          %dma_wait3A_451 = arith.constant 0 : i32
          %dma_wait3A_452 = arith.constant 0 : i32
          %dma_wait3A_453 = tpu.memref_slice %arg17[%dma_wait3A_451, %dma_wait3A_452] : memref<384x8xf32, #tpu.memory_space<vmem>> -> memref<128x8xf32, #tpu.memory_space<vmem>>
          %dma_wait3A_454 = arith.constant 0 : i32
          %dma_wait3A_455 = arith.constant 0 : i32
          %dma_wait3A_456 = tpu.memref_slice %arg7[%dma_wait3A_454, %dma_wait3A_455] : memref<6280x8xf32, #tpu.memory_space<hbm>> -> memref<128x8xf32, #tpu.memory_space<hbm>>
          %dma_wait3A_457 = arith.constant 0 : i32
          %dma_wait3A_458 = arith.constant 0 : i32
          %dma_wait3A_459 = tpu.memref_slice %arg17[%dma_wait3A_457, %dma_wait3A_458] : memref<384x8xf32, #tpu.memory_space<vmem>> -> memref<128x8xf32, #tpu.memory_space<vmem>>
          %dma_wait3A_460 = arith.constant 0 : i32
          %dma_wait3A_461 = arith.constant 0 : i32
          %dma_wait3A_462 = tpu.memref_slice %arg7[%dma_wait3A_460, %dma_wait3A_461] : memref<6280x8xf32, #tpu.memory_space<hbm>> -> memref<128x8xf32, #tpu.memory_space<hbm>>
          tpu.wait_dma2 semaphore(%arg30 : memref<!tpu.dma_semaphore, #tpu.memory_space<semaphore_mem>>) src(%dma_wait3A_462 : memref<128x8xf32, #tpu.memory_space<hbm>>) dst(%dma_wait3A_459 : memref<128x8xf32, #tpu.memory_space<vmem>>)
          %dma_wait3A_463 = arith.constant 0 : i32
          %dma_wait3A_464 = arith.constant 0 : i32
          %dma_wait3A_465 = tpu.memref_slice %arg17[%dma_wait3A_463, %dma_wait3A_464] : memref<384x8xf32, #tpu.memory_space<vmem>> -> memref<128x8xf32, #tpu.memory_space<vmem>>
          %dma_wait3A_466 = arith.constant 0 : i32
          %dma_wait3A_467 = arith.constant 0 : i32
          %dma_wait3A_468 = tpu.memref_slice %arg7[%dma_wait3A_466, %dma_wait3A_467] : memref<6280x8xf32, #tpu.memory_space<hbm>> -> memref<128x8xf32, #tpu.memory_space<hbm>>
          %dma_wait3A_469 = arith.constant 0 : i32
          %dma_wait3A_470 = arith.constant 0 : i32
          %dma_wait3A_471 = tpu.memref_slice %arg17[%dma_wait3A_469, %dma_wait3A_470] : memref<384x8xf32, #tpu.memory_space<vmem>> -> memref<128x8xf32, #tpu.memory_space<vmem>>
          %dma_wait3A_472 = arith.constant 0 : i32
          %dma_wait3A_473 = arith.constant 0 : i32
          %dma_wait3A_474 = tpu.memref_slice %arg7[%dma_wait3A_472, %dma_wait3A_473] : memref<6280x8xf32, #tpu.memory_space<hbm>> -> memref<128x8xf32, #tpu.memory_space<hbm>>
          tpu.wait_dma2 semaphore(%arg30 : memref<!tpu.dma_semaphore, #tpu.memory_space<semaphore_mem>>) src(%dma_wait3A_474 : memref<128x8xf32, #tpu.memory_space<hbm>>) dst(%dma_wait3A_471 : memref<128x8xf32, #tpu.memory_space<vmem>>)
          %dma_wait3A_475 = arith.constant 0 : i32
          %dma_wait3A_476 = arith.constant 0 : i32
          %dma_wait3A_477 = tpu.memref_slice %arg17[%dma_wait3A_475, %dma_wait3A_476] : memref<384x8xf32, #tpu.memory_space<vmem>> -> memref<128x8xf32, #tpu.memory_space<vmem>>
          %dma_wait3A_478 = arith.constant 0 : i32
          %dma_wait3A_479 = arith.constant 0 : i32
          %dma_wait3A_480 = tpu.memref_slice %arg7[%dma_wait3A_478, %dma_wait3A_479] : memref<6280x8xf32, #tpu.memory_space<hbm>> -> memref<128x8xf32, #tpu.memory_space<hbm>>
          %dma_wait3A_481 = arith.constant 0 : i32
          %dma_wait3A_482 = arith.constant 0 : i32
          %dma_wait3A_483 = tpu.memref_slice %arg17[%dma_wait3A_481, %dma_wait3A_482] : memref<384x8xf32, #tpu.memory_space<vmem>> -> memref<128x8xf32, #tpu.memory_space<vmem>>
          %dma_wait3A_484 = arith.constant 0 : i32
          %dma_wait3A_485 = arith.constant 0 : i32
          %dma_wait3A_486 = tpu.memref_slice %arg7[%dma_wait3A_484, %dma_wait3A_485] : memref<6280x8xf32, #tpu.memory_space<hbm>> -> memref<128x8xf32, #tpu.memory_space<hbm>>
          tpu.wait_dma2 semaphore(%arg30 : memref<!tpu.dma_semaphore, #tpu.memory_space<semaphore_mem>>) src(%dma_wait3A_486 : memref<128x8xf32, #tpu.memory_space<hbm>>) dst(%dma_wait3A_483 : memref<128x8xf32, #tpu.memory_space<vmem>>)
          %dma_wait3A_487 = arith.constant 0 : i32
          %dma_wait3A_488 = arith.constant 0 : i32
          %dma_wait3A_489 = tpu.memref_slice %arg17[%dma_wait3A_487, %dma_wait3A_488] : memref<384x8xf32, #tpu.memory_space<vmem>> -> memref<128x8xf32, #tpu.memory_space<vmem>>
          %dma_wait3A_490 = arith.constant 0 : i32
          %dma_wait3A_491 = arith.constant 0 : i32
          %dma_wait3A_492 = tpu.memref_slice %arg7[%dma_wait3A_490, %dma_wait3A_491] : memref<6280x8xf32, #tpu.memory_space<hbm>> -> memref<128x8xf32, #tpu.memory_space<hbm>>
          %dma_wait3A_493 = arith.constant 0 : i32
          %dma_wait3A_494 = arith.constant 0 : i32
          %dma_wait3A_495 = tpu.memref_slice %arg17[%dma_wait3A_493, %dma_wait3A_494] : memref<384x8xf32, #tpu.memory_space<vmem>> -> memref<128x8xf32, #tpu.memory_space<vmem>>
          %dma_wait3A_496 = arith.constant 0 : i32
          %dma_wait3A_497 = arith.constant 0 : i32
          %dma_wait3A_498 = tpu.memref_slice %arg7[%dma_wait3A_496, %dma_wait3A_497] : memref<6280x8xf32, #tpu.memory_space<hbm>> -> memref<128x8xf32, #tpu.memory_space<hbm>>
          tpu.wait_dma2 semaphore(%arg30 : memref<!tpu.dma_semaphore, #tpu.memory_space<semaphore_mem>>) src(%dma_wait3A_498 : memref<128x8xf32, #tpu.memory_space<hbm>>) dst(%dma_wait3A_495 : memref<128x8xf32, #tpu.memory_space<vmem>>)
          %dma_wait3A_499 = arith.constant 0 : i32
          %dma_wait3A_500 = arith.constant 0 : i32
          %dma_wait3A_501 = tpu.memref_slice %arg17[%dma_wait3A_499, %dma_wait3A_500] : memref<384x8xf32, #tpu.memory_space<vmem>> -> memref<128x8xf32, #tpu.memory_space<vmem>>
          %dma_wait3A_502 = arith.constant 0 : i32
          %dma_wait3A_503 = arith.constant 0 : i32
          %dma_wait3A_504 = tpu.memref_slice %arg7[%dma_wait3A_502, %dma_wait3A_503] : memref<6280x8xf32, #tpu.memory_space<hbm>> -> memref<128x8xf32, #tpu.memory_space<hbm>>
          %dma_wait3A_505 = arith.constant 0 : i32
          %dma_wait3A_506 = arith.constant 0 : i32
          %dma_wait3A_507 = tpu.memref_slice %arg17[%dma_wait3A_505, %dma_wait3A_506] : memref<384x8xf32, #tpu.memory_space<vmem>> -> memref<128x8xf32, #tpu.memory_space<vmem>>
          %dma_wait3A_508 = arith.constant 0 : i32
          %dma_wait3A_509 = arith.constant 0 : i32
          %dma_wait3A_510 = tpu.memref_slice %arg7[%dma_wait3A_508, %dma_wait3A_509] : memref<6280x8xf32, #tpu.memory_space<hbm>> -> memref<128x8xf32, #tpu.memory_space<hbm>>
          tpu.wait_dma2 semaphore(%arg30 : memref<!tpu.dma_semaphore, #tpu.memory_space<semaphore_mem>>) src(%dma_wait3A_510 : memref<128x8xf32, #tpu.memory_space<hbm>>) dst(%dma_wait3A_507 : memref<128x8xf32, #tpu.memory_space<vmem>>)
          %dma_wait3A_511 = arith.constant 0 : i32
          %dma_wait3A_512 = arith.constant 0 : i32
          %dma_wait3A_513 = tpu.memref_slice %arg17[%dma_wait3A_511, %dma_wait3A_512] : memref<384x8xf32, #tpu.memory_space<vmem>> -> memref<128x8xf32, #tpu.memory_space<vmem>>
          %dma_wait3A_514 = arith.constant 0 : i32
          %dma_wait3A_515 = arith.constant 0 : i32
          %dma_wait3A_516 = tpu.memref_slice %arg7[%dma_wait3A_514, %dma_wait3A_515] : memref<6280x8xf32, #tpu.memory_space<hbm>> -> memref<128x8xf32, #tpu.memory_space<hbm>>
          %dma_wait3A_517 = arith.constant 0 : i32
          %dma_wait3A_518 = arith.constant 0 : i32
          %dma_wait3A_519 = tpu.memref_slice %arg17[%dma_wait3A_517, %dma_wait3A_518] : memref<384x8xf32, #tpu.memory_space<vmem>> -> memref<128x8xf32, #tpu.memory_space<vmem>>
          %dma_wait3A_520 = arith.constant 0 : i32
          %dma_wait3A_521 = arith.constant 0 : i32
          %dma_wait3A_522 = tpu.memref_slice %arg7[%dma_wait3A_520, %dma_wait3A_521] : memref<6280x8xf32, #tpu.memory_space<hbm>> -> memref<128x8xf32, #tpu.memory_space<hbm>>
          tpu.wait_dma2 semaphore(%arg30 : memref<!tpu.dma_semaphore, #tpu.memory_space<semaphore_mem>>) src(%dma_wait3A_522 : memref<128x8xf32, #tpu.memory_space<hbm>>) dst(%dma_wait3A_519 : memref<128x8xf32, #tpu.memory_space<vmem>>)
          %dma_wait3A_523 = arith.constant 0 : i32
          %dma_wait3A_524 = arith.constant 0 : i32
          %dma_wait3A_525 = tpu.memref_slice %arg17[%dma_wait3A_523, %dma_wait3A_524] : memref<384x8xf32, #tpu.memory_space<vmem>> -> memref<128x8xf32, #tpu.memory_space<vmem>>
          %dma_wait3A_526 = arith.constant 0 : i32
          %dma_wait3A_527 = arith.constant 0 : i32
          %dma_wait3A_528 = tpu.memref_slice %arg7[%dma_wait3A_526, %dma_wait3A_527] : memref<6280x8xf32, #tpu.memory_space<hbm>> -> memref<128x8xf32, #tpu.memory_space<hbm>>
          %dma_wait3A_529 = arith.constant 0 : i32
          %dma_wait3A_530 = arith.constant 0 : i32
          %dma_wait3A_531 = tpu.memref_slice %arg17[%dma_wait3A_529, %dma_wait3A_530] : memref<384x8xf32, #tpu.memory_space<vmem>> -> memref<128x8xf32, #tpu.memory_space<vmem>>
          %dma_wait3A_532 = arith.constant 0 : i32
          %dma_wait3A_533 = arith.constant 0 : i32
          %dma_wait3A_534 = tpu.memref_slice %arg7[%dma_wait3A_532, %dma_wait3A_533] : memref<6280x8xf32, #tpu.memory_space<hbm>> -> memref<128x8xf32, #tpu.memory_space<hbm>>
          tpu.wait_dma2 semaphore(%arg30 : memref<!tpu.dma_semaphore, #tpu.memory_space<semaphore_mem>>) src(%dma_wait3A_534 : memref<128x8xf32, #tpu.memory_space<hbm>>) dst(%dma_wait3A_531 : memref<128x8xf32, #tpu.memory_space<vmem>>)
          %dma_wait3A_535 = arith.constant 0 : i32
          %dma_wait3A_536 = arith.constant 0 : i32
          %dma_wait3A_537 = tpu.memref_slice %arg17[%dma_wait3A_535, %dma_wait3A_536] : memref<384x8xf32, #tpu.memory_space<vmem>> -> memref<128x8xf32, #tpu.memory_space<vmem>>
          %dma_wait3A_538 = arith.constant 0 : i32
          %dma_wait3A_539 = arith.constant 0 : i32
          %dma_wait3A_540 = tpu.memref_slice %arg7[%dma_wait3A_538, %dma_wait3A_539] : memref<6280x8xf32, #tpu.memory_space<hbm>> -> memref<128x8xf32, #tpu.memory_space<hbm>>
          %dma_wait3A_541 = arith.constant 0 : i32
          %dma_wait3A_542 = arith.constant 0 : i32
          %dma_wait3A_543 = tpu.memref_slice %arg17[%dma_wait3A_541, %dma_wait3A_542] : memref<384x8xf32, #tpu.memory_space<vmem>> -> memref<128x8xf32, #tpu.memory_space<vmem>>
          %dma_wait3A_544 = arith.constant 0 : i32
          %dma_wait3A_545 = arith.constant 0 : i32
          %dma_wait3A_546 = tpu.memref_slice %arg7[%dma_wait3A_544, %dma_wait3A_545] : memref<6280x8xf32, #tpu.memory_space<hbm>> -> memref<128x8xf32, #tpu.memory_space<hbm>>
          tpu.wait_dma2 semaphore(%arg30 : memref<!tpu.dma_semaphore, #tpu.memory_space<semaphore_mem>>) src(%dma_wait3A_546 : memref<128x8xf32, #tpu.memory_space<hbm>>) dst(%dma_wait3A_543 : memref<128x8xf32, #tpu.memory_space<vmem>>)
        } else {
        }
        %mul3A_285 = arith.constant 384 : i32
        %mul3A_286 = arith.muli %add3A_266, %mul3A_285 : i32
        %add3A_287 = arith.addi %mul3A_19, %mul3A_286 : i32
        %jit3A = arith.constant 128 : i32
        %div3A = arith.divsi %add3A_287, %jit3A : i32
        %sign3A = arith.constant 0 : i32
        %sign3A_288 = arith.cmpi sgt, %add3A_287, %sign3A : i32
        %sign3A_289 = arith.extui %sign3A_288 : i1 to i32
        %sign3A_290 = arith.constant 0 : i32
        %sign3A_291 = arith.cmpi slt, %add3A_287, %sign3A_290 : i32
        %sign3A_292 = arith.extui %sign3A_291 : i1 to i32
        %sign3A_293 = arith.subi %sign3A_289, %sign3A_292 : i32
        %sign3A_294 = arith.constant 0 : i32
        %sign3A_295 = arith.cmpi sgt, %jit3A, %sign3A_294 : i32
        %sign3A_296 = arith.extui %sign3A_295 : i1 to i32
        %sign3A_297 = arith.constant 0 : i32
        %sign3A_298 = arith.cmpi slt, %jit3A, %sign3A_297 : i32
        %sign3A_299 = arith.extui %sign3A_298 : i1 to i32
        %sign3A_300 = arith.subi %sign3A_296, %sign3A_299 : i32
        %ne3A = arith.cmpi ne, %sign3A_293, %sign3A_300 : i32
        %rem3A = arith.remsi %add3A_287, %jit3A : i32
        %ne3A_301 = arith.constant 0 : i32
        %ne3A_302 = arith.cmpi ne, %rem3A, %ne3A_301 : i32
        %and3A = arith.andi %ne3A, %ne3A_302 : i1
        %sub3A = arith.constant 1 : i32
        %sub3A_303 = arith.subi %div3A, %sub3A : i32
        %select_n3A = arith.select %and3A, %sub3A_303, %div3A : i32
        %dma_start3A_304 = arith.constant 0 : i32
        %dma_start3A_305 = tpu.memref_slice %arg5[%select_n3A, %dma_start3A_304] : memref<25056x128xi32, #tpu.memory_space<hbm>> -> memref<3x128xi32, #tpu.memory_space<hbm>>
        %dma_start3A_306 = arith.constant 0 : i32
        %dma_start3A_307 = tpu.memref_slice %arg5[%select_n3A, %dma_start3A_306] : memref<25056x128xi32, #tpu.memory_space<hbm>> -> memref<3x128xi32, #tpu.memory_space<hbm>>
        tpu.enqueue_dma source(%dma_start3A_307 : memref<3x128xi32, #tpu.memory_space<hbm>>) target(%arg15 : memref<3x128xi32, #tpu.memory_space<vmem>>) target_semaphore(%arg32 : memref<!tpu.dma_semaphore, #tpu.memory_space<semaphore_mem>>)
        %dma_start3A_308 = arith.constant 0 : i32
        %dma_start3A_309 = tpu.memref_slice %arg6[%select_n3A, %dma_start3A_308] : memref<25056x128xi32, #tpu.memory_space<hbm>> -> memref<3x128xi32, #tpu.memory_space<hbm>>
        %dma_start3A_310 = arith.constant 0 : i32
        %dma_start3A_311 = tpu.memref_slice %arg6[%select_n3A, %dma_start3A_310] : memref<25056x128xi32, #tpu.memory_space<hbm>> -> memref<3x128xi32, #tpu.memory_space<hbm>>
        tpu.enqueue_dma source(%dma_start3A_311 : memref<3x128xi32, #tpu.memory_space<hbm>>) target(%arg16 : memref<3x128xi32, #tpu.memory_space<vmem>>) target_semaphore(%arg32 : memref<!tpu.dma_semaphore, #tpu.memory_space<semaphore_mem>>)
        %dma_wait3A_312 = arith.constant 0 : i32
        %dma_wait3A_313 = tpu.memref_slice %arg2[%dma_wait3A_312] : memref<3207168xf32, #tpu.memory_space<hbm>> -> memref<384xf32, #tpu.memory_space<hbm>>
        %dma_wait3A_314 = arith.constant 0 : i32
        %dma_wait3A_315 = tpu.memref_slice %arg2[%dma_wait3A_314] : memref<3207168xf32, #tpu.memory_space<hbm>> -> memref<384xf32, #tpu.memory_space<hbm>>
        tpu.wait_dma2 semaphore(%arg28 : memref<!tpu.dma_semaphore, #tpu.memory_space<semaphore_mem>>) src(%dma_wait3A_315 : memref<384xf32, #tpu.memory_space<hbm>>) dst(%arg12 : memref<384xf32, #tpu.memory_space<vmem>>)
        %dma_wait3A_316 = arith.constant 0 : i32
        %dma_wait3A_317 = tpu.memref_slice %arg3[%dma_wait3A_316] : memref<3207168xf32, #tpu.memory_space<hbm>> -> memref<384xf32, #tpu.memory_space<hbm>>
        %dma_wait3A_318 = arith.constant 0 : i32
        %dma_wait3A_319 = tpu.memref_slice %arg3[%dma_wait3A_318] : memref<3207168xf32, #tpu.memory_space<hbm>> -> memref<384xf32, #tpu.memory_space<hbm>>
        tpu.wait_dma2 semaphore(%arg28 : memref<!tpu.dma_semaphore, #tpu.memory_space<semaphore_mem>>) src(%dma_wait3A_319 : memref<384xf32, #tpu.memory_space<hbm>>) dst(%arg13 : memref<384xf32, #tpu.memory_space<vmem>>)
        %dma_wait3A_320 = arith.constant 0 : i32
        %dma_wait3A_321 = tpu.memref_slice %arg4[%dma_wait3A_320] : memref<3207168xf32, #tpu.memory_space<hbm>> -> memref<384xf32, #tpu.memory_space<hbm>>
        %dma_wait3A_322 = arith.constant 0 : i32
        %dma_wait3A_323 = tpu.memref_slice %arg4[%dma_wait3A_322] : memref<3207168xf32, #tpu.memory_space<hbm>> -> memref<384xf32, #tpu.memory_space<hbm>>
        tpu.wait_dma2 semaphore(%arg28 : memref<!tpu.dma_semaphore, #tpu.memory_space<semaphore_mem>>) src(%dma_wait3A_323 : memref<384xf32, #tpu.memory_space<hbm>>) dst(%arg14 : memref<384xf32, #tpu.memory_space<vmem>>)
        %scan3A_324 = arith.constant 0 : i32
        %scan3A_325 = arith.constant 0 : i32
        %scan3A_326 = arith.constant 24 : i32
        %scan3A_327 = arith.addi %scan3A_325, %scan3A_326 : i32
        %scan3A_328 = arith.constant 4 : i32
        scf.for %scan3A_439 = %scan3A_325 to %scan3A_327 step %scan3A_328  : i32 {
          %mul3A_440 = arith.constant 16 : i32
          %mul3A_441 = arith.muli %scan3A_439, %mul3A_440 : i32
          %add3A_442 = vector.broadcast %mul3A_441 : i32 to vector<16xi32>
          %add3A_443 = arith.addi %add3A_442, %iota3A : vector<16xi32>
          %gather3A = tpu.vector_load_idx %arg12[%add3A_443] : memref<384xf32, #tpu.memory_space<vmem>>[vector<16xi32>], vector<16xf32>,
          %gather3A_444 = tpu.vector_load_idx %arg13[%add3A_443] : memref<384xf32, #tpu.memory_space<vmem>>[vector<16xi32>], vector<16xf32>,
          %gather3A_445 = tpu.vector_load_idx %arg14[%add3A_443] : memref<384xf32, #tpu.memory_space<vmem>>[vector<16xi32>], vector<16xf32>,
          tpu.vector_store_idx %arg17[%add3A_443, %broadcast_in_dim3A_3], %gather3A : memref<384x8xf32, #tpu.memory_space<vmem>>[vector<16xi32>, vector<16xi32>], vector<16xf32>,
          tpu.vector_store_idx %arg17[%add3A_443, %broadcast_in_dim3A_5], %gather3A_444 : memref<384x8xf32, #tpu.memory_space<vmem>>[vector<16xi32>, vector<16xi32>], vector<16xf32>,
          tpu.vector_store_idx %arg17[%add3A_443, %broadcast_in_dim3A_7], %gather3A_445 : memref<384x8xf32, #tpu.memory_space<vmem>>[vector<16xi32>, vector<16xi32>], vector<16xf32>,
          %mul3A_446 = arith.mulf %gather3A, %broadcast_in_dim3A_15 : vector<16xf32>
          tpu.vector_store_idx %arg18[%add3A_443, %broadcast_in_dim3A_3], %mul3A_446 : memref<384x8xf32, #tpu.memory_space<vmem>>[vector<16xi32>, vector<16xi32>], vector<16xf32>,
          %mul3A_447 = arith.mulf %gather3A_444, %broadcast_in_dim3A_15 : vector<16xf32>
          tpu.vector_store_idx %arg18[%add3A_443, %broadcast_in_dim3A_5], %mul3A_447 : memref<384x8xf32, #tpu.memory_space<vmem>>[vector<16xi32>, vector<16xi32>], vector<16xf32>,
          %mul3A_448 = arith.mulf %gather3A_445, %broadcast_in_dim3A_15 : vector<16xf32>
          tpu.vector_store_idx %arg18[%add3A_443, %broadcast_in_dim3A_7], %mul3A_448 : memref<384x8xf32, #tpu.memory_space<vmem>>[vector<16xi32>, vector<16xi32>], vector<16xf32>,
          %mul3A_449 = arith.mulf %gather3A, %gather3A : vector<16xf32>
          tpu.vector_store_idx %arg19[%add3A_443, %broadcast_in_dim3A_3], %mul3A_449 : memref<384x8xf32, #tpu.memory_space<vmem>>[vector<16xi32>, vector<16xi32>], vector<16xf32>,
          %mul3A_450 = arith.mulf %gather3A_444, %gather3A_444 : vector<16xf32>
          tpu.vector_store_idx %arg19[%add3A_443, %broadcast_in_dim3A_5], %mul3A_450 : memref<384x8xf32, #tpu.memory_space<vmem>>[vector<16xi32>, vector<16xi32>], vector<16xf32>,
          %mul3A_451 = arith.mulf %gather3A_445, %gather3A_445 : vector<16xf32>
          tpu.vector_store_idx %arg19[%add3A_443, %broadcast_in_dim3A_7], %mul3A_451 : memref<384x8xf32, #tpu.memory_space<vmem>>[vector<16xi32>, vector<16xi32>], vector<16xf32>,
          %mul3A_452 = arith.mulf %gather3A, %gather3A_444 : vector<16xf32>
          tpu.vector_store_idx %arg19[%add3A_443, %broadcast_in_dim3A_9], %mul3A_452 : memref<384x8xf32, #tpu.memory_space<vmem>>[vector<16xi32>, vector<16xi32>], vector<16xf32>,
          %mul3A_453 = arith.mulf %gather3A_444, %gather3A_445 : vector<16xf32>
          tpu.vector_store_idx %arg19[%add3A_443, %broadcast_in_dim3A_11], %mul3A_453 : memref<384x8xf32, #tpu.memory_space<vmem>>[vector<16xi32>, vector<16xi32>], vector<16xf32>,
          %mul3A_454 = arith.mulf %gather3A_445, %gather3A : vector<16xf32>
          tpu.vector_store_idx %arg19[%add3A_443, %broadcast_in_dim3A_13], %mul3A_454 : memref<384x8xf32, #tpu.memory_space<vmem>>[vector<16xi32>, vector<16xi32>], vector<16xf32>,
          %scan3A_455 = arith.constant 1 : i32
          %scan3A_456 = arith.addi %scan3A_439, %scan3A_455 : i32
          %mul3A_457 = arith.constant 16 : i32
          %mul3A_458 = arith.muli %scan3A_456, %mul3A_457 : i32
          %add3A_459 = vector.broadcast %mul3A_458 : i32 to vector<16xi32>
          %add3A_460 = arith.addi %add3A_459, %iota3A : vector<16xi32>
          %gather3A_461 = tpu.vector_load_idx %arg12[%add3A_460] : memref<384xf32, #tpu.memory_space<vmem>>[vector<16xi32>], vector<16xf32>,
          %gather3A_462 = tpu.vector_load_idx %arg13[%add3A_460] : memref<384xf32, #tpu.memory_space<vmem>>[vector<16xi32>], vector<16xf32>,
          %gather3A_463 = tpu.vector_load_idx %arg14[%add3A_460] : memref<384xf32, #tpu.memory_space<vmem>>[vector<16xi32>], vector<16xf32>,
          tpu.vector_store_idx %arg17[%add3A_460, %broadcast_in_dim3A_3], %gather3A_461 : memref<384x8xf32, #tpu.memory_space<vmem>>[vector<16xi32>, vector<16xi32>], vector<16xf32>,
          tpu.vector_store_idx %arg17[%add3A_460, %broadcast_in_dim3A_5], %gather3A_462 : memref<384x8xf32, #tpu.memory_space<vmem>>[vector<16xi32>, vector<16xi32>], vector<16xf32>,
          tpu.vector_store_idx %arg17[%add3A_460, %broadcast_in_dim3A_7], %gather3A_463 : memref<384x8xf32, #tpu.memory_space<vmem>>[vector<16xi32>, vector<16xi32>], vector<16xf32>,
          %mul3A_464 = arith.mulf %gather3A_461, %broadcast_in_dim3A_15 : vector<16xf32>
          tpu.vector_store_idx %arg18[%add3A_460, %broadcast_in_dim3A_3], %mul3A_464 : memref<384x8xf32, #tpu.memory_space<vmem>>[vector<16xi32>, vector<16xi32>], vector<16xf32>,
          %mul3A_465 = arith.mulf %gather3A_462, %broadcast_in_dim3A_15 : vector<16xf32>
          tpu.vector_store_idx %arg18[%add3A_460, %broadcast_in_dim3A_5], %mul3A_465 : memref<384x8xf32, #tpu.memory_space<vmem>>[vector<16xi32>, vector<16xi32>], vector<16xf32>,
          %mul3A_466 = arith.mulf %gather3A_463, %broadcast_in_dim3A_15 : vector<16xf32>
          tpu.vector_store_idx %arg18[%add3A_460, %broadcast_in_dim3A_7], %mul3A_466 : memref<384x8xf32, #tpu.memory_space<vmem>>[vector<16xi32>, vector<16xi32>], vector<16xf32>,
          %mul3A_467 = arith.mulf %gather3A_461, %gather3A_461 : vector<16xf32>
          tpu.vector_store_idx %arg19[%add3A_460, %broadcast_in_dim3A_3], %mul3A_467 : memref<384x8xf32, #tpu.memory_space<vmem>>[vector<16xi32>, vector<16xi32>], vector<16xf32>,
          %mul3A_468 = arith.mulf %gather3A_462, %gather3A_462 : vector<16xf32>
          tpu.vector_store_idx %arg19[%add3A_460, %broadcast_in_dim3A_5], %mul3A_468 : memref<384x8xf32, #tpu.memory_space<vmem>>[vector<16xi32>, vector<16xi32>], vector<16xf32>,
          %mul3A_469 = arith.mulf %gather3A_463, %gather3A_463 : vector<16xf32>
          tpu.vector_store_idx %arg19[%add3A_460, %broadcast_in_dim3A_7], %mul3A_469 : memref<384x8xf32, #tpu.memory_space<vmem>>[vector<16xi32>, vector<16xi32>], vector<16xf32>,
          %mul3A_470 = arith.mulf %gather3A_461, %gather3A_462 : vector<16xf32>
          tpu.vector_store_idx %arg19[%add3A_460, %broadcast_in_dim3A_9], %mul3A_470 : memref<384x8xf32, #tpu.memory_space<vmem>>[vector<16xi32>, vector<16xi32>], vector<16xf32>,
          %mul3A_471 = arith.mulf %gather3A_462, %gather3A_463 : vector<16xf32>
          tpu.vector_store_idx %arg19[%add3A_460, %broadcast_in_dim3A_11], %mul3A_471 : memref<384x8xf32, #tpu.memory_space<vmem>>[vector<16xi32>, vector<16xi32>], vector<16xf32>,
          %mul3A_472 = arith.mulf %gather3A_463, %gather3A_461 : vector<16xf32>
          tpu.vector_store_idx %arg19[%add3A_460, %broadcast_in_dim3A_13], %mul3A_472 : memref<384x8xf32, #tpu.memory_space<vmem>>[vector<16xi32>, vector<16xi32>], vector<16xf32>,
          %scan3A_473 = arith.constant 2 : i32
          %scan3A_474 = arith.addi %scan3A_439, %scan3A_473 : i32
          %mul3A_475 = arith.constant 16 : i32
          %mul3A_476 = arith.muli %scan3A_474, %mul3A_475 : i32
          %add3A_477 = vector.broadcast %mul3A_476 : i32 to vector<16xi32>
          %add3A_478 = arith.addi %add3A_477, %iota3A : vector<16xi32>
          %gather3A_479 = tpu.vector_load_idx %arg12[%add3A_478] : memref<384xf32, #tpu.memory_space<vmem>>[vector<16xi32>], vector<16xf32>,
          %gather3A_480 = tpu.vector_load_idx %arg13[%add3A_478] : memref<384xf32, #tpu.memory_space<vmem>>[vector<16xi32>], vector<16xf32>,
          %gather3A_481 = tpu.vector_load_idx %arg14[%add3A_478] : memref<384xf32, #tpu.memory_space<vmem>>[vector<16xi32>], vector<16xf32>,
          tpu.vector_store_idx %arg17[%add3A_478, %broadcast_in_dim3A_3], %gather3A_479 : memref<384x8xf32, #tpu.memory_space<vmem>>[vector<16xi32>, vector<16xi32>], vector<16xf32>,
          tpu.vector_store_idx %arg17[%add3A_478, %broadcast_in_dim3A_5], %gather3A_480 : memref<384x8xf32, #tpu.memory_space<vmem>>[vector<16xi32>, vector<16xi32>], vector<16xf32>,
          tpu.vector_store_idx %arg17[%add3A_478, %broadcast_in_dim3A_7], %gather3A_481 : memref<384x8xf32, #tpu.memory_space<vmem>>[vector<16xi32>, vector<16xi32>], vector<16xf32>,
          %mul3A_482 = arith.mulf %gather3A_479, %broadcast_in_dim3A_15 : vector<16xf32>
          tpu.vector_store_idx %arg18[%add3A_478, %broadcast_in_dim3A_3], %mul3A_482 : memref<384x8xf32, #tpu.memory_space<vmem>>[vector<16xi32>, vector<16xi32>], vector<16xf32>,
          %mul3A_483 = arith.mulf %gather3A_480, %broadcast_in_dim3A_15 : vector<16xf32>
          tpu.vector_store_idx %arg18[%add3A_478, %broadcast_in_dim3A_5], %mul3A_483 : memref<384x8xf32, #tpu.memory_space<vmem>>[vector<16xi32>, vector<16xi32>], vector<16xf32>,
          %mul3A_484 = arith.mulf %gather3A_481, %broadcast_in_dim3A_15 : vector<16xf32>
          tpu.vector_store_idx %arg18[%add3A_478, %broadcast_in_dim3A_7], %mul3A_484 : memref<384x8xf32, #tpu.memory_space<vmem>>[vector<16xi32>, vector<16xi32>], vector<16xf32>,
          %mul3A_485 = arith.mulf %gather3A_479, %gather3A_479 : vector<16xf32>
          tpu.vector_store_idx %arg19[%add3A_478, %broadcast_in_dim3A_3], %mul3A_485 : memref<384x8xf32, #tpu.memory_space<vmem>>[vector<16xi32>, vector<16xi32>], vector<16xf32>,
          %mul3A_486 = arith.mulf %gather3A_480, %gather3A_480 : vector<16xf32>
          tpu.vector_store_idx %arg19[%add3A_478, %broadcast_in_dim3A_5], %mul3A_486 : memref<384x8xf32, #tpu.memory_space<vmem>>[vector<16xi32>, vector<16xi32>], vector<16xf32>,
          %mul3A_487 = arith.mulf %gather3A_481, %gather3A_481 : vector<16xf32>
          tpu.vector_store_idx %arg19[%add3A_478, %broadcast_in_dim3A_7], %mul3A_487 : memref<384x8xf32, #tpu.memory_space<vmem>>[vector<16xi32>, vector<16xi32>], vector<16xf32>,
          %mul3A_488 = arith.mulf %gather3A_479, %gather3A_480 : vector<16xf32>
          tpu.vector_store_idx %arg19[%add3A_478, %broadcast_in_dim3A_9], %mul3A_488 : memref<384x8xf32, #tpu.memory_space<vmem>>[vector<16xi32>, vector<16xi32>], vector<16xf32>,
          %mul3A_489 = arith.mulf %gather3A_480, %gather3A_481 : vector<16xf32>
          tpu.vector_store_idx %arg19[%add3A_478, %broadcast_in_dim3A_11], %mul3A_489 : memref<384x8xf32, #tpu.memory_space<vmem>>[vector<16xi32>, vector<16xi32>], vector<16xf32>,
          %mul3A_490 = arith.mulf %gather3A_481, %gather3A_479 : vector<16xf32>
          tpu.vector_store_idx %arg19[%add3A_478, %broadcast_in_dim3A_13], %mul3A_490 : memref<384x8xf32, #tpu.memory_space<vmem>>[vector<16xi32>, vector<16xi32>], vector<16xf32>,
          %scan3A_491 = arith.constant 3 : i32
          %scan3A_492 = arith.addi %scan3A_439, %scan3A_491 : i32
          %mul3A_493 = arith.constant 16 : i32
          %mul3A_494 = arith.muli %scan3A_492, %mul3A_493 : i32
          %add3A_495 = vector.broadcast %mul3A_494 : i32 to vector<16xi32>
          %add3A_496 = arith.addi %add3A_495, %iota3A : vector<16xi32>
          %gather3A_497 = tpu.vector_load_idx %arg12[%add3A_496] : memref<384xf32, #tpu.memory_space<vmem>>[vector<16xi32>], vector<16xf32>,
          %gather3A_498 = tpu.vector_load_idx %arg13[%add3A_496] : memref<384xf32, #tpu.memory_space<vmem>>[vector<16xi32>], vector<16xf32>,
          %gather3A_499 = tpu.vector_load_idx %arg14[%add3A_496] : memref<384xf32, #tpu.memory_space<vmem>>[vector<16xi32>], vector<16xf32>,
          tpu.vector_store_idx %arg17[%add3A_496, %broadcast_in_dim3A_3], %gather3A_497 : memref<384x8xf32, #tpu.memory_space<vmem>>[vector<16xi32>, vector<16xi32>], vector<16xf32>,
          tpu.vector_store_idx %arg17[%add3A_496, %broadcast_in_dim3A_5], %gather3A_498 : memref<384x8xf32, #tpu.memory_space<vmem>>[vector<16xi32>, vector<16xi32>], vector<16xf32>,
          tpu.vector_store_idx %arg17[%add3A_496, %broadcast_in_dim3A_7], %gather3A_499 : memref<384x8xf32, #tpu.memory_space<vmem>>[vector<16xi32>, vector<16xi32>], vector<16xf32>,
          %mul3A_500 = arith.mulf %gather3A_497, %broadcast_in_dim3A_15 : vector<16xf32>
          tpu.vector_store_idx %arg18[%add3A_496, %broadcast_in_dim3A_3], %mul3A_500 : memref<384x8xf32, #tpu.memory_space<vmem>>[vector<16xi32>, vector<16xi32>], vector<16xf32>,
          %mul3A_501 = arith.mulf %gather3A_498, %broadcast_in_dim3A_15 : vector<16xf32>
          tpu.vector_store_idx %arg18[%add3A_496, %broadcast_in_dim3A_5], %mul3A_501 : memref<384x8xf32, #tpu.memory_space<vmem>>[vector<16xi32>, vector<16xi32>], vector<16xf32>,
          %mul3A_502 = arith.mulf %gather3A_499, %broadcast_in_dim3A_15 : vector<16xf32>
          tpu.vector_store_idx %arg18[%add3A_496, %broadcast_in_dim3A_7], %mul3A_502 : memref<384x8xf32, #tpu.memory_space<vmem>>[vector<16xi32>, vector<16xi32>], vector<16xf32>,
          %mul3A_503 = arith.mulf %gather3A_497, %gather3A_497 : vector<16xf32>
          tpu.vector_store_idx %arg19[%add3A_496, %broadcast_in_dim3A_3], %mul3A_503 : memref<384x8xf32, #tpu.memory_space<vmem>>[vector<16xi32>, vector<16xi32>], vector<16xf32>,
          %mul3A_504 = arith.mulf %gather3A_498, %gather3A_498 : vector<16xf32>
          tpu.vector_store_idx %arg19[%add3A_496, %broadcast_in_dim3A_5], %mul3A_504 : memref<384x8xf32, #tpu.memory_space<vmem>>[vector<16xi32>, vector<16xi32>], vector<16xf32>,
          %mul3A_505 = arith.mulf %gather3A_499, %gather3A_499 : vector<16xf32>
          tpu.vector_store_idx %arg19[%add3A_496, %broadcast_in_dim3A_7], %mul3A_505 : memref<384x8xf32, #tpu.memory_space<vmem>>[vector<16xi32>, vector<16xi32>], vector<16xf32>,
          %mul3A_506 = arith.mulf %gather3A_497, %gather3A_498 : vector<16xf32>
          tpu.vector_store_idx %arg19[%add3A_496, %broadcast_in_dim3A_9], %mul3A_506 : memref<384x8xf32, #tpu.memory_space<vmem>>[vector<16xi32>, vector<16xi32>], vector<16xf32>,
          %mul3A_507 = arith.mulf %gather3A_498, %gather3A_499 : vector<16xf32>
          tpu.vector_store_idx %arg19[%add3A_496, %broadcast_in_dim3A_11], %mul3A_507 : memref<384x8xf32, #tpu.memory_space<vmem>>[vector<16xi32>, vector<16xi32>], vector<16xf32>,
          %mul3A_508 = arith.mulf %gather3A_499, %gather3A_497 : vector<16xf32>
          tpu.vector_store_idx %arg19[%add3A_496, %broadcast_in_dim3A_13], %mul3A_508 : memref<384x8xf32, #tpu.memory_space<vmem>>[vector<16xi32>, vector<16xi32>], vector<16xf32>,
        }
        %scan3A_329 = arith.constant 24 : i32
        %dma_wait3A_330 = arith.constant 0 : i32
        %dma_wait3A_331 = arith.constant 0 : i32
        %dma_wait3A_332 = tpu.memref_slice %arg5[%dma_wait3A_330, %dma_wait3A_331] : memref<25056x128xi32, #tpu.memory_space<hbm>> -> memref<3x128xi32, #tpu.memory_space<hbm>>
        %dma_wait3A_333 = arith.constant 0 : i32
        %dma_wait3A_334 = arith.constant 0 : i32
        %dma_wait3A_335 = tpu.memref_slice %arg5[%dma_wait3A_333, %dma_wait3A_334] : memref<25056x128xi32, #tpu.memory_space<hbm>> -> memref<3x128xi32, #tpu.memory_space<hbm>>
        tpu.wait_dma2 semaphore(%arg32 : memref<!tpu.dma_semaphore, #tpu.memory_space<semaphore_mem>>) src(%dma_wait3A_335 : memref<3x128xi32, #tpu.memory_space<hbm>>) dst(%arg15 : memref<3x128xi32, #tpu.memory_space<vmem>>)
        %dma_wait3A_336 = arith.constant 0 : i32
        %dma_wait3A_337 = arith.constant 0 : i32
        %dma_wait3A_338 = tpu.memref_slice %arg6[%dma_wait3A_336, %dma_wait3A_337] : memref<25056x128xi32, #tpu.memory_space<hbm>> -> memref<3x128xi32, #tpu.memory_space<hbm>>
        %dma_wait3A_339 = arith.constant 0 : i32
        %dma_wait3A_340 = arith.constant 0 : i32
        %dma_wait3A_341 = tpu.memref_slice %arg6[%dma_wait3A_339, %dma_wait3A_340] : memref<25056x128xi32, #tpu.memory_space<hbm>> -> memref<3x128xi32, #tpu.memory_space<hbm>>
        tpu.wait_dma2 semaphore(%arg32 : memref<!tpu.dma_semaphore, #tpu.memory_space<semaphore_mem>>) src(%dma_wait3A_341 : memref<3x128xi32, #tpu.memory_space<hbm>>) dst(%arg16 : memref<3x128xi32, #tpu.memory_space<vmem>>)
        %dma_start3A_342 = arith.constant 0 : i32
        %dma_start3A_343 = arith.constant 0 : i32
        %dma_start3A_344 = arith.constant 0 : i32
        %dma_start3A_345 = tpu.memref_slice %arg17[%dma_start3A_343, %dma_start3A_344] : memref<384x8xf32, #tpu.memory_space<vmem>> -> memref<128x8xf32, #tpu.memory_space<vmem>>
        %dma_start3A_346 = arith.constant 0 : i32
        %dma_start3A_347 = tpu.memref_slice %arg15[%dma_start3A_342, %dma_start3A_346] : memref<3x128xi32, #tpu.memory_space<vmem>> -> memref<1x128xi32, #tpu.memory_space<vmem>>
        %dma_start3A_348 = tpu.memref_squeeze %dma_start3A_347 : memref<1x128xi32, #tpu.memory_space<vmem>> -> memref<128xi32, #tpu.memory_space<vmem>>
        %dma_start3A_349 = arith.constant 0 : i32
        %dma_start3A_350 = arith.constant 0 : i32
        %dma_start3A_351 = tpu.memref_slice %arg10[%dma_start3A_349, %dma_start3A_350] : memref<100000x8xf32, #tpu.memory_space<vmem_shared>> -> memref<100000x8xf32, #tpu.memory_space<vmem_shared>>
        tpu.enqueue_indirect_dma source(%dma_start3A_345 : memref<128x8xf32, #tpu.memory_space<vmem>>) target(%dma_start3A_351 : memref<100000x8xf32, #tpu.memory_space<vmem_shared>>) offsets(%dma_start3A_348 : memref<128xi32, #tpu.memory_space<vmem>>) semaphore(%arg30 : memref<!tpu.dma_semaphore, #tpu.memory_space<semaphore_mem>>) {add = true}
        %dma_start3A_352 = arith.constant 0 : i32
        %dma_start3A_353 = arith.constant 0 : i32
        %dma_start3A_354 = arith.constant 0 : i32
        %dma_start3A_355 = tpu.memref_slice %arg18[%dma_start3A_353, %dma_start3A_354] : memref<384x8xf32, #tpu.memory_space<vmem>> -> memref<128x8xf32, #tpu.memory_space<vmem>>
        %dma_start3A_356 = arith.constant 0 : i32
        %dma_start3A_357 = tpu.memref_slice %arg16[%dma_start3A_352, %dma_start3A_356] : memref<3x128xi32, #tpu.memory_space<vmem>> -> memref<1x128xi32, #tpu.memory_space<vmem>>
        %dma_start3A_358 = tpu.memref_squeeze %dma_start3A_357 : memref<1x128xi32, #tpu.memory_space<vmem>> -> memref<128xi32, #tpu.memory_space<vmem>>
        %dma_start3A_359 = arith.constant 0 : i32
        %dma_start3A_360 = arith.constant 0 : i32
        %dma_start3A_361 = tpu.memref_slice %arg10[%dma_start3A_359, %dma_start3A_360] : memref<100000x8xf32, #tpu.memory_space<vmem_shared>> -> memref<100000x8xf32, #tpu.memory_space<vmem_shared>>
        tpu.enqueue_indirect_dma source(%dma_start3A_355 : memref<128x8xf32, #tpu.memory_space<vmem>>) target(%dma_start3A_361 : memref<100000x8xf32, #tpu.memory_space<vmem_shared>>) offsets(%dma_start3A_358 : memref<128xi32, #tpu.memory_space<vmem>>) semaphore(%arg30 : memref<!tpu.dma_semaphore, #tpu.memory_space<semaphore_mem>>) {add = true}
        %dma_start3A_362 = arith.constant 0 : i32
        %dma_start3A_363 = arith.constant 0 : i32
        %dma_start3A_364 = arith.constant 0 : i32
        %dma_start3A_365 = tpu.memref_slice %arg19[%dma_start3A_363, %dma_start3A_364] : memref<384x8xf32, #tpu.memory_space<vmem>> -> memref<128x8xf32, #tpu.memory_space<vmem>>
        %dma_start3A_366 = arith.constant 0 : i32
        %dma_start3A_367 = tpu.memref_slice %arg16[%dma_start3A_362, %dma_start3A_366] : memref<3x128xi32, #tpu.memory_space<vmem>> -> memref<1x128xi32, #tpu.memory_space<vmem>>
        %dma_start3A_368 = tpu.memref_squeeze %dma_start3A_367 : memref<1x128xi32, #tpu.memory_space<vmem>> -> memref<128xi32, #tpu.memory_space<vmem>>
        %dma_start3A_369 = arith.constant 0 : i32
        %dma_start3A_370 = arith.constant 0 : i32
        %dma_start3A_371 = tpu.memref_slice %arg11[%dma_start3A_369, %dma_start3A_370] : memref<100000x8xf32, #tpu.memory_space<vmem_shared>> -> memref<100000x8xf32, #tpu.memory_space<vmem_shared>>
        tpu.enqueue_indirect_dma source(%dma_start3A_365 : memref<128x8xf32, #tpu.memory_space<vmem>>) target(%dma_start3A_371 : memref<100000x8xf32, #tpu.memory_space<vmem_shared>>) offsets(%dma_start3A_368 : memref<128xi32, #tpu.memory_space<vmem>>) semaphore(%arg30 : memref<!tpu.dma_semaphore, #tpu.memory_space<semaphore_mem>>) {add = true}
        %dma_start3A_372 = arith.constant 1 : i32
        %dma_start3A_373 = arith.constant 128 : i32
        %dma_start3A_374 = arith.constant 0 : i32
        %dma_start3A_375 = tpu.memref_slice %arg17[%dma_start3A_373, %dma_start3A_374] : memref<384x8xf32, #tpu.memory_space<vmem>> -> memref<128x8xf32, #tpu.memory_space<vmem>>
        %dma_start3A_376 = arith.constant 0 : i32
        %dma_start3A_377 = tpu.memref_slice %arg15[%dma_start3A_372, %dma_start3A_376] : memref<3x128xi32, #tpu.memory_space<vmem>> -> memref<1x128xi32, #tpu.memory_space<vmem>>
        %dma_start3A_378 = tpu.memref_squeeze %dma_start3A_377 : memref<1x128xi32, #tpu.memory_space<vmem>> -> memref<128xi32, #tpu.memory_space<vmem>>
        %dma_start3A_379 = arith.constant 0 : i32
        %dma_start3A_380 = arith.constant 0 : i32
        %dma_start3A_381 = tpu.memref_slice %arg10[%dma_start3A_379, %dma_start3A_380] : memref<100000x8xf32, #tpu.memory_space<vmem_shared>> -> memref<100000x8xf32, #tpu.memory_space<vmem_shared>>
        tpu.enqueue_indirect_dma source(%dma_start3A_375 : memref<128x8xf32, #tpu.memory_space<vmem>>) target(%dma_start3A_381 : memref<100000x8xf32, #tpu.memory_space<vmem_shared>>) offsets(%dma_start3A_378 : memref<128xi32, #tpu.memory_space<vmem>>) semaphore(%arg30 : memref<!tpu.dma_semaphore, #tpu.memory_space<semaphore_mem>>) {add = true}
        %dma_start3A_382 = arith.constant 1 : i32
        %dma_start3A_383 = arith.constant 128 : i32
        %dma_start3A_384 = arith.constant 0 : i32
        %dma_start3A_385 = tpu.memref_slice %arg18[%dma_start3A_383, %dma_start3A_384] : memref<384x8xf32, #tpu.memory_space<vmem>> -> memref<128x8xf32, #tpu.memory_space<vmem>>
        %dma_start3A_386 = arith.constant 0 : i32
        %dma_start3A_387 = tpu.memref_slice %arg16[%dma_start3A_382, %dma_start3A_386] : memref<3x128xi32, #tpu.memory_space<vmem>> -> memref<1x128xi32, #tpu.memory_space<vmem>>
        %dma_start3A_388 = tpu.memref_squeeze %dma_start3A_387 : memref<1x128xi32, #tpu.memory_space<vmem>> -> memref<128xi32, #tpu.memory_space<vmem>>
        %dma_start3A_389 = arith.constant 0 : i32
        %dma_start3A_390 = arith.constant 0 : i32
        %dma_start3A_391 = tpu.memref_slice %arg10[%dma_start3A_389, %dma_start3A_390] : memref<100000x8xf32, #tpu.memory_space<vmem_shared>> -> memref<100000x8xf32, #tpu.memory_space<vmem_shared>>
        tpu.enqueue_indirect_dma source(%dma_start3A_385 : memref<128x8xf32, #tpu.memory_space<vmem>>) target(%dma_start3A_391 : memref<100000x8xf32, #tpu.memory_space<vmem_shared>>) offsets(%dma_start3A_388 : memref<128xi32, #tpu.memory_space<vmem>>) semaphore(%arg30 : memref<!tpu.dma_semaphore, #tpu.memory_space<semaphore_mem>>) {add = true}
        %dma_start3A_392 = arith.constant 1 : i32
        %dma_start3A_393 = arith.constant 128 : i32
        %dma_start3A_394 = arith.constant 0 : i32
        %dma_start3A_395 = tpu.memref_slice %arg19[%dma_start3A_393, %dma_start3A_394] : memref<384x8xf32, #tpu.memory_space<vmem>> -> memref<128x8xf32, #tpu.memory_space<vmem>>
        %dma_start3A_396 = arith.constant 0 : i32
        %dma_start3A_397 = tpu.memref_slice %arg16[%dma_start3A_392, %dma_start3A_396] : memref<3x128xi32, #tpu.memory_space<vmem>> -> memref<1x128xi32, #tpu.memory_space<vmem>>
        %dma_start3A_398 = tpu.memref_squeeze %dma_start3A_397 : memref<1x128xi32, #tpu.memory_space<vmem>> -> memref<128xi32, #tpu.memory_space<vmem>>
        %dma_start3A_399 = arith.constant 0 : i32
        %dma_start3A_400 = arith.constant 0 : i32
        %dma_start3A_401 = tpu.memref_slice %arg11[%dma_start3A_399, %dma_start3A_400] : memref<100000x8xf32, #tpu.memory_space<vmem_shared>> -> memref<100000x8xf32, #tpu.memory_space<vmem_shared>>
        tpu.enqueue_indirect_dma source(%dma_start3A_395 : memref<128x8xf32, #tpu.memory_space<vmem>>) target(%dma_start3A_401 : memref<100000x8xf32, #tpu.memory_space<vmem_shared>>) offsets(%dma_start3A_398 : memref<128xi32, #tpu.memory_space<vmem>>) semaphore(%arg30 : memref<!tpu.dma_semaphore, #tpu.memory_space<semaphore_mem>>) {add = true}
        %dma_start3A_402 = arith.constant 2 : i32
        %dma_start3A_403 = arith.constant 256 : i32
        %dma_start3A_404 = arith.constant 0 : i32
        %dma_start3A_405 = tpu.memref_slice %arg17[%dma_start3A_403, %dma_start3A_404] : memref<384x8xf32, #tpu.memory_space<vmem>> -> memref<128x8xf32, #tpu.memory_space<vmem>>
        %dma_start3A_406 = arith.constant 0 : i32
        %dma_start3A_407 = tpu.memref_slice %arg15[%dma_start3A_402, %dma_start3A_406] : memref<3x128xi32, #tpu.memory_space<vmem>> -> memref<1x128xi32, #tpu.memory_space<vmem>>
        %dma_start3A_408 = tpu.memref_squeeze %dma_start3A_407 : memref<1x128xi32, #tpu.memory_space<vmem>> -> memref<128xi32, #tpu.memory_space<vmem>>
        %dma_start3A_409 = arith.constant 0 : i32
        %dma_start3A_410 = arith.constant 0 : i32
        %dma_start3A_411 = tpu.memref_slice %arg10[%dma_start3A_409, %dma_start3A_410] : memref<100000x8xf32, #tpu.memory_space<vmem_shared>> -> memref<100000x8xf32, #tpu.memory_space<vmem_shared>>
        tpu.enqueue_indirect_dma source(%dma_start3A_405 : memref<128x8xf32, #tpu.memory_space<vmem>>) target(%dma_start3A_411 : memref<100000x8xf32, #tpu.memory_space<vmem_shared>>) offsets(%dma_start3A_408 : memref<128xi32, #tpu.memory_space<vmem>>) semaphore(%arg30 : memref<!tpu.dma_semaphore, #tpu.memory_space<semaphore_mem>>) {add = true}
        %dma_start3A_412 = arith.constant 2 : i32
        %dma_start3A_413 = arith.constant 256 : i32
        %dma_start3A_414 = arith.constant 0 : i32
        %dma_start3A_415 = tpu.memref_slice %arg18[%dma_start3A_413, %dma_start3A_414] : memref<384x8xf32, #tpu.memory_space<vmem>> -> memref<128x8xf32, #tpu.memory_space<vmem>>
        %dma_start3A_416 = arith.constant 0 : i32
        %dma_start3A_417 = tpu.memref_slice %arg16[%dma_start3A_412, %dma_start3A_416] : memref<3x128xi32, #tpu.memory_space<vmem>> -> memref<1x128xi32, #tpu.memory_space<vmem>>
        %dma_start3A_418 = tpu.memref_squeeze %dma_start3A_417 : memref<1x128xi32, #tpu.memory_space<vmem>> -> memref<128xi32, #tpu.memory_space<vmem>>
        %dma_start3A_419 = arith.constant 0 : i32
        %dma_start3A_420 = arith.constant 0 : i32
        %dma_start3A_421 = tpu.memref_slice %arg10[%dma_start3A_419, %dma_start3A_420] : memref<100000x8xf32, #tpu.memory_space<vmem_shared>> -> memref<100000x8xf32, #tpu.memory_space<vmem_shared>>
        tpu.enqueue_indirect_dma source(%dma_start3A_415 : memref<128x8xf32, #tpu.memory_space<vmem>>) target(%dma_start3A_421 : memref<100000x8xf32, #tpu.memory_space<vmem_shared>>) offsets(%dma_start3A_418 : memref<128xi32, #tpu.memory_space<vmem>>) semaphore(%arg30 : memref<!tpu.dma_semaphore, #tpu.memory_space<semaphore_mem>>) {add = true}
        %dma_start3A_422 = arith.constant 2 : i32
        %dma_start3A_423 = arith.constant 256 : i32
        %dma_start3A_424 = arith.constant 0 : i32
        %dma_start3A_425 = tpu.memref_slice %arg19[%dma_start3A_423, %dma_start3A_424] : memref<384x8xf32, #tpu.memory_space<vmem>> -> memref<128x8xf32, #tpu.memory_space<vmem>>
        %dma_start3A_426 = arith.constant 0 : i32
        %dma_start3A_427 = tpu.memref_slice %arg16[%dma_start3A_422, %dma_start3A_426] : memref<3x128xi32, #tpu.memory_space<vmem>> -> memref<1x128xi32, #tpu.memory_space<vmem>>
        %dma_start3A_428 = tpu.memref_squeeze %dma_start3A_427 : memref<1x128xi32, #tpu.memory_space<vmem>> -> memref<128xi32, #tpu.memory_space<vmem>>
        %dma_start3A_429 = arith.constant 0 : i32
        %dma_start3A_430 = arith.constant 0 : i32
        %dma_start3A_431 = tpu.memref_slice %arg11[%dma_start3A_429, %dma_start3A_430] : memref<100000x8xf32, #tpu.memory_space<vmem_shared>> -> memref<100000x8xf32, #tpu.memory_space<vmem_shared>>
        tpu.enqueue_indirect_dma source(%dma_start3A_425 : memref<128x8xf32, #tpu.memory_space<vmem>>) target(%dma_start3A_431 : memref<100000x8xf32, #tpu.memory_space<vmem_shared>>) offsets(%dma_start3A_428 : memref<128xi32, #tpu.memory_space<vmem>>) semaphore(%arg30 : memref<!tpu.dma_semaphore, #tpu.memory_space<semaphore_mem>>) {add = true}
        %add3A_432 = arith.constant 2 : i32
        %add3A_433 = arith.addi %add3A_266, %add3A_432 : i32
        %lt3A_434 = arith.constant 261 : i32
        %lt3A_435 = arith.cmpi slt, %add3A_433, %lt3A_434 : i32
        %convert_element_type3A_436 = arith.extui %lt3A_435 : i1 to i32
        %cond3A_437 = arith.constant 0 : i32
        %cond3A_438 = arith.cmpi ne, %convert_element_type3A_436, %cond3A_437 : i32
        scf.if %cond3A_438 {
          %add3A_439 = arith.constant 2 : i32
          %add3A_440 = arith.addi %add3A_266, %add3A_439 : i32
          %mul3A_441 = arith.constant 384 : i32
          %mul3A_442 = arith.muli %add3A_440, %mul3A_441 : i32
          %add3A_443 = arith.addi %mul3A_19, %mul3A_442 : i32
          %dma_start3A_444 = tpu.memref_slice %arg2[%add3A_443] : memref<3207168xf32, #tpu.memory_space<hbm>> -> memref<384xf32, #tpu.memory_space<hbm>>
          %dma_start3A_445 = tpu.memref_slice %arg2[%add3A_443] : memref<3207168xf32, #tpu.memory_space<hbm>> -> memref<384xf32, #tpu.memory_space<hbm>>
          tpu.enqueue_dma source(%dma_start3A_445 : memref<384xf32, #tpu.memory_space<hbm>>) target(%arg12 : memref<384xf32, #tpu.memory_space<vmem>>) target_semaphore(%arg28 : memref<!tpu.dma_semaphore, #tpu.memory_space<semaphore_mem>>)
          %dma_start3A_446 = tpu.memref_slice %arg3[%add3A_443] : memref<3207168xf32, #tpu.memory_space<hbm>> -> memref<384xf32, #tpu.memory_space<hbm>>
          %dma_start3A_447 = tpu.memref_slice %arg3[%add3A_443] : memref<3207168xf32, #tpu.memory_space<hbm>> -> memref<384xf32, #tpu.memory_space<hbm>>
          tpu.enqueue_dma source(%dma_start3A_447 : memref<384xf32, #tpu.memory_space<hbm>>) target(%arg13 : memref<384xf32, #tpu.memory_space<vmem>>) target_semaphore(%arg28 : memref<!tpu.dma_semaphore, #tpu.memory_space<semaphore_mem>>)
          %dma_start3A_448 = tpu.memref_slice %arg4[%add3A_443] : memref<3207168xf32, #tpu.memory_space<hbm>> -> memref<384xf32, #tpu.memory_space<hbm>>
          %dma_start3A_449 = tpu.memref_slice %arg4[%add3A_443] : memref<3207168xf32, #tpu.memory_space<hbm>> -> memref<384xf32, #tpu.memory_space<hbm>>
          tpu.enqueue_dma source(%dma_start3A_449 : memref<384xf32, #tpu.memory_space<hbm>>) target(%arg14 : memref<384xf32, #tpu.memory_space<vmem>>) target_semaphore(%arg28 : memref<!tpu.dma_semaphore, #tpu.memory_space<semaphore_mem>>)
        } else {
        }
      } else {
      }
      %mul3A_272 = arith.constant 2 : i32
      %mul3A_273 = arith.muli %mul3A_272, %scan3A_262 : i32
      %add3A_274 = arith.constant 1 : i32
      %add3A_275 = arith.addi %mul3A_273, %add3A_274 : i32
      %lt3A_276 = arith.constant 261 : i32
      %lt3A_277 = arith.cmpi slt, %add3A_275, %lt3A_276 : i32
      %convert_element_type3A_278 = arith.extui %lt3A_277 : i1 to i32
      %cond3A_279 = arith.constant 0 : i32
      %cond3A_280 = arith.cmpi ne, %convert_element_type3A_278, %cond3A_279 : i32
      scf.if %cond3A_280 {
        %ge3A = arith.constant 2 : i32
        %ge3A_281 = arith.cmpi sge, %add3A_275, %ge3A : i32
        %convert_element_type3A_282 = arith.extui %ge3A_281 : i1 to i32
        %cond3A_283 = arith.constant 0 : i32
        %cond3A_284 = arith.cmpi ne, %convert_element_type3A_282, %cond3A_283 : i32
        scf.if %cond3A_284 {
          %dma_wait3A_439 = arith.constant 0 : i32
          %dma_wait3A_440 = arith.constant 0 : i32
          %dma_wait3A_441 = tpu.memref_slice %arg25[%dma_wait3A_439, %dma_wait3A_440] : memref<384x8xf32, #tpu.memory_space<vmem>> -> memref<128x8xf32, #tpu.memory_space<vmem>>
          %dma_wait3A_442 = arith.constant 0 : i32
          %dma_wait3A_443 = arith.constant 0 : i32
          %dma_wait3A_444 = tpu.memref_slice %arg7[%dma_wait3A_442, %dma_wait3A_443] : memref<6280x8xf32, #tpu.memory_space<hbm>> -> memref<128x8xf32, #tpu.memory_space<hbm>>
          %dma_wait3A_445 = arith.constant 0 : i32
          %dma_wait3A_446 = arith.constant 0 : i32
          %dma_wait3A_447 = tpu.memref_slice %arg25[%dma_wait3A_445, %dma_wait3A_446] : memref<384x8xf32, #tpu.memory_space<vmem>> -> memref<128x8xf32, #tpu.memory_space<vmem>>
          %dma_wait3A_448 = arith.constant 0 : i32
          %dma_wait3A_449 = arith.constant 0 : i32
          %dma_wait3A_450 = tpu.memref_slice %arg7[%dma_wait3A_448, %dma_wait3A_449] : memref<6280x8xf32, #tpu.memory_space<hbm>> -> memref<128x8xf32, #tpu.memory_space<hbm>>
          tpu.wait_dma2 semaphore(%arg31 : memref<!tpu.dma_semaphore, #tpu.memory_space<semaphore_mem>>) src(%dma_wait3A_450 : memref<128x8xf32, #tpu.memory_space<hbm>>) dst(%dma_wait3A_447 : memref<128x8xf32, #tpu.memory_space<vmem>>)
          %dma_wait3A_451 = arith.constant 0 : i32
          %dma_wait3A_452 = arith.constant 0 : i32
          %dma_wait3A_453 = tpu.memref_slice %arg25[%dma_wait3A_451, %dma_wait3A_452] : memref<384x8xf32, #tpu.memory_space<vmem>> -> memref<128x8xf32, #tpu.memory_space<vmem>>
          %dma_wait3A_454 = arith.constant 0 : i32
          %dma_wait3A_455 = arith.constant 0 : i32
          %dma_wait3A_456 = tpu.memref_slice %arg7[%dma_wait3A_454, %dma_wait3A_455] : memref<6280x8xf32, #tpu.memory_space<hbm>> -> memref<128x8xf32, #tpu.memory_space<hbm>>
          %dma_wait3A_457 = arith.constant 0 : i32
          %dma_wait3A_458 = arith.constant 0 : i32
          %dma_wait3A_459 = tpu.memref_slice %arg25[%dma_wait3A_457, %dma_wait3A_458] : memref<384x8xf32, #tpu.memory_space<vmem>> -> memref<128x8xf32, #tpu.memory_space<vmem>>
          %dma_wait3A_460 = arith.constant 0 : i32
          %dma_wait3A_461 = arith.constant 0 : i32
          %dma_wait3A_462 = tpu.memref_slice %arg7[%dma_wait3A_460, %dma_wait3A_461] : memref<6280x8xf32, #tpu.memory_space<hbm>> -> memref<128x8xf32, #tpu.memory_space<hbm>>
          tpu.wait_dma2 semaphore(%arg31 : memref<!tpu.dma_semaphore, #tpu.memory_space<semaphore_mem>>) src(%dma_wait3A_462 : memref<128x8xf32, #tpu.memory_space<hbm>>) dst(%dma_wait3A_459 : memref<128x8xf32, #tpu.memory_space<vmem>>)
          %dma_wait3A_463 = arith.constant 0 : i32
          %dma_wait3A_464 = arith.constant 0 : i32
          %dma_wait3A_465 = tpu.memref_slice %arg25[%dma_wait3A_463, %dma_wait3A_464] : memref<384x8xf32, #tpu.memory_space<vmem>> -> memref<128x8xf32, #tpu.memory_space<vmem>>
          %dma_wait3A_466 = arith.constant 0 : i32
          %dma_wait3A_467 = arith.constant 0 : i32
          %dma_wait3A_468 = tpu.memref_slice %arg7[%dma_wait3A_466, %dma_wait3A_467] : memref<6280x8xf32, #tpu.memory_space<hbm>> -> memref<128x8xf32, #tpu.memory_space<hbm>>
          %dma_wait3A_469 = arith.constant 0 : i32
          %dma_wait3A_470 = arith.constant 0 : i32
          %dma_wait3A_471 = tpu.memref_slice %arg25[%dma_wait3A_469, %dma_wait3A_470] : memref<384x8xf32, #tpu.memory_space<vmem>> -> memref<128x8xf32, #tpu.memory_space<vmem>>
          %dma_wait3A_472 = arith.constant 0 : i32
          %dma_wait3A_473 = arith.constant 0 : i32
          %dma_wait3A_474 = tpu.memref_slice %arg7[%dma_wait3A_472, %dma_wait3A_473] : memref<6280x8xf32, #tpu.memory_space<hbm>> -> memref<128x8xf32, #tpu.memory_space<hbm>>
          tpu.wait_dma2 semaphore(%arg31 : memref<!tpu.dma_semaphore, #tpu.memory_space<semaphore_mem>>) src(%dma_wait3A_474 : memref<128x8xf32, #tpu.memory_space<hbm>>) dst(%dma_wait3A_471 : memref<128x8xf32, #tpu.memory_space<vmem>>)
          %dma_wait3A_475 = arith.constant 0 : i32
          %dma_wait3A_476 = arith.constant 0 : i32
          %dma_wait3A_477 = tpu.memref_slice %arg25[%dma_wait3A_475, %dma_wait3A_476] : memref<384x8xf32, #tpu.memory_space<vmem>> -> memref<128x8xf32, #tpu.memory_space<vmem>>
          %dma_wait3A_478 = arith.constant 0 : i32
          %dma_wait3A_479 = arith.constant 0 : i32
          %dma_wait3A_480 = tpu.memref_slice %arg7[%dma_wait3A_478, %dma_wait3A_479] : memref<6280x8xf32, #tpu.memory_space<hbm>> -> memref<128x8xf32, #tpu.memory_space<hbm>>
          %dma_wait3A_481 = arith.constant 0 : i32
          %dma_wait3A_482 = arith.constant 0 : i32
          %dma_wait3A_483 = tpu.memref_slice %arg25[%dma_wait3A_481, %dma_wait3A_482] : memref<384x8xf32, #tpu.memory_space<vmem>> -> memref<128x8xf32, #tpu.memory_space<vmem>>
          %dma_wait3A_484 = arith.constant 0 : i32
          %dma_wait3A_485 = arith.constant 0 : i32
          %dma_wait3A_486 = tpu.memref_slice %arg7[%dma_wait3A_484, %dma_wait3A_485] : memref<6280x8xf32, #tpu.memory_space<hbm>> -> memref<128x8xf32, #tpu.memory_space<hbm>>
          tpu.wait_dma2 semaphore(%arg31 : memref<!tpu.dma_semaphore, #tpu.memory_space<semaphore_mem>>) src(%dma_wait3A_486 : memref<128x8xf32, #tpu.memory_space<hbm>>) dst(%dma_wait3A_483 : memref<128x8xf32, #tpu.memory_space<vmem>>)
          %dma_wait3A_487 = arith.constant 0 : i32
          %dma_wait3A_488 = arith.constant 0 : i32
          %dma_wait3A_489 = tpu.memref_slice %arg25[%dma_wait3A_487, %dma_wait3A_488] : memref<384x8xf32, #tpu.memory_space<vmem>> -> memref<128x8xf32, #tpu.memory_space<vmem>>
          %dma_wait3A_490 = arith.constant 0 : i32
          %dma_wait3A_491 = arith.constant 0 : i32
          %dma_wait3A_492 = tpu.memref_slice %arg7[%dma_wait3A_490, %dma_wait3A_491] : memref<6280x8xf32, #tpu.memory_space<hbm>> -> memref<128x8xf32, #tpu.memory_space<hbm>>
          %dma_wait3A_493 = arith.constant 0 : i32
          %dma_wait3A_494 = arith.constant 0 : i32
          %dma_wait3A_495 = tpu.memref_slice %arg25[%dma_wait3A_493, %dma_wait3A_494] : memref<384x8xf32, #tpu.memory_space<vmem>> -> memref<128x8xf32, #tpu.memory_space<vmem>>
          %dma_wait3A_496 = arith.constant 0 : i32
          %dma_wait3A_497 = arith.constant 0 : i32
          %dma_wait3A_498 = tpu.memref_slice %arg7[%dma_wait3A_496, %dma_wait3A_497] : memref<6280x8xf32, #tpu.memory_space<hbm>> -> memref<128x8xf32, #tpu.memory_space<hbm>>
          tpu.wait_dma2 semaphore(%arg31 : memref<!tpu.dma_semaphore, #tpu.memory_space<semaphore_mem>>) src(%dma_wait3A_498 : memref<128x8xf32, #tpu.memory_space<hbm>>) dst(%dma_wait3A_495 : memref<128x8xf32, #tpu.memory_space<vmem>>)
          %dma_wait3A_499 = arith.constant 0 : i32
          %dma_wait3A_500 = arith.constant 0 : i32
          %dma_wait3A_501 = tpu.memref_slice %arg25[%dma_wait3A_499, %dma_wait3A_500] : memref<384x8xf32, #tpu.memory_space<vmem>> -> memref<128x8xf32, #tpu.memory_space<vmem>>
          %dma_wait3A_502 = arith.constant 0 : i32
          %dma_wait3A_503 = arith.constant 0 : i32
          %dma_wait3A_504 = tpu.memref_slice %arg7[%dma_wait3A_502, %dma_wait3A_503] : memref<6280x8xf32, #tpu.memory_space<hbm>> -> memref<128x8xf32, #tpu.memory_space<hbm>>
          %dma_wait3A_505 = arith.constant 0 : i32
          %dma_wait3A_506 = arith.constant 0 : i32
          %dma_wait3A_507 = tpu.memref_slice %arg25[%dma_wait3A_505, %dma_wait3A_506] : memref<384x8xf32, #tpu.memory_space<vmem>> -> memref<128x8xf32, #tpu.memory_space<vmem>>
          %dma_wait3A_508 = arith.constant 0 : i32
          %dma_wait3A_509 = arith.constant 0 : i32
          %dma_wait3A_510 = tpu.memref_slice %arg7[%dma_wait3A_508, %dma_wait3A_509] : memref<6280x8xf32, #tpu.memory_space<hbm>> -> memref<128x8xf32, #tpu.memory_space<hbm>>
          tpu.wait_dma2 semaphore(%arg31 : memref<!tpu.dma_semaphore, #tpu.memory_space<semaphore_mem>>) src(%dma_wait3A_510 : memref<128x8xf32, #tpu.memory_space<hbm>>) dst(%dma_wait3A_507 : memref<128x8xf32, #tpu.memory_space<vmem>>)
          %dma_wait3A_511 = arith.constant 0 : i32
          %dma_wait3A_512 = arith.constant 0 : i32
          %dma_wait3A_513 = tpu.memref_slice %arg25[%dma_wait3A_511, %dma_wait3A_512] : memref<384x8xf32, #tpu.memory_space<vmem>> -> memref<128x8xf32, #tpu.memory_space<vmem>>
          %dma_wait3A_514 = arith.constant 0 : i32
          %dma_wait3A_515 = arith.constant 0 : i32
          %dma_wait3A_516 = tpu.memref_slice %arg7[%dma_wait3A_514, %dma_wait3A_515] : memref<6280x8xf32, #tpu.memory_space<hbm>> -> memref<128x8xf32, #tpu.memory_space<hbm>>
          %dma_wait3A_517 = arith.constant 0 : i32
          %dma_wait3A_518 = arith.constant 0 : i32
          %dma_wait3A_519 = tpu.memref_slice %arg25[%dma_wait3A_517, %dma_wait3A_518] : memref<384x8xf32, #tpu.memory_space<vmem>> -> memref<128x8xf32, #tpu.memory_space<vmem>>
          %dma_wait3A_520 = arith.constant 0 : i32
          %dma_wait3A_521 = arith.constant 0 : i32
          %dma_wait3A_522 = tpu.memref_slice %arg7[%dma_wait3A_520, %dma_wait3A_521] : memref<6280x8xf32, #tpu.memory_space<hbm>> -> memref<128x8xf32, #tpu.memory_space<hbm>>
          tpu.wait_dma2 semaphore(%arg31 : memref<!tpu.dma_semaphore, #tpu.memory_space<semaphore_mem>>) src(%dma_wait3A_522 : memref<128x8xf32, #tpu.memory_space<hbm>>) dst(%dma_wait3A_519 : memref<128x8xf32, #tpu.memory_space<vmem>>)
          %dma_wait3A_523 = arith.constant 0 : i32
          %dma_wait3A_524 = arith.constant 0 : i32
          %dma_wait3A_525 = tpu.memref_slice %arg25[%dma_wait3A_523, %dma_wait3A_524] : memref<384x8xf32, #tpu.memory_space<vmem>> -> memref<128x8xf32, #tpu.memory_space<vmem>>
          %dma_wait3A_526 = arith.constant 0 : i32
          %dma_wait3A_527 = arith.constant 0 : i32
          %dma_wait3A_528 = tpu.memref_slice %arg7[%dma_wait3A_526, %dma_wait3A_527] : memref<6280x8xf32, #tpu.memory_space<hbm>> -> memref<128x8xf32, #tpu.memory_space<hbm>>
          %dma_wait3A_529 = arith.constant 0 : i32
          %dma_wait3A_530 = arith.constant 0 : i32
          %dma_wait3A_531 = tpu.memref_slice %arg25[%dma_wait3A_529, %dma_wait3A_530] : memref<384x8xf32, #tpu.memory_space<vmem>> -> memref<128x8xf32, #tpu.memory_space<vmem>>
          %dma_wait3A_532 = arith.constant 0 : i32
          %dma_wait3A_533 = arith.constant 0 : i32
          %dma_wait3A_534 = tpu.memref_slice %arg7[%dma_wait3A_532, %dma_wait3A_533] : memref<6280x8xf32, #tpu.memory_space<hbm>> -> memref<128x8xf32, #tpu.memory_space<hbm>>
          tpu.wait_dma2 semaphore(%arg31 : memref<!tpu.dma_semaphore, #tpu.memory_space<semaphore_mem>>) src(%dma_wait3A_534 : memref<128x8xf32, #tpu.memory_space<hbm>>) dst(%dma_wait3A_531 : memref<128x8xf32, #tpu.memory_space<vmem>>)
          %dma_wait3A_535 = arith.constant 0 : i32
          %dma_wait3A_536 = arith.constant 0 : i32
          %dma_wait3A_537 = tpu.memref_slice %arg25[%dma_wait3A_535, %dma_wait3A_536] : memref<384x8xf32, #tpu.memory_space<vmem>> -> memref<128x8xf32, #tpu.memory_space<vmem>>
          %dma_wait3A_538 = arith.constant 0 : i32
          %dma_wait3A_539 = arith.constant 0 : i32
          %dma_wait3A_540 = tpu.memref_slice %arg7[%dma_wait3A_538, %dma_wait3A_539] : memref<6280x8xf32, #tpu.memory_space<hbm>> -> memref<128x8xf32, #tpu.memory_space<hbm>>
          %dma_wait3A_541 = arith.constant 0 : i32
          %dma_wait3A_542 = arith.constant 0 : i32
          %dma_wait3A_543 = tpu.memref_slice %arg25[%dma_wait3A_541, %dma_wait3A_542] : memref<384x8xf32, #tpu.memory_space<vmem>> -> memref<128x8xf32, #tpu.memory_space<vmem>>
          %dma_wait3A_544 = arith.constant 0 : i32
          %dma_wait3A_545 = arith.constant 0 : i32
          %dma_wait3A_546 = tpu.memref_slice %arg7[%dma_wait3A_544, %dma_wait3A_545] : memref<6280x8xf32, #tpu.memory_space<hbm>> -> memref<128x8xf32, #tpu.memory_space<hbm>>
          tpu.wait_dma2 semaphore(%arg31 : memref<!tpu.dma_semaphore, #tpu.memory_space<semaphore_mem>>) src(%dma_wait3A_546 : memref<128x8xf32, #tpu.memory_space<hbm>>) dst(%dma_wait3A_543 : memref<128x8xf32, #tpu.memory_space<vmem>>)
        } else {
        }
        %mul3A_285 = arith.constant 384 : i32
        %mul3A_286 = arith.muli %add3A_275, %mul3A_285 : i32
        %add3A_287 = arith.addi %mul3A_19, %mul3A_286 : i32
        %jit3A = arith.constant 128 : i32
        %div3A = arith.divsi %add3A_287, %jit3A : i32
        %sign3A = arith.constant 0 : i32
        %sign3A_288 = arith.cmpi sgt, %add3A_287, %sign3A : i32
        %sign3A_289 = arith.extui %sign3A_288 : i1 to i32
        %sign3A_290 = arith.constant 0 : i32
        %sign3A_291 = arith.cmpi slt, %add3A_287, %sign3A_290 : i32
        %sign3A_292 = arith.extui %sign3A_291 : i1 to i32
        %sign3A_293 = arith.subi %sign3A_289, %sign3A_292 : i32
        %sign3A_294 = arith.constant 0 : i32
        %sign3A_295 = arith.cmpi sgt, %jit3A, %sign3A_294 : i32
        %sign3A_296 = arith.extui %sign3A_295 : i1 to i32
        %sign3A_297 = arith.constant 0 : i32
        %sign3A_298 = arith.cmpi slt, %jit3A, %sign3A_297 : i32
        %sign3A_299 = arith.extui %sign3A_298 : i1 to i32
        %sign3A_300 = arith.subi %sign3A_296, %sign3A_299 : i32
        %ne3A = arith.cmpi ne, %sign3A_293, %sign3A_300 : i32
        %rem3A = arith.remsi %add3A_287, %jit3A : i32
        %ne3A_301 = arith.constant 0 : i32
        %ne3A_302 = arith.cmpi ne, %rem3A, %ne3A_301 : i32
        %and3A = arith.andi %ne3A, %ne3A_302 : i1
        %sub3A = arith.constant 1 : i32
        %sub3A_303 = arith.subi %div3A, %sub3A : i32
        %select_n3A = arith.select %and3A, %sub3A_303, %div3A : i32
        %dma_start3A_304 = arith.constant 0 : i32
        %dma_start3A_305 = tpu.memref_slice %arg5[%select_n3A, %dma_start3A_304] : memref<25056x128xi32, #tpu.memory_space<hbm>> -> memref<3x128xi32, #tpu.memory_space<hbm>>
        %dma_start3A_306 = arith.constant 0 : i32
        %dma_start3A_307 = tpu.memref_slice %arg5[%select_n3A, %dma_start3A_306] : memref<25056x128xi32, #tpu.memory_space<hbm>> -> memref<3x128xi32, #tpu.memory_space<hbm>>
        tpu.enqueue_dma source(%dma_start3A_307 : memref<3x128xi32, #tpu.memory_space<hbm>>) target(%arg23 : memref<3x128xi32, #tpu.memory_space<vmem>>) target_semaphore(%arg33 : memref<!tpu.dma_semaphore, #tpu.memory_space<semaphore_mem>>)
        %dma_start3A_308 = arith.constant 0 : i32
        %dma_start3A_309 = tpu.memref_slice %arg6[%select_n3A, %dma_start3A_308] : memref<25056x128xi32, #tpu.memory_space<hbm>> -> memref<3x128xi32, #tpu.memory_space<hbm>>
        %dma_start3A_310 = arith.constant 0 : i32
        %dma_start3A_311 = tpu.memref_slice %arg6[%select_n3A, %dma_start3A_310] : memref<25056x128xi32, #tpu.memory_space<hbm>> -> memref<3x128xi32, #tpu.memory_space<hbm>>
        tpu.enqueue_dma source(%dma_start3A_311 : memref<3x128xi32, #tpu.memory_space<hbm>>) target(%arg24 : memref<3x128xi32, #tpu.memory_space<vmem>>) target_semaphore(%arg33 : memref<!tpu.dma_semaphore, #tpu.memory_space<semaphore_mem>>)
        %dma_wait3A_312 = arith.constant 0 : i32
        %dma_wait3A_313 = tpu.memref_slice %arg2[%dma_wait3A_312] : memref<3207168xf32, #tpu.memory_space<hbm>> -> memref<384xf32, #tpu.memory_space<hbm>>
        %dma_wait3A_314 = arith.constant 0 : i32
        %dma_wait3A_315 = tpu.memref_slice %arg2[%dma_wait3A_314] : memref<3207168xf32, #tpu.memory_space<hbm>> -> memref<384xf32, #tpu.memory_space<hbm>>
        tpu.wait_dma2 semaphore(%arg29 : memref<!tpu.dma_semaphore, #tpu.memory_space<semaphore_mem>>) src(%dma_wait3A_315 : memref<384xf32, #tpu.memory_space<hbm>>) dst(%arg20 : memref<384xf32, #tpu.memory_space<vmem>>)
        %dma_wait3A_316 = arith.constant 0 : i32
        %dma_wait3A_317 = tpu.memref_slice %arg3[%dma_wait3A_316] : memref<3207168xf32, #tpu.memory_space<hbm>> -> memref<384xf32, #tpu.memory_space<hbm>>
        %dma_wait3A_318 = arith.constant 0 : i32
        %dma_wait3A_319 = tpu.memref_slice %arg3[%dma_wait3A_318] : memref<3207168xf32, #tpu.memory_space<hbm>> -> memref<384xf32, #tpu.memory_space<hbm>>
        tpu.wait_dma2 semaphore(%arg29 : memref<!tpu.dma_semaphore, #tpu.memory_space<semaphore_mem>>) src(%dma_wait3A_319 : memref<384xf32, #tpu.memory_space<hbm>>) dst(%arg21 : memref<384xf32, #tpu.memory_space<vmem>>)
        %dma_wait3A_320 = arith.constant 0 : i32
        %dma_wait3A_321 = tpu.memref_slice %arg4[%dma_wait3A_320] : memref<3207168xf32, #tpu.memory_space<hbm>> -> memref<384xf32, #tpu.memory_space<hbm>>
        %dma_wait3A_322 = arith.constant 0 : i32
        %dma_wait3A_323 = tpu.memref_slice %arg4[%dma_wait3A_322] : memref<3207168xf32, #tpu.memory_space<hbm>> -> memref<384xf32, #tpu.memory_space<hbm>>
        tpu.wait_dma2 semaphore(%arg29 : memref<!tpu.dma_semaphore, #tpu.memory_space<semaphore_mem>>) src(%dma_wait3A_323 : memref<384xf32, #tpu.memory_space<hbm>>) dst(%arg22 : memref<384xf32, #tpu.memory_space<vmem>>)
        %scan3A_324 = arith.constant 0 : i32
        %scan3A_325 = arith.constant 0 : i32
        %scan3A_326 = arith.constant 24 : i32
        %scan3A_327 = arith.addi %scan3A_325, %scan3A_326 : i32
        %scan3A_328 = arith.constant 4 : i32
        scf.for %scan3A_439 = %scan3A_325 to %scan3A_327 step %scan3A_328  : i32 {
          %mul3A_440 = arith.constant 16 : i32
          %mul3A_441 = arith.muli %scan3A_439, %mul3A_440 : i32
          %add3A_442 = vector.broadcast %mul3A_441 : i32 to vector<16xi32>
          %add3A_443 = arith.addi %add3A_442, %iota3A : vector<16xi32>
          %gather3A = tpu.vector_load_idx %arg20[%add3A_443] : memref<384xf32, #tpu.memory_space<vmem>>[vector<16xi32>], vector<16xf32>,
          %gather3A_444 = tpu.vector_load_idx %arg21[%add3A_443] : memref<384xf32, #tpu.memory_space<vmem>>[vector<16xi32>], vector<16xf32>,
          %gather3A_445 = tpu.vector_load_idx %arg22[%add3A_443] : memref<384xf32, #tpu.memory_space<vmem>>[vector<16xi32>], vector<16xf32>,
          tpu.vector_store_idx %arg25[%add3A_443, %broadcast_in_dim3A_3], %gather3A : memref<384x8xf32, #tpu.memory_space<vmem>>[vector<16xi32>, vector<16xi32>], vector<16xf32>,
          tpu.vector_store_idx %arg25[%add3A_443, %broadcast_in_dim3A_5], %gather3A_444 : memref<384x8xf32, #tpu.memory_space<vmem>>[vector<16xi32>, vector<16xi32>], vector<16xf32>,
          tpu.vector_store_idx %arg25[%add3A_443, %broadcast_in_dim3A_7], %gather3A_445 : memref<384x8xf32, #tpu.memory_space<vmem>>[vector<16xi32>, vector<16xi32>], vector<16xf32>,
          %mul3A_446 = arith.mulf %gather3A, %broadcast_in_dim3A_15 : vector<16xf32>
          tpu.vector_store_idx %arg26[%add3A_443, %broadcast_in_dim3A_3], %mul3A_446 : memref<384x8xf32, #tpu.memory_space<vmem>>[vector<16xi32>, vector<16xi32>], vector<16xf32>,
          %mul3A_447 = arith.mulf %gather3A_444, %broadcast_in_dim3A_15 : vector<16xf32>
          tpu.vector_store_idx %arg26[%add3A_443, %broadcast_in_dim3A_5], %mul3A_447 : memref<384x8xf32, #tpu.memory_space<vmem>>[vector<16xi32>, vector<16xi32>], vector<16xf32>,
          %mul3A_448 = arith.mulf %gather3A_445, %broadcast_in_dim3A_15 : vector<16xf32>
          tpu.vector_store_idx %arg26[%add3A_443, %broadcast_in_dim3A_7], %mul3A_448 : memref<384x8xf32, #tpu.memory_space<vmem>>[vector<16xi32>, vector<16xi32>], vector<16xf32>,
          %mul3A_449 = arith.mulf %gather3A, %gather3A : vector<16xf32>
          tpu.vector_store_idx %arg27[%add3A_443, %broadcast_in_dim3A_3], %mul3A_449 : memref<384x8xf32, #tpu.memory_space<vmem>>[vector<16xi32>, vector<16xi32>], vector<16xf32>,
          %mul3A_450 = arith.mulf %gather3A_444, %gather3A_444 : vector<16xf32>
          tpu.vector_store_idx %arg27[%add3A_443, %broadcast_in_dim3A_5], %mul3A_450 : memref<384x8xf32, #tpu.memory_space<vmem>>[vector<16xi32>, vector<16xi32>], vector<16xf32>,
          %mul3A_451 = arith.mulf %gather3A_445, %gather3A_445 : vector<16xf32>
          tpu.vector_store_idx %arg27[%add3A_443, %broadcast_in_dim3A_7], %mul3A_451 : memref<384x8xf32, #tpu.memory_space<vmem>>[vector<16xi32>, vector<16xi32>], vector<16xf32>,
          %mul3A_452 = arith.mulf %gather3A, %gather3A_444 : vector<16xf32>
          tpu.vector_store_idx %arg27[%add3A_443, %broadcast_in_dim3A_9], %mul3A_452 : memref<384x8xf32, #tpu.memory_space<vmem>>[vector<16xi32>, vector<16xi32>], vector<16xf32>,
          %mul3A_453 = arith.mulf %gather3A_444, %gather3A_445 : vector<16xf32>
          tpu.vector_store_idx %arg27[%add3A_443, %broadcast_in_dim3A_11], %mul3A_453 : memref<384x8xf32, #tpu.memory_space<vmem>>[vector<16xi32>, vector<16xi32>], vector<16xf32>,
          %mul3A_454 = arith.mulf %gather3A_445, %gather3A : vector<16xf32>
          tpu.vector_store_idx %arg27[%add3A_443, %broadcast_in_dim3A_13], %mul3A_454 : memref<384x8xf32, #tpu.memory_space<vmem>>[vector<16xi32>, vector<16xi32>], vector<16xf32>,
          %scan3A_455 = arith.constant 1 : i32
          %scan3A_456 = arith.addi %scan3A_439, %scan3A_455 : i32
          %mul3A_457 = arith.constant 16 : i32
          %mul3A_458 = arith.muli %scan3A_456, %mul3A_457 : i32
          %add3A_459 = vector.broadcast %mul3A_458 : i32 to vector<16xi32>
          %add3A_460 = arith.addi %add3A_459, %iota3A : vector<16xi32>
          %gather3A_461 = tpu.vector_load_idx %arg20[%add3A_460] : memref<384xf32, #tpu.memory_space<vmem>>[vector<16xi32>], vector<16xf32>,
          %gather3A_462 = tpu.vector_load_idx %arg21[%add3A_460] : memref<384xf32, #tpu.memory_space<vmem>>[vector<16xi32>], vector<16xf32>,
          %gather3A_463 = tpu.vector_load_idx %arg22[%add3A_460] : memref<384xf32, #tpu.memory_space<vmem>>[vector<16xi32>], vector<16xf32>,
          tpu.vector_store_idx %arg25[%add3A_460, %broadcast_in_dim3A_3], %gather3A_461 : memref<384x8xf32, #tpu.memory_space<vmem>>[vector<16xi32>, vector<16xi32>], vector<16xf32>,
          tpu.vector_store_idx %arg25[%add3A_460, %broadcast_in_dim3A_5], %gather3A_462 : memref<384x8xf32, #tpu.memory_space<vmem>>[vector<16xi32>, vector<16xi32>], vector<16xf32>,
          tpu.vector_store_idx %arg25[%add3A_460, %broadcast_in_dim3A_7], %gather3A_463 : memref<384x8xf32, #tpu.memory_space<vmem>>[vector<16xi32>, vector<16xi32>], vector<16xf32>,
          %mul3A_464 = arith.mulf %gather3A_461, %broadcast_in_dim3A_15 : vector<16xf32>
          tpu.vector_store_idx %arg26[%add3A_460, %broadcast_in_dim3A_3], %mul3A_464 : memref<384x8xf32, #tpu.memory_space<vmem>>[vector<16xi32>, vector<16xi32>], vector<16xf32>,
          %mul3A_465 = arith.mulf %gather3A_462, %broadcast_in_dim3A_15 : vector<16xf32>
          tpu.vector_store_idx %arg26[%add3A_460, %broadcast_in_dim3A_5], %mul3A_465 : memref<384x8xf32, #tpu.memory_space<vmem>>[vector<16xi32>, vector<16xi32>], vector<16xf32>,
          %mul3A_466 = arith.mulf %gather3A_463, %broadcast_in_dim3A_15 : vector<16xf32>
          tpu.vector_store_idx %arg26[%add3A_460, %broadcast_in_dim3A_7], %mul3A_466 : memref<384x8xf32, #tpu.memory_space<vmem>>[vector<16xi32>, vector<16xi32>], vector<16xf32>,
          %mul3A_467 = arith.mulf %gather3A_461, %gather3A_461 : vector<16xf32>
          tpu.vector_store_idx %arg27[%add3A_460, %broadcast_in_dim3A_3], %mul3A_467 : memref<384x8xf32, #tpu.memory_space<vmem>>[vector<16xi32>, vector<16xi32>], vector<16xf32>,
          %mul3A_468 = arith.mulf %gather3A_462, %gather3A_462 : vector<16xf32>
          tpu.vector_store_idx %arg27[%add3A_460, %broadcast_in_dim3A_5], %mul3A_468 : memref<384x8xf32, #tpu.memory_space<vmem>>[vector<16xi32>, vector<16xi32>], vector<16xf32>,
          %mul3A_469 = arith.mulf %gather3A_463, %gather3A_463 : vector<16xf32>
          tpu.vector_store_idx %arg27[%add3A_460, %broadcast_in_dim3A_7], %mul3A_469 : memref<384x8xf32, #tpu.memory_space<vmem>>[vector<16xi32>, vector<16xi32>], vector<16xf32>,
          %mul3A_470 = arith.mulf %gather3A_461, %gather3A_462 : vector<16xf32>
          tpu.vector_store_idx %arg27[%add3A_460, %broadcast_in_dim3A_9], %mul3A_470 : memref<384x8xf32, #tpu.memory_space<vmem>>[vector<16xi32>, vector<16xi32>], vector<16xf32>,
          %mul3A_471 = arith.mulf %gather3A_462, %gather3A_463 : vector<16xf32>
          tpu.vector_store_idx %arg27[%add3A_460, %broadcast_in_dim3A_11], %mul3A_471 : memref<384x8xf32, #tpu.memory_space<vmem>>[vector<16xi32>, vector<16xi32>], vector<16xf32>,
          %mul3A_472 = arith.mulf %gather3A_463, %gather3A_461 : vector<16xf32>
          tpu.vector_store_idx %arg27[%add3A_460, %broadcast_in_dim3A_13], %mul3A_472 : memref<384x8xf32, #tpu.memory_space<vmem>>[vector<16xi32>, vector<16xi32>], vector<16xf32>,
          %scan3A_473 = arith.constant 2 : i32
          %scan3A_474 = arith.addi %scan3A_439, %scan3A_473 : i32
          %mul3A_475 = arith.constant 16 : i32
          %mul3A_476 = arith.muli %scan3A_474, %mul3A_475 : i32
          %add3A_477 = vector.broadcast %mul3A_476 : i32 to vector<16xi32>
          %add3A_478 = arith.addi %add3A_477, %iota3A : vector<16xi32>
          %gather3A_479 = tpu.vector_load_idx %arg20[%add3A_478] : memref<384xf32, #tpu.memory_space<vmem>>[vector<16xi32>], vector<16xf32>,
          %gather3A_480 = tpu.vector_load_idx %arg21[%add3A_478] : memref<384xf32, #tpu.memory_space<vmem>>[vector<16xi32>], vector<16xf32>,
          %gather3A_481 = tpu.vector_load_idx %arg22[%add3A_478] : memref<384xf32, #tpu.memory_space<vmem>>[vector<16xi32>], vector<16xf32>,
          tpu.vector_store_idx %arg25[%add3A_478, %broadcast_in_dim3A_3], %gather3A_479 : memref<384x8xf32, #tpu.memory_space<vmem>>[vector<16xi32>, vector<16xi32>], vector<16xf32>,
          tpu.vector_store_idx %arg25[%add3A_478, %broadcast_in_dim3A_5], %gather3A_480 : memref<384x8xf32, #tpu.memory_space<vmem>>[vector<16xi32>, vector<16xi32>], vector<16xf32>,
          tpu.vector_store_idx %arg25[%add3A_478, %broadcast_in_dim3A_7], %gather3A_481 : memref<384x8xf32, #tpu.memory_space<vmem>>[vector<16xi32>, vector<16xi32>], vector<16xf32>,
          %mul3A_482 = arith.mulf %gather3A_479, %broadcast_in_dim3A_15 : vector<16xf32>
          tpu.vector_store_idx %arg26[%add3A_478, %broadcast_in_dim3A_3], %mul3A_482 : memref<384x8xf32, #tpu.memory_space<vmem>>[vector<16xi32>, vector<16xi32>], vector<16xf32>,
          %mul3A_483 = arith.mulf %gather3A_480, %broadcast_in_dim3A_15 : vector<16xf32>
          tpu.vector_store_idx %arg26[%add3A_478, %broadcast_in_dim3A_5], %mul3A_483 : memref<384x8xf32, #tpu.memory_space<vmem>>[vector<16xi32>, vector<16xi32>], vector<16xf32>,
          %mul3A_484 = arith.mulf %gather3A_481, %broadcast_in_dim3A_15 : vector<16xf32>
          tpu.vector_store_idx %arg26[%add3A_478, %broadcast_in_dim3A_7], %mul3A_484 : memref<384x8xf32, #tpu.memory_space<vmem>>[vector<16xi32>, vector<16xi32>], vector<16xf32>,
          %mul3A_485 = arith.mulf %gather3A_479, %gather3A_479 : vector<16xf32>
          tpu.vector_store_idx %arg27[%add3A_478, %broadcast_in_dim3A_3], %mul3A_485 : memref<384x8xf32, #tpu.memory_space<vmem>>[vector<16xi32>, vector<16xi32>], vector<16xf32>,
          %mul3A_486 = arith.mulf %gather3A_480, %gather3A_480 : vector<16xf32>
          tpu.vector_store_idx %arg27[%add3A_478, %broadcast_in_dim3A_5], %mul3A_486 : memref<384x8xf32, #tpu.memory_space<vmem>>[vector<16xi32>, vector<16xi32>], vector<16xf32>,
          %mul3A_487 = arith.mulf %gather3A_481, %gather3A_481 : vector<16xf32>
          tpu.vector_store_idx %arg27[%add3A_478, %broadcast_in_dim3A_7], %mul3A_487 : memref<384x8xf32, #tpu.memory_space<vmem>>[vector<16xi32>, vector<16xi32>], vector<16xf32>,
          %mul3A_488 = arith.mulf %gather3A_479, %gather3A_480 : vector<16xf32>
          tpu.vector_store_idx %arg27[%add3A_478, %broadcast_in_dim3A_9], %mul3A_488 : memref<384x8xf32, #tpu.memory_space<vmem>>[vector<16xi32>, vector<16xi32>], vector<16xf32>,
          %mul3A_489 = arith.mulf %gather3A_480, %gather3A_481 : vector<16xf32>
          tpu.vector_store_idx %arg27[%add3A_478, %broadcast_in_dim3A_11], %mul3A_489 : memref<384x8xf32, #tpu.memory_space<vmem>>[vector<16xi32>, vector<16xi32>], vector<16xf32>,
          %mul3A_490 = arith.mulf %gather3A_481, %gather3A_479 : vector<16xf32>
          tpu.vector_store_idx %arg27[%add3A_478, %broadcast_in_dim3A_13], %mul3A_490 : memref<384x8xf32, #tpu.memory_space<vmem>>[vector<16xi32>, vector<16xi32>], vector<16xf32>,
          %scan3A_491 = arith.constant 3 : i32
          %scan3A_492 = arith.addi %scan3A_439, %scan3A_491 : i32
          %mul3A_493 = arith.constant 16 : i32
          %mul3A_494 = arith.muli %scan3A_492, %mul3A_493 : i32
          %add3A_495 = vector.broadcast %mul3A_494 : i32 to vector<16xi32>
          %add3A_496 = arith.addi %add3A_495, %iota3A : vector<16xi32>
          %gather3A_497 = tpu.vector_load_idx %arg20[%add3A_496] : memref<384xf32, #tpu.memory_space<vmem>>[vector<16xi32>], vector<16xf32>,
          %gather3A_498 = tpu.vector_load_idx %arg21[%add3A_496] : memref<384xf32, #tpu.memory_space<vmem>>[vector<16xi32>], vector<16xf32>,
          %gather3A_499 = tpu.vector_load_idx %arg22[%add3A_496] : memref<384xf32, #tpu.memory_space<vmem>>[vector<16xi32>], vector<16xf32>,
          tpu.vector_store_idx %arg25[%add3A_496, %broadcast_in_dim3A_3], %gather3A_497 : memref<384x8xf32, #tpu.memory_space<vmem>>[vector<16xi32>, vector<16xi32>], vector<16xf32>,
          tpu.vector_store_idx %arg25[%add3A_496, %broadcast_in_dim3A_5], %gather3A_498 : memref<384x8xf32, #tpu.memory_space<vmem>>[vector<16xi32>, vector<16xi32>], vector<16xf32>,
          tpu.vector_store_idx %arg25[%add3A_496, %broadcast_in_dim3A_7], %gather3A_499 : memref<384x8xf32, #tpu.memory_space<vmem>>[vector<16xi32>, vector<16xi32>], vector<16xf32>,
          %mul3A_500 = arith.mulf %gather3A_497, %broadcast_in_dim3A_15 : vector<16xf32>
          tpu.vector_store_idx %arg26[%add3A_496, %broadcast_in_dim3A_3], %mul3A_500 : memref<384x8xf32, #tpu.memory_space<vmem>>[vector<16xi32>, vector<16xi32>], vector<16xf32>,
          %mul3A_501 = arith.mulf %gather3A_498, %broadcast_in_dim3A_15 : vector<16xf32>
          tpu.vector_store_idx %arg26[%add3A_496, %broadcast_in_dim3A_5], %mul3A_501 : memref<384x8xf32, #tpu.memory_space<vmem>>[vector<16xi32>, vector<16xi32>], vector<16xf32>,
          %mul3A_502 = arith.mulf %gather3A_499, %broadcast_in_dim3A_15 : vector<16xf32>
          tpu.vector_store_idx %arg26[%add3A_496, %broadcast_in_dim3A_7], %mul3A_502 : memref<384x8xf32, #tpu.memory_space<vmem>>[vector<16xi32>, vector<16xi32>], vector<16xf32>,
          %mul3A_503 = arith.mulf %gather3A_497, %gather3A_497 : vector<16xf32>
          tpu.vector_store_idx %arg27[%add3A_496, %broadcast_in_dim3A_3], %mul3A_503 : memref<384x8xf32, #tpu.memory_space<vmem>>[vector<16xi32>, vector<16xi32>], vector<16xf32>,
          %mul3A_504 = arith.mulf %gather3A_498, %gather3A_498 : vector<16xf32>
          tpu.vector_store_idx %arg27[%add3A_496, %broadcast_in_dim3A_5], %mul3A_504 : memref<384x8xf32, #tpu.memory_space<vmem>>[vector<16xi32>, vector<16xi32>], vector<16xf32>,
          %mul3A_505 = arith.mulf %gather3A_499, %gather3A_499 : vector<16xf32>
          tpu.vector_store_idx %arg27[%add3A_496, %broadcast_in_dim3A_7], %mul3A_505 : memref<384x8xf32, #tpu.memory_space<vmem>>[vector<16xi32>, vector<16xi32>], vector<16xf32>,
          %mul3A_506 = arith.mulf %gather3A_497, %gather3A_498 : vector<16xf32>
          tpu.vector_store_idx %arg27[%add3A_496, %broadcast_in_dim3A_9], %mul3A_506 : memref<384x8xf32, #tpu.memory_space<vmem>>[vector<16xi32>, vector<16xi32>], vector<16xf32>,
          %mul3A_507 = arith.mulf %gather3A_498, %gather3A_499 : vector<16xf32>
          tpu.vector_store_idx %arg27[%add3A_496, %broadcast_in_dim3A_11], %mul3A_507 : memref<384x8xf32, #tpu.memory_space<vmem>>[vector<16xi32>, vector<16xi32>], vector<16xf32>,
          %mul3A_508 = arith.mulf %gather3A_499, %gather3A_497 : vector<16xf32>
          tpu.vector_store_idx %arg27[%add3A_496, %broadcast_in_dim3A_13], %mul3A_508 : memref<384x8xf32, #tpu.memory_space<vmem>>[vector<16xi32>, vector<16xi32>], vector<16xf32>,
        }
        %scan3A_329 = arith.constant 24 : i32
        %dma_wait3A_330 = arith.constant 0 : i32
        %dma_wait3A_331 = arith.constant 0 : i32
        %dma_wait3A_332 = tpu.memref_slice %arg5[%dma_wait3A_330, %dma_wait3A_331] : memref<25056x128xi32, #tpu.memory_space<hbm>> -> memref<3x128xi32, #tpu.memory_space<hbm>>
        %dma_wait3A_333 = arith.constant 0 : i32
        %dma_wait3A_334 = arith.constant 0 : i32
        %dma_wait3A_335 = tpu.memref_slice %arg5[%dma_wait3A_333, %dma_wait3A_334] : memref<25056x128xi32, #tpu.memory_space<hbm>> -> memref<3x128xi32, #tpu.memory_space<hbm>>
        tpu.wait_dma2 semaphore(%arg33 : memref<!tpu.dma_semaphore, #tpu.memory_space<semaphore_mem>>) src(%dma_wait3A_335 : memref<3x128xi32, #tpu.memory_space<hbm>>) dst(%arg23 : memref<3x128xi32, #tpu.memory_space<vmem>>)
        %dma_wait3A_336 = arith.constant 0 : i32
        %dma_wait3A_337 = arith.constant 0 : i32
        %dma_wait3A_338 = tpu.memref_slice %arg6[%dma_wait3A_336, %dma_wait3A_337] : memref<25056x128xi32, #tpu.memory_space<hbm>> -> memref<3x128xi32, #tpu.memory_space<hbm>>
        %dma_wait3A_339 = arith.constant 0 : i32
        %dma_wait3A_340 = arith.constant 0 : i32
        %dma_wait3A_341 = tpu.memref_slice %arg6[%dma_wait3A_339, %dma_wait3A_340] : memref<25056x128xi32, #tpu.memory_space<hbm>> -> memref<3x128xi32, #tpu.memory_space<hbm>>
        tpu.wait_dma2 semaphore(%arg33 : memref<!tpu.dma_semaphore, #tpu.memory_space<semaphore_mem>>) src(%dma_wait3A_341 : memref<3x128xi32, #tpu.memory_space<hbm>>) dst(%arg24 : memref<3x128xi32, #tpu.memory_space<vmem>>)
        %dma_start3A_342 = arith.constant 0 : i32
        %dma_start3A_343 = arith.constant 0 : i32
        %dma_start3A_344 = arith.constant 0 : i32
        %dma_start3A_345 = tpu.memref_slice %arg25[%dma_start3A_343, %dma_start3A_344] : memref<384x8xf32, #tpu.memory_space<vmem>> -> memref<128x8xf32, #tpu.memory_space<vmem>>
        %dma_start3A_346 = arith.constant 0 : i32
        %dma_start3A_347 = tpu.memref_slice %arg23[%dma_start3A_342, %dma_start3A_346] : memref<3x128xi32, #tpu.memory_space<vmem>> -> memref<1x128xi32, #tpu.memory_space<vmem>>
        %dma_start3A_348 = tpu.memref_squeeze %dma_start3A_347 : memref<1x128xi32, #tpu.memory_space<vmem>> -> memref<128xi32, #tpu.memory_space<vmem>>
        %dma_start3A_349 = arith.constant 0 : i32
        %dma_start3A_350 = arith.constant 0 : i32
        %dma_start3A_351 = tpu.memref_slice %arg10[%dma_start3A_349, %dma_start3A_350] : memref<100000x8xf32, #tpu.memory_space<vmem_shared>> -> memref<100000x8xf32, #tpu.memory_space<vmem_shared>>
        tpu.enqueue_indirect_dma source(%dma_start3A_345 : memref<128x8xf32, #tpu.memory_space<vmem>>) target(%dma_start3A_351 : memref<100000x8xf32, #tpu.memory_space<vmem_shared>>) offsets(%dma_start3A_348 : memref<128xi32, #tpu.memory_space<vmem>>) semaphore(%arg31 : memref<!tpu.dma_semaphore, #tpu.memory_space<semaphore_mem>>) {add = true}
        %dma_start3A_352 = arith.constant 0 : i32
        %dma_start3A_353 = arith.constant 0 : i32
        %dma_start3A_354 = arith.constant 0 : i32
        %dma_start3A_355 = tpu.memref_slice %arg26[%dma_start3A_353, %dma_start3A_354] : memref<384x8xf32, #tpu.memory_space<vmem>> -> memref<128x8xf32, #tpu.memory_space<vmem>>
        %dma_start3A_356 = arith.constant 0 : i32
        %dma_start3A_357 = tpu.memref_slice %arg24[%dma_start3A_352, %dma_start3A_356] : memref<3x128xi32, #tpu.memory_space<vmem>> -> memref<1x128xi32, #tpu.memory_space<vmem>>
        %dma_start3A_358 = tpu.memref_squeeze %dma_start3A_357 : memref<1x128xi32, #tpu.memory_space<vmem>> -> memref<128xi32, #tpu.memory_space<vmem>>
        %dma_start3A_359 = arith.constant 0 : i32
        %dma_start3A_360 = arith.constant 0 : i32
        %dma_start3A_361 = tpu.memref_slice %arg10[%dma_start3A_359, %dma_start3A_360] : memref<100000x8xf32, #tpu.memory_space<vmem_shared>> -> memref<100000x8xf32, #tpu.memory_space<vmem_shared>>
        tpu.enqueue_indirect_dma source(%dma_start3A_355 : memref<128x8xf32, #tpu.memory_space<vmem>>) target(%dma_start3A_361 : memref<100000x8xf32, #tpu.memory_space<vmem_shared>>) offsets(%dma_start3A_358 : memref<128xi32, #tpu.memory_space<vmem>>) semaphore(%arg31 : memref<!tpu.dma_semaphore, #tpu.memory_space<semaphore_mem>>) {add = true}
        %dma_start3A_362 = arith.constant 0 : i32
        %dma_start3A_363 = arith.constant 0 : i32
        %dma_start3A_364 = arith.constant 0 : i32
        %dma_start3A_365 = tpu.memref_slice %arg27[%dma_start3A_363, %dma_start3A_364] : memref<384x8xf32, #tpu.memory_space<vmem>> -> memref<128x8xf32, #tpu.memory_space<vmem>>
        %dma_start3A_366 = arith.constant 0 : i32
        %dma_start3A_367 = tpu.memref_slice %arg24[%dma_start3A_362, %dma_start3A_366] : memref<3x128xi32, #tpu.memory_space<vmem>> -> memref<1x128xi32, #tpu.memory_space<vmem>>
        %dma_start3A_368 = tpu.memref_squeeze %dma_start3A_367 : memref<1x128xi32, #tpu.memory_space<vmem>> -> memref<128xi32, #tpu.memory_space<vmem>>
        %dma_start3A_369 = arith.constant 0 : i32
        %dma_start3A_370 = arith.constant 0 : i32
        %dma_start3A_371 = tpu.memref_slice %arg11[%dma_start3A_369, %dma_start3A_370] : memref<100000x8xf32, #tpu.memory_space<vmem_shared>> -> memref<100000x8xf32, #tpu.memory_space<vmem_shared>>
        tpu.enqueue_indirect_dma source(%dma_start3A_365 : memref<128x8xf32, #tpu.memory_space<vmem>>) target(%dma_start3A_371 : memref<100000x8xf32, #tpu.memory_space<vmem_shared>>) offsets(%dma_start3A_368 : memref<128xi32, #tpu.memory_space<vmem>>) semaphore(%arg31 : memref<!tpu.dma_semaphore, #tpu.memory_space<semaphore_mem>>) {add = true}
        %dma_start3A_372 = arith.constant 1 : i32
        %dma_start3A_373 = arith.constant 128 : i32
        %dma_start3A_374 = arith.constant 0 : i32
        %dma_start3A_375 = tpu.memref_slice %arg25[%dma_start3A_373, %dma_start3A_374] : memref<384x8xf32, #tpu.memory_space<vmem>> -> memref<128x8xf32, #tpu.memory_space<vmem>>
        %dma_start3A_376 = arith.constant 0 : i32
        %dma_start3A_377 = tpu.memref_slice %arg23[%dma_start3A_372, %dma_start3A_376] : memref<3x128xi32, #tpu.memory_space<vmem>> -> memref<1x128xi32, #tpu.memory_space<vmem>>
        %dma_start3A_378 = tpu.memref_squeeze %dma_start3A_377 : memref<1x128xi32, #tpu.memory_space<vmem>> -> memref<128xi32, #tpu.memory_space<vmem>>
        %dma_start3A_379 = arith.constant 0 : i32
        %dma_start3A_380 = arith.constant 0 : i32
        %dma_start3A_381 = tpu.memref_slice %arg10[%dma_start3A_379, %dma_start3A_380] : memref<100000x8xf32, #tpu.memory_space<vmem_shared>> -> memref<100000x8xf32, #tpu.memory_space<vmem_shared>>
        tpu.enqueue_indirect_dma source(%dma_start3A_375 : memref<128x8xf32, #tpu.memory_space<vmem>>) target(%dma_start3A_381 : memref<100000x8xf32, #tpu.memory_space<vmem_shared>>) offsets(%dma_start3A_378 : memref<128xi32, #tpu.memory_space<vmem>>) semaphore(%arg31 : memref<!tpu.dma_semaphore, #tpu.memory_space<semaphore_mem>>) {add = true}
        %dma_start3A_382 = arith.constant 1 : i32
        %dma_start3A_383 = arith.constant 128 : i32
        %dma_start3A_384 = arith.constant 0 : i32
        %dma_start3A_385 = tpu.memref_slice %arg26[%dma_start3A_383, %dma_start3A_384] : memref<384x8xf32, #tpu.memory_space<vmem>> -> memref<128x8xf32, #tpu.memory_space<vmem>>
        %dma_start3A_386 = arith.constant 0 : i32
        %dma_start3A_387 = tpu.memref_slice %arg24[%dma_start3A_382, %dma_start3A_386] : memref<3x128xi32, #tpu.memory_space<vmem>> -> memref<1x128xi32, #tpu.memory_space<vmem>>
        %dma_start3A_388 = tpu.memref_squeeze %dma_start3A_387 : memref<1x128xi32, #tpu.memory_space<vmem>> -> memref<128xi32, #tpu.memory_space<vmem>>
        %dma_start3A_389 = arith.constant 0 : i32
        %dma_start3A_390 = arith.constant 0 : i32
        %dma_start3A_391 = tpu.memref_slice %arg10[%dma_start3A_389, %dma_start3A_390] : memref<100000x8xf32, #tpu.memory_space<vmem_shared>> -> memref<100000x8xf32, #tpu.memory_space<vmem_shared>>
        tpu.enqueue_indirect_dma source(%dma_start3A_385 : memref<128x8xf32, #tpu.memory_space<vmem>>) target(%dma_start3A_391 : memref<100000x8xf32, #tpu.memory_space<vmem_shared>>) offsets(%dma_start3A_388 : memref<128xi32, #tpu.memory_space<vmem>>) semaphore(%arg31 : memref<!tpu.dma_semaphore, #tpu.memory_space<semaphore_mem>>) {add = true}
        %dma_start3A_392 = arith.constant 1 : i32
        %dma_start3A_393 = arith.constant 128 : i32
        %dma_start3A_394 = arith.constant 0 : i32
        %dma_start3A_395 = tpu.memref_slice %arg27[%dma_start3A_393, %dma_start3A_394] : memref<384x8xf32, #tpu.memory_space<vmem>> -> memref<128x8xf32, #tpu.memory_space<vmem>>
        %dma_start3A_396 = arith.constant 0 : i32
        %dma_start3A_397 = tpu.memref_slice %arg24[%dma_start3A_392, %dma_start3A_396] : memref<3x128xi32, #tpu.memory_space<vmem>> -> memref<1x128xi32, #tpu.memory_space<vmem>>
        %dma_start3A_398 = tpu.memref_squeeze %dma_start3A_397 : memref<1x128xi32, #tpu.memory_space<vmem>> -> memref<128xi32, #tpu.memory_space<vmem>>
        %dma_start3A_399 = arith.constant 0 : i32
        %dma_start3A_400 = arith.constant 0 : i32
        %dma_start3A_401 = tpu.memref_slice %arg11[%dma_start3A_399, %dma_start3A_400] : memref<100000x8xf32, #tpu.memory_space<vmem_shared>> -> memref<100000x8xf32, #tpu.memory_space<vmem_shared>>
        tpu.enqueue_indirect_dma source(%dma_start3A_395 : memref<128x8xf32, #tpu.memory_space<vmem>>) target(%dma_start3A_401 : memref<100000x8xf32, #tpu.memory_space<vmem_shared>>) offsets(%dma_start3A_398 : memref<128xi32, #tpu.memory_space<vmem>>) semaphore(%arg31 : memref<!tpu.dma_semaphore, #tpu.memory_space<semaphore_mem>>) {add = true}
        %dma_start3A_402 = arith.constant 2 : i32
        %dma_start3A_403 = arith.constant 256 : i32
        %dma_start3A_404 = arith.constant 0 : i32
        %dma_start3A_405 = tpu.memref_slice %arg25[%dma_start3A_403, %dma_start3A_404] : memref<384x8xf32, #tpu.memory_space<vmem>> -> memref<128x8xf32, #tpu.memory_space<vmem>>
        %dma_start3A_406 = arith.constant 0 : i32
        %dma_start3A_407 = tpu.memref_slice %arg23[%dma_start3A_402, %dma_start3A_406] : memref<3x128xi32, #tpu.memory_space<vmem>> -> memref<1x128xi32, #tpu.memory_space<vmem>>
        %dma_start3A_408 = tpu.memref_squeeze %dma_start3A_407 : memref<1x128xi32, #tpu.memory_space<vmem>> -> memref<128xi32, #tpu.memory_space<vmem>>
        %dma_start3A_409 = arith.constant 0 : i32
        %dma_start3A_410 = arith.constant 0 : i32
        %dma_start3A_411 = tpu.memref_slice %arg10[%dma_start3A_409, %dma_start3A_410] : memref<100000x8xf32, #tpu.memory_space<vmem_shared>> -> memref<100000x8xf32, #tpu.memory_space<vmem_shared>>
        tpu.enqueue_indirect_dma source(%dma_start3A_405 : memref<128x8xf32, #tpu.memory_space<vmem>>) target(%dma_start3A_411 : memref<100000x8xf32, #tpu.memory_space<vmem_shared>>) offsets(%dma_start3A_408 : memref<128xi32, #tpu.memory_space<vmem>>) semaphore(%arg31 : memref<!tpu.dma_semaphore, #tpu.memory_space<semaphore_mem>>) {add = true}
        %dma_start3A_412 = arith.constant 2 : i32
        %dma_start3A_413 = arith.constant 256 : i32
        %dma_start3A_414 = arith.constant 0 : i32
        %dma_start3A_415 = tpu.memref_slice %arg26[%dma_start3A_413, %dma_start3A_414] : memref<384x8xf32, #tpu.memory_space<vmem>> -> memref<128x8xf32, #tpu.memory_space<vmem>>
        %dma_start3A_416 = arith.constant 0 : i32
        %dma_start3A_417 = tpu.memref_slice %arg24[%dma_start3A_412, %dma_start3A_416] : memref<3x128xi32, #tpu.memory_space<vmem>> -> memref<1x128xi32, #tpu.memory_space<vmem>>
        %dma_start3A_418 = tpu.memref_squeeze %dma_start3A_417 : memref<1x128xi32, #tpu.memory_space<vmem>> -> memref<128xi32, #tpu.memory_space<vmem>>
        %dma_start3A_419 = arith.constant 0 : i32
        %dma_start3A_420 = arith.constant 0 : i32
        %dma_start3A_421 = tpu.memref_slice %arg10[%dma_start3A_419, %dma_start3A_420] : memref<100000x8xf32, #tpu.memory_space<vmem_shared>> -> memref<100000x8xf32, #tpu.memory_space<vmem_shared>>
        tpu.enqueue_indirect_dma source(%dma_start3A_415 : memref<128x8xf32, #tpu.memory_space<vmem>>) target(%dma_start3A_421 : memref<100000x8xf32, #tpu.memory_space<vmem_shared>>) offsets(%dma_start3A_418 : memref<128xi32, #tpu.memory_space<vmem>>) semaphore(%arg31 : memref<!tpu.dma_semaphore, #tpu.memory_space<semaphore_mem>>) {add = true}
        %dma_start3A_422 = arith.constant 2 : i32
        %dma_start3A_423 = arith.constant 256 : i32
        %dma_start3A_424 = arith.constant 0 : i32
        %dma_start3A_425 = tpu.memref_slice %arg27[%dma_start3A_423, %dma_start3A_424] : memref<384x8xf32, #tpu.memory_space<vmem>> -> memref<128x8xf32, #tpu.memory_space<vmem>>
        %dma_start3A_426 = arith.constant 0 : i32
        %dma_start3A_427 = tpu.memref_slice %arg24[%dma_start3A_422, %dma_start3A_426] : memref<3x128xi32, #tpu.memory_space<vmem>> -> memref<1x128xi32, #tpu.memory_space<vmem>>
        %dma_start3A_428 = tpu.memref_squeeze %dma_start3A_427 : memref<1x128xi32, #tpu.memory_space<vmem>> -> memref<128xi32, #tpu.memory_space<vmem>>
        %dma_start3A_429 = arith.constant 0 : i32
        %dma_start3A_430 = arith.constant 0 : i32
        %dma_start3A_431 = tpu.memref_slice %arg11[%dma_start3A_429, %dma_start3A_430] : memref<100000x8xf32, #tpu.memory_space<vmem_shared>> -> memref<100000x8xf32, #tpu.memory_space<vmem_shared>>
        tpu.enqueue_indirect_dma source(%dma_start3A_425 : memref<128x8xf32, #tpu.memory_space<vmem>>) target(%dma_start3A_431 : memref<100000x8xf32, #tpu.memory_space<vmem_shared>>) offsets(%dma_start3A_428 : memref<128xi32, #tpu.memory_space<vmem>>) semaphore(%arg31 : memref<!tpu.dma_semaphore, #tpu.memory_space<semaphore_mem>>) {add = true}
        %add3A_432 = arith.constant 2 : i32
        %add3A_433 = arith.addi %add3A_275, %add3A_432 : i32
        %lt3A_434 = arith.constant 261 : i32
        %lt3A_435 = arith.cmpi slt, %add3A_433, %lt3A_434 : i32
        %convert_element_type3A_436 = arith.extui %lt3A_435 : i1 to i32
        %cond3A_437 = arith.constant 0 : i32
        %cond3A_438 = arith.cmpi ne, %convert_element_type3A_436, %cond3A_437 : i32
        scf.if %cond3A_438 {
          %add3A_439 = arith.constant 2 : i32
          %add3A_440 = arith.addi %add3A_275, %add3A_439 : i32
          %mul3A_441 = arith.constant 384 : i32
          %mul3A_442 = arith.muli %add3A_440, %mul3A_441 : i32
          %add3A_443 = arith.addi %mul3A_19, %mul3A_442 : i32
          %dma_start3A_444 = tpu.memref_slice %arg2[%add3A_443] : memref<3207168xf32, #tpu.memory_space<hbm>> -> memref<384xf32, #tpu.memory_space<hbm>>
          %dma_start3A_445 = tpu.memref_slice %arg2[%add3A_443] : memref<3207168xf32, #tpu.memory_space<hbm>> -> memref<384xf32, #tpu.memory_space<hbm>>
          tpu.enqueue_dma source(%dma_start3A_445 : memref<384xf32, #tpu.memory_space<hbm>>) target(%arg20 : memref<384xf32, #tpu.memory_space<vmem>>) target_semaphore(%arg29 : memref<!tpu.dma_semaphore, #tpu.memory_space<semaphore_mem>>)
          %dma_start3A_446 = tpu.memref_slice %arg3[%add3A_443] : memref<3207168xf32, #tpu.memory_space<hbm>> -> memref<384xf32, #tpu.memory_space<hbm>>
          %dma_start3A_447 = tpu.memref_slice %arg3[%add3A_443] : memref<3207168xf32, #tpu.memory_space<hbm>> -> memref<384xf32, #tpu.memory_space<hbm>>
          tpu.enqueue_dma source(%dma_start3A_447 : memref<384xf32, #tpu.memory_space<hbm>>) target(%arg21 : memref<384xf32, #tpu.memory_space<vmem>>) target_semaphore(%arg29 : memref<!tpu.dma_semaphore, #tpu.memory_space<semaphore_mem>>)
          %dma_start3A_448 = tpu.memref_slice %arg4[%add3A_443] : memref<3207168xf32, #tpu.memory_space<hbm>> -> memref<384xf32, #tpu.memory_space<hbm>>
          %dma_start3A_449 = tpu.memref_slice %arg4[%add3A_443] : memref<3207168xf32, #tpu.memory_space<hbm>> -> memref<384xf32, #tpu.memory_space<hbm>>
          tpu.enqueue_dma source(%dma_start3A_449 : memref<384xf32, #tpu.memory_space<hbm>>) target(%arg22 : memref<384xf32, #tpu.memory_space<vmem>>) target_semaphore(%arg29 : memref<!tpu.dma_semaphore, #tpu.memory_space<semaphore_mem>>)
        } else {
        }
      } else {
      }
    }
    %scan3A_39 = arith.constant 131 : i32
    %dma_wait3A = arith.constant 0 : i32
    %dma_wait3A_40 = arith.constant 0 : i32
    %dma_wait3A_41 = tpu.memref_slice %arg17[%dma_wait3A, %dma_wait3A_40] : memref<384x8xf32, #tpu.memory_space<vmem>> -> memref<128x8xf32, #tpu.memory_space<vmem>>
    %dma_wait3A_42 = arith.constant 0 : i32
    %dma_wait3A_43 = arith.constant 0 : i32
    %dma_wait3A_44 = tpu.memref_slice %arg7[%dma_wait3A_42, %dma_wait3A_43] : memref<6280x8xf32, #tpu.memory_space<hbm>> -> memref<128x8xf32, #tpu.memory_space<hbm>>
    %dma_wait3A_45 = arith.constant 0 : i32
    %dma_wait3A_46 = arith.constant 0 : i32
    %dma_wait3A_47 = tpu.memref_slice %arg17[%dma_wait3A_45, %dma_wait3A_46] : memref<384x8xf32, #tpu.memory_space<vmem>> -> memref<128x8xf32, #tpu.memory_space<vmem>>
    %dma_wait3A_48 = arith.constant 0 : i32
    %dma_wait3A_49 = arith.constant 0 : i32
    %dma_wait3A_50 = tpu.memref_slice %arg7[%dma_wait3A_48, %dma_wait3A_49] : memref<6280x8xf32, #tpu.memory_space<hbm>> -> memref<128x8xf32, #tpu.memory_space<hbm>>
    tpu.wait_dma2 semaphore(%arg30 : memref<!tpu.dma_semaphore, #tpu.memory_space<semaphore_mem>>) src(%dma_wait3A_50 : memref<128x8xf32, #tpu.memory_space<hbm>>) dst(%dma_wait3A_47 : memref<128x8xf32, #tpu.memory_space<vmem>>)
    %dma_wait3A_51 = arith.constant 0 : i32
    %dma_wait3A_52 = arith.constant 0 : i32
    %dma_wait3A_53 = tpu.memref_slice %arg17[%dma_wait3A_51, %dma_wait3A_52] : memref<384x8xf32, #tpu.memory_space<vmem>> -> memref<128x8xf32, #tpu.memory_space<vmem>>
    %dma_wait3A_54 = arith.constant 0 : i32
    %dma_wait3A_55 = arith.constant 0 : i32
    %dma_wait3A_56 = tpu.memref_slice %arg7[%dma_wait3A_54, %dma_wait3A_55] : memref<6280x8xf32, #tpu.memory_space<hbm>> -> memref<128x8xf32, #tpu.memory_space<hbm>>
    %dma_wait3A_57 = arith.constant 0 : i32
    %dma_wait3A_58 = arith.constant 0 : i32
    %dma_wait3A_59 = tpu.memref_slice %arg17[%dma_wait3A_57, %dma_wait3A_58] : memref<384x8xf32, #tpu.memory_space<vmem>> -> memref<128x8xf32, #tpu.memory_space<vmem>>
    %dma_wait3A_60 = arith.constant 0 : i32
    %dma_wait3A_61 = arith.constant 0 : i32
    %dma_wait3A_62 = tpu.memref_slice %arg7[%dma_wait3A_60, %dma_wait3A_61] : memref<6280x8xf32, #tpu.memory_space<hbm>> -> memref<128x8xf32, #tpu.memory_space<hbm>>
    tpu.wait_dma2 semaphore(%arg30 : memref<!tpu.dma_semaphore, #tpu.memory_space<semaphore_mem>>) src(%dma_wait3A_62 : memref<128x8xf32, #tpu.memory_space<hbm>>) dst(%dma_wait3A_59 : memref<128x8xf32, #tpu.memory_space<vmem>>)
    %dma_wait3A_63 = arith.constant 0 : i32
    %dma_wait3A_64 = arith.constant 0 : i32
    %dma_wait3A_65 = tpu.memref_slice %arg17[%dma_wait3A_63, %dma_wait3A_64] : memref<384x8xf32, #tpu.memory_space<vmem>> -> memref<128x8xf32, #tpu.memory_space<vmem>>
    %dma_wait3A_66 = arith.constant 0 : i32
    %dma_wait3A_67 = arith.constant 0 : i32
    %dma_wait3A_68 = tpu.memref_slice %arg7[%dma_wait3A_66, %dma_wait3A_67] : memref<6280x8xf32, #tpu.memory_space<hbm>> -> memref<128x8xf32, #tpu.memory_space<hbm>>
    %dma_wait3A_69 = arith.constant 0 : i32
    %dma_wait3A_70 = arith.constant 0 : i32
    %dma_wait3A_71 = tpu.memref_slice %arg17[%dma_wait3A_69, %dma_wait3A_70] : memref<384x8xf32, #tpu.memory_space<vmem>> -> memref<128x8xf32, #tpu.memory_space<vmem>>
    %dma_wait3A_72 = arith.constant 0 : i32
    %dma_wait3A_73 = arith.constant 0 : i32
    %dma_wait3A_74 = tpu.memref_slice %arg7[%dma_wait3A_72, %dma_wait3A_73] : memref<6280x8xf32, #tpu.memory_space<hbm>> -> memref<128x8xf32, #tpu.memory_space<hbm>>
    tpu.wait_dma2 semaphore(%arg30 : memref<!tpu.dma_semaphore, #tpu.memory_space<semaphore_mem>>) src(%dma_wait3A_74 : memref<128x8xf32, #tpu.memory_space<hbm>>) dst(%dma_wait3A_71 : memref<128x8xf32, #tpu.memory_space<vmem>>)
    %dma_wait3A_75 = arith.constant 0 : i32
    %dma_wait3A_76 = arith.constant 0 : i32
    %dma_wait3A_77 = tpu.memref_slice %arg17[%dma_wait3A_75, %dma_wait3A_76] : memref<384x8xf32, #tpu.memory_space<vmem>> -> memref<128x8xf32, #tpu.memory_space<vmem>>
    %dma_wait3A_78 = arith.constant 0 : i32
    %dma_wait3A_79 = arith.constant 0 : i32
    %dma_wait3A_80 = tpu.memref_slice %arg7[%dma_wait3A_78, %dma_wait3A_79] : memref<6280x8xf32, #tpu.memory_space<hbm>> -> memref<128x8xf32, #tpu.memory_space<hbm>>
    %dma_wait3A_81 = arith.constant 0 : i32
    %dma_wait3A_82 = arith.constant 0 : i32
    %dma_wait3A_83 = tpu.memref_slice %arg17[%dma_wait3A_81, %dma_wait3A_82] : memref<384x8xf32, #tpu.memory_space<vmem>> -> memref<128x8xf32, #tpu.memory_space<vmem>>
    %dma_wait3A_84 = arith.constant 0 : i32
    %dma_wait3A_85 = arith.constant 0 : i32
    %dma_wait3A_86 = tpu.memref_slice %arg7[%dma_wait3A_84, %dma_wait3A_85] : memref<6280x8xf32, #tpu.memory_space<hbm>> -> memref<128x8xf32, #tpu.memory_space<hbm>>
    tpu.wait_dma2 semaphore(%arg30 : memref<!tpu.dma_semaphore, #tpu.memory_space<semaphore_mem>>) src(%dma_wait3A_86 : memref<128x8xf32, #tpu.memory_space<hbm>>) dst(%dma_wait3A_83 : memref<128x8xf32, #tpu.memory_space<vmem>>)
    %dma_wait3A_87 = arith.constant 0 : i32
    %dma_wait3A_88 = arith.constant 0 : i32
    %dma_wait3A_89 = tpu.memref_slice %arg17[%dma_wait3A_87, %dma_wait3A_88] : memref<384x8xf32, #tpu.memory_space<vmem>> -> memref<128x8xf32, #tpu.memory_space<vmem>>
    %dma_wait3A_90 = arith.constant 0 : i32
    %dma_wait3A_91 = arith.constant 0 : i32
    %dma_wait3A_92 = tpu.memref_slice %arg7[%dma_wait3A_90, %dma_wait3A_91] : memref<6280x8xf32, #tpu.memory_space<hbm>> -> memref<128x8xf32, #tpu.memory_space<hbm>>
    %dma_wait3A_93 = arith.constant 0 : i32
    %dma_wait3A_94 = arith.constant 0 : i32
    %dma_wait3A_95 = tpu.memref_slice %arg17[%dma_wait3A_93, %dma_wait3A_94] : memref<384x8xf32, #tpu.memory_space<vmem>> -> memref<128x8xf32, #tpu.memory_space<vmem>>
    %dma_wait3A_96 = arith.constant 0 : i32
    %dma_wait3A_97 = arith.constant 0 : i32
    %dma_wait3A_98 = tpu.memref_slice %arg7[%dma_wait3A_96, %dma_wait3A_97] : memref<6280x8xf32, #tpu.memory_space<hbm>> -> memref<128x8xf32, #tpu.memory_space<hbm>>
    tpu.wait_dma2 semaphore(%arg30 : memref<!tpu.dma_semaphore, #tpu.memory_space<semaphore_mem>>) src(%dma_wait3A_98 : memref<128x8xf32, #tpu.memory_space<hbm>>) dst(%dma_wait3A_95 : memref<128x8xf32, #tpu.memory_space<vmem>>)
    %dma_wait3A_99 = arith.constant 0 : i32
    %dma_wait3A_100 = arith.constant 0 : i32
    %dma_wait3A_101 = tpu.memref_slice %arg17[%dma_wait3A_99, %dma_wait3A_100] : memref<384x8xf32, #tpu.memory_space<vmem>> -> memref<128x8xf32, #tpu.memory_space<vmem>>
    %dma_wait3A_102 = arith.constant 0 : i32
    %dma_wait3A_103 = arith.constant 0 : i32
    %dma_wait3A_104 = tpu.memref_slice %arg7[%dma_wait3A_102, %dma_wait3A_103] : memref<6280x8xf32, #tpu.memory_space<hbm>> -> memref<128x8xf32, #tpu.memory_space<hbm>>
    %dma_wait3A_105 = arith.constant 0 : i32
    %dma_wait3A_106 = arith.constant 0 : i32
    %dma_wait3A_107 = tpu.memref_slice %arg17[%dma_wait3A_105, %dma_wait3A_106] : memref<384x8xf32, #tpu.memory_space<vmem>> -> memref<128x8xf32, #tpu.memory_space<vmem>>
    %dma_wait3A_108 = arith.constant 0 : i32
    %dma_wait3A_109 = arith.constant 0 : i32
    %dma_wait3A_110 = tpu.memref_slice %arg7[%dma_wait3A_108, %dma_wait3A_109] : memref<6280x8xf32, #tpu.memory_space<hbm>> -> memref<128x8xf32, #tpu.memory_space<hbm>>
    tpu.wait_dma2 semaphore(%arg30 : memref<!tpu.dma_semaphore, #tpu.memory_space<semaphore_mem>>) src(%dma_wait3A_110 : memref<128x8xf32, #tpu.memory_space<hbm>>) dst(%dma_wait3A_107 : memref<128x8xf32, #tpu.memory_space<vmem>>)
    %dma_wait3A_111 = arith.constant 0 : i32
    %dma_wait3A_112 = arith.constant 0 : i32
    %dma_wait3A_113 = tpu.memref_slice %arg17[%dma_wait3A_111, %dma_wait3A_112] : memref<384x8xf32, #tpu.memory_space<vmem>> -> memref<128x8xf32, #tpu.memory_space<vmem>>
    %dma_wait3A_114 = arith.constant 0 : i32
    %dma_wait3A_115 = arith.constant 0 : i32
    %dma_wait3A_116 = tpu.memref_slice %arg7[%dma_wait3A_114, %dma_wait3A_115] : memref<6280x8xf32, #tpu.memory_space<hbm>> -> memref<128x8xf32, #tpu.memory_space<hbm>>
    %dma_wait3A_117 = arith.constant 0 : i32
    %dma_wait3A_118 = arith.constant 0 : i32
    %dma_wait3A_119 = tpu.memref_slice %arg17[%dma_wait3A_117, %dma_wait3A_118] : memref<384x8xf32, #tpu.memory_space<vmem>> -> memref<128x8xf32, #tpu.memory_space<vmem>>
    %dma_wait3A_120 = arith.constant 0 : i32
    %dma_wait3A_121 = arith.constant 0 : i32
    %dma_wait3A_122 = tpu.memref_slice %arg7[%dma_wait3A_120, %dma_wait3A_121] : memref<6280x8xf32, #tpu.memory_space<hbm>> -> memref<128x8xf32, #tpu.memory_space<hbm>>
    tpu.wait_dma2 semaphore(%arg30 : memref<!tpu.dma_semaphore, #tpu.memory_space<semaphore_mem>>) src(%dma_wait3A_122 : memref<128x8xf32, #tpu.memory_space<hbm>>) dst(%dma_wait3A_119 : memref<128x8xf32, #tpu.memory_space<vmem>>)
    %dma_wait3A_123 = arith.constant 0 : i32
    %dma_wait3A_124 = arith.constant 0 : i32
    %dma_wait3A_125 = tpu.memref_slice %arg17[%dma_wait3A_123, %dma_wait3A_124] : memref<384x8xf32, #tpu.memory_space<vmem>> -> memref<128x8xf32, #tpu.memory_space<vmem>>
    %dma_wait3A_126 = arith.constant 0 : i32
    %dma_wait3A_127 = arith.constant 0 : i32
    %dma_wait3A_128 = tpu.memref_slice %arg7[%dma_wait3A_126, %dma_wait3A_127] : memref<6280x8xf32, #tpu.memory_space<hbm>> -> memref<128x8xf32, #tpu.memory_space<hbm>>
    %dma_wait3A_129 = arith.constant 0 : i32
    %dma_wait3A_130 = arith.constant 0 : i32
    %dma_wait3A_131 = tpu.memref_slice %arg17[%dma_wait3A_129, %dma_wait3A_130] : memref<384x8xf32, #tpu.memory_space<vmem>> -> memref<128x8xf32, #tpu.memory_space<vmem>>
    %dma_wait3A_132 = arith.constant 0 : i32
    %dma_wait3A_133 = arith.constant 0 : i32
    %dma_wait3A_134 = tpu.memref_slice %arg7[%dma_wait3A_132, %dma_wait3A_133] : memref<6280x8xf32, #tpu.memory_space<hbm>> -> memref<128x8xf32, #tpu.memory_space<hbm>>
    tpu.wait_dma2 semaphore(%arg30 : memref<!tpu.dma_semaphore, #tpu.memory_space<semaphore_mem>>) src(%dma_wait3A_134 : memref<128x8xf32, #tpu.memory_space<hbm>>) dst(%dma_wait3A_131 : memref<128x8xf32, #tpu.memory_space<vmem>>)
    %dma_wait3A_135 = arith.constant 0 : i32
    %dma_wait3A_136 = arith.constant 0 : i32
    %dma_wait3A_137 = tpu.memref_slice %arg17[%dma_wait3A_135, %dma_wait3A_136] : memref<384x8xf32, #tpu.memory_space<vmem>> -> memref<128x8xf32, #tpu.memory_space<vmem>>
    %dma_wait3A_138 = arith.constant 0 : i32
    %dma_wait3A_139 = arith.constant 0 : i32
    %dma_wait3A_140 = tpu.memref_slice %arg7[%dma_wait3A_138, %dma_wait3A_139] : memref<6280x8xf32, #tpu.memory_space<hbm>> -> memref<128x8xf32, #tpu.memory_space<hbm>>
    %dma_wait3A_141 = arith.constant 0 : i32
    %dma_wait3A_142 = arith.constant 0 : i32
    %dma_wait3A_143 = tpu.memref_slice %arg17[%dma_wait3A_141, %dma_wait3A_142] : memref<384x8xf32, #tpu.memory_space<vmem>> -> memref<128x8xf32, #tpu.memory_space<vmem>>
    %dma_wait3A_144 = arith.constant 0 : i32
    %dma_wait3A_145 = arith.constant 0 : i32
    %dma_wait3A_146 = tpu.memref_slice %arg7[%dma_wait3A_144, %dma_wait3A_145] : memref<6280x8xf32, #tpu.memory_space<hbm>> -> memref<128x8xf32, #tpu.memory_space<hbm>>
    tpu.wait_dma2 semaphore(%arg30 : memref<!tpu.dma_semaphore, #tpu.memory_space<semaphore_mem>>) src(%dma_wait3A_146 : memref<128x8xf32, #tpu.memory_space<hbm>>) dst(%dma_wait3A_143 : memref<128x8xf32, #tpu.memory_space<vmem>>)
    %dma_wait3A_147 = arith.constant 0 : i32
    %dma_wait3A_148 = arith.constant 0 : i32
    %dma_wait3A_149 = tpu.memref_slice %arg25[%dma_wait3A_147, %dma_wait3A_148] : memref<384x8xf32, #tpu.memory_space<vmem>> -> memref<128x8xf32, #tpu.memory_space<vmem>>
    %dma_wait3A_150 = arith.constant 0 : i32
    %dma_wait3A_151 = arith.constant 0 : i32
    %dma_wait3A_152 = tpu.memref_slice %arg7[%dma_wait3A_150, %dma_wait3A_151] : memref<6280x8xf32, #tpu.memory_space<hbm>> -> memref<128x8xf32, #tpu.memory_space<hbm>>
    %dma_wait3A_153 = arith.constant 0 : i32
    %dma_wait3A_154 = arith.constant 0 : i32
    %dma_wait3A_155 = tpu.memref_slice %arg25[%dma_wait3A_153, %dma_wait3A_154] : memref<384x8xf32, #tpu.memory_space<vmem>> -> memref<128x8xf32, #tpu.memory_space<vmem>>
    %dma_wait3A_156 = arith.constant 0 : i32
    %dma_wait3A_157 = arith.constant 0 : i32
    %dma_wait3A_158 = tpu.memref_slice %arg7[%dma_wait3A_156, %dma_wait3A_157] : memref<6280x8xf32, #tpu.memory_space<hbm>> -> memref<128x8xf32, #tpu.memory_space<hbm>>
    tpu.wait_dma2 semaphore(%arg31 : memref<!tpu.dma_semaphore, #tpu.memory_space<semaphore_mem>>) src(%dma_wait3A_158 : memref<128x8xf32, #tpu.memory_space<hbm>>) dst(%dma_wait3A_155 : memref<128x8xf32, #tpu.memory_space<vmem>>)
    %dma_wait3A_159 = arith.constant 0 : i32
    %dma_wait3A_160 = arith.constant 0 : i32
    %dma_wait3A_161 = tpu.memref_slice %arg25[%dma_wait3A_159, %dma_wait3A_160] : memref<384x8xf32, #tpu.memory_space<vmem>> -> memref<128x8xf32, #tpu.memory_space<vmem>>
    %dma_wait3A_162 = arith.constant 0 : i32
    %dma_wait3A_163 = arith.constant 0 : i32
    %dma_wait3A_164 = tpu.memref_slice %arg7[%dma_wait3A_162, %dma_wait3A_163] : memref<6280x8xf32, #tpu.memory_space<hbm>> -> memref<128x8xf32, #tpu.memory_space<hbm>>
    %dma_wait3A_165 = arith.constant 0 : i32
    %dma_wait3A_166 = arith.constant 0 : i32
    %dma_wait3A_167 = tpu.memref_slice %arg25[%dma_wait3A_165, %dma_wait3A_166] : memref<384x8xf32, #tpu.memory_space<vmem>> -> memref<128x8xf32, #tpu.memory_space<vmem>>
    %dma_wait3A_168 = arith.constant 0 : i32
    %dma_wait3A_169 = arith.constant 0 : i32
    %dma_wait3A_170 = tpu.memref_slice %arg7[%dma_wait3A_168, %dma_wait3A_169] : memref<6280x8xf32, #tpu.memory_space<hbm>> -> memref<128x8xf32, #tpu.memory_space<hbm>>
    tpu.wait_dma2 semaphore(%arg31 : memref<!tpu.dma_semaphore, #tpu.memory_space<semaphore_mem>>) src(%dma_wait3A_170 : memref<128x8xf32, #tpu.memory_space<hbm>>) dst(%dma_wait3A_167 : memref<128x8xf32, #tpu.memory_space<vmem>>)
    %dma_wait3A_171 = arith.constant 0 : i32
    %dma_wait3A_172 = arith.constant 0 : i32
    %dma_wait3A_173 = tpu.memref_slice %arg25[%dma_wait3A_171, %dma_wait3A_172] : memref<384x8xf32, #tpu.memory_space<vmem>> -> memref<128x8xf32, #tpu.memory_space<vmem>>
    %dma_wait3A_174 = arith.constant 0 : i32
    %dma_wait3A_175 = arith.constant 0 : i32
    %dma_wait3A_176 = tpu.memref_slice %arg7[%dma_wait3A_174, %dma_wait3A_175] : memref<6280x8xf32, #tpu.memory_space<hbm>> -> memref<128x8xf32, #tpu.memory_space<hbm>>
    %dma_wait3A_177 = arith.constant 0 : i32
    %dma_wait3A_178 = arith.constant 0 : i32
    %dma_wait3A_179 = tpu.memref_slice %arg25[%dma_wait3A_177, %dma_wait3A_178] : memref<384x8xf32, #tpu.memory_space<vmem>> -> memref<128x8xf32, #tpu.memory_space<vmem>>
    %dma_wait3A_180 = arith.constant 0 : i32
    %dma_wait3A_181 = arith.constant 0 : i32
    %dma_wait3A_182 = tpu.memref_slice %arg7[%dma_wait3A_180, %dma_wait3A_181] : memref<6280x8xf32, #tpu.memory_space<hbm>> -> memref<128x8xf32, #tpu.memory_space<hbm>>
    tpu.wait_dma2 semaphore(%arg31 : memref<!tpu.dma_semaphore, #tpu.memory_space<semaphore_mem>>) src(%dma_wait3A_182 : memref<128x8xf32, #tpu.memory_space<hbm>>) dst(%dma_wait3A_179 : memref<128x8xf32, #tpu.memory_space<vmem>>)
    %dma_wait3A_183 = arith.constant 0 : i32
    %dma_wait3A_184 = arith.constant 0 : i32
    %dma_wait3A_185 = tpu.memref_slice %arg25[%dma_wait3A_183, %dma_wait3A_184] : memref<384x8xf32, #tpu.memory_space<vmem>> -> memref<128x8xf32, #tpu.memory_space<vmem>>
    %dma_wait3A_186 = arith.constant 0 : i32
    %dma_wait3A_187 = arith.constant 0 : i32
    %dma_wait3A_188 = tpu.memref_slice %arg7[%dma_wait3A_186, %dma_wait3A_187] : memref<6280x8xf32, #tpu.memory_space<hbm>> -> memref<128x8xf32, #tpu.memory_space<hbm>>
    %dma_wait3A_189 = arith.constant 0 : i32
    %dma_wait3A_190 = arith.constant 0 : i32
    %dma_wait3A_191 = tpu.memref_slice %arg25[%dma_wait3A_189, %dma_wait3A_190] : memref<384x8xf32, #tpu.memory_space<vmem>> -> memref<128x8xf32, #tpu.memory_space<vmem>>
    %dma_wait3A_192 = arith.constant 0 : i32
    %dma_wait3A_193 = arith.constant 0 : i32
    %dma_wait3A_194 = tpu.memref_slice %arg7[%dma_wait3A_192, %dma_wait3A_193] : memref<6280x8xf32, #tpu.memory_space<hbm>> -> memref<128x8xf32, #tpu.memory_space<hbm>>
    tpu.wait_dma2 semaphore(%arg31 : memref<!tpu.dma_semaphore, #tpu.memory_space<semaphore_mem>>) src(%dma_wait3A_194 : memref<128x8xf32, #tpu.memory_space<hbm>>) dst(%dma_wait3A_191 : memref<128x8xf32, #tpu.memory_space<vmem>>)
    %dma_wait3A_195 = arith.constant 0 : i32
    %dma_wait3A_196 = arith.constant 0 : i32
    %dma_wait3A_197 = tpu.memref_slice %arg25[%dma_wait3A_195, %dma_wait3A_196] : memref<384x8xf32, #tpu.memory_space<vmem>> -> memref<128x8xf32, #tpu.memory_space<vmem>>
    %dma_wait3A_198 = arith.constant 0 : i32
    %dma_wait3A_199 = arith.constant 0 : i32
    %dma_wait3A_200 = tpu.memref_slice %arg7[%dma_wait3A_198, %dma_wait3A_199] : memref<6280x8xf32, #tpu.memory_space<hbm>> -> memref<128x8xf32, #tpu.memory_space<hbm>>
    %dma_wait3A_201 = arith.constant 0 : i32
    %dma_wait3A_202 = arith.constant 0 : i32
    %dma_wait3A_203 = tpu.memref_slice %arg25[%dma_wait3A_201, %dma_wait3A_202] : memref<384x8xf32, #tpu.memory_space<vmem>> -> memref<128x8xf32, #tpu.memory_space<vmem>>
    %dma_wait3A_204 = arith.constant 0 : i32
    %dma_wait3A_205 = arith.constant 0 : i32
    %dma_wait3A_206 = tpu.memref_slice %arg7[%dma_wait3A_204, %dma_wait3A_205] : memref<6280x8xf32, #tpu.memory_space<hbm>> -> memref<128x8xf32, #tpu.memory_space<hbm>>
    tpu.wait_dma2 semaphore(%arg31 : memref<!tpu.dma_semaphore, #tpu.memory_space<semaphore_mem>>) src(%dma_wait3A_206 : memref<128x8xf32, #tpu.memory_space<hbm>>) dst(%dma_wait3A_203 : memref<128x8xf32, #tpu.memory_space<vmem>>)
    %dma_wait3A_207 = arith.constant 0 : i32
    %dma_wait3A_208 = arith.constant 0 : i32
    %dma_wait3A_209 = tpu.memref_slice %arg25[%dma_wait3A_207, %dma_wait3A_208] : memref<384x8xf32, #tpu.memory_space<vmem>> -> memref<128x8xf32, #tpu.memory_space<vmem>>
    %dma_wait3A_210 = arith.constant 0 : i32
    %dma_wait3A_211 = arith.constant 0 : i32
    %dma_wait3A_212 = tpu.memref_slice %arg7[%dma_wait3A_210, %dma_wait3A_211] : memref<6280x8xf32, #tpu.memory_space<hbm>> -> memref<128x8xf32, #tpu.memory_space<hbm>>
    %dma_wait3A_213 = arith.constant 0 : i32
    %dma_wait3A_214 = arith.constant 0 : i32
    %dma_wait3A_215 = tpu.memref_slice %arg25[%dma_wait3A_213, %dma_wait3A_214] : memref<384x8xf32, #tpu.memory_space<vmem>> -> memref<128x8xf32, #tpu.memory_space<vmem>>
    %dma_wait3A_216 = arith.constant 0 : i32
    %dma_wait3A_217 = arith.constant 0 : i32
    %dma_wait3A_218 = tpu.memref_slice %arg7[%dma_wait3A_216, %dma_wait3A_217] : memref<6280x8xf32, #tpu.memory_space<hbm>> -> memref<128x8xf32, #tpu.memory_space<hbm>>
    tpu.wait_dma2 semaphore(%arg31 : memref<!tpu.dma_semaphore, #tpu.memory_space<semaphore_mem>>) src(%dma_wait3A_218 : memref<128x8xf32, #tpu.memory_space<hbm>>) dst(%dma_wait3A_215 : memref<128x8xf32, #tpu.memory_space<vmem>>)
    %dma_wait3A_219 = arith.constant 0 : i32
    %dma_wait3A_220 = arith.constant 0 : i32
    %dma_wait3A_221 = tpu.memref_slice %arg25[%dma_wait3A_219, %dma_wait3A_220] : memref<384x8xf32, #tpu.memory_space<vmem>> -> memref<128x8xf32, #tpu.memory_space<vmem>>
    %dma_wait3A_222 = arith.constant 0 : i32
    %dma_wait3A_223 = arith.constant 0 : i32
    %dma_wait3A_224 = tpu.memref_slice %arg7[%dma_wait3A_222, %dma_wait3A_223] : memref<6280x8xf32, #tpu.memory_space<hbm>> -> memref<128x8xf32, #tpu.memory_space<hbm>>
    %dma_wait3A_225 = arith.constant 0 : i32
    %dma_wait3A_226 = arith.constant 0 : i32
    %dma_wait3A_227 = tpu.memref_slice %arg25[%dma_wait3A_225, %dma_wait3A_226] : memref<384x8xf32, #tpu.memory_space<vmem>> -> memref<128x8xf32, #tpu.memory_space<vmem>>
    %dma_wait3A_228 = arith.constant 0 : i32
    %dma_wait3A_229 = arith.constant 0 : i32
    %dma_wait3A_230 = tpu.memref_slice %arg7[%dma_wait3A_228, %dma_wait3A_229] : memref<6280x8xf32, #tpu.memory_space<hbm>> -> memref<128x8xf32, #tpu.memory_space<hbm>>
    tpu.wait_dma2 semaphore(%arg31 : memref<!tpu.dma_semaphore, #tpu.memory_space<semaphore_mem>>) src(%dma_wait3A_230 : memref<128x8xf32, #tpu.memory_space<hbm>>) dst(%dma_wait3A_227 : memref<128x8xf32, #tpu.memory_space<vmem>>)
    %dma_wait3A_231 = arith.constant 0 : i32
    %dma_wait3A_232 = arith.constant 0 : i32
    %dma_wait3A_233 = tpu.memref_slice %arg25[%dma_wait3A_231, %dma_wait3A_232] : memref<384x8xf32, #tpu.memory_space<vmem>> -> memref<128x8xf32, #tpu.memory_space<vmem>>
    %dma_wait3A_234 = arith.constant 0 : i32
    %dma_wait3A_235 = arith.constant 0 : i32
    %dma_wait3A_236 = tpu.memref_slice %arg7[%dma_wait3A_234, %dma_wait3A_235] : memref<6280x8xf32, #tpu.memory_space<hbm>> -> memref<128x8xf32, #tpu.memory_space<hbm>>
    %dma_wait3A_237 = arith.constant 0 : i32
    %dma_wait3A_238 = arith.constant 0 : i32
    %dma_wait3A_239 = tpu.memref_slice %arg25[%dma_wait3A_237, %dma_wait3A_238] : memref<384x8xf32, #tpu.memory_space<vmem>> -> memref<128x8xf32, #tpu.memory_space<vmem>>
    %dma_wait3A_240 = arith.constant 0 : i32
    %dma_wait3A_241 = arith.constant 0 : i32
    %dma_wait3A_242 = tpu.memref_slice %arg7[%dma_wait3A_240, %dma_wait3A_241] : memref<6280x8xf32, #tpu.memory_space<hbm>> -> memref<128x8xf32, #tpu.memory_space<hbm>>
    tpu.wait_dma2 semaphore(%arg31 : memref<!tpu.dma_semaphore, #tpu.memory_space<semaphore_mem>>) src(%dma_wait3A_242 : memref<128x8xf32, #tpu.memory_space<hbm>>) dst(%dma_wait3A_239 : memref<128x8xf32, #tpu.memory_space<vmem>>)
    %dma_wait3A_243 = arith.constant 0 : i32
    %dma_wait3A_244 = arith.constant 0 : i32
    %dma_wait3A_245 = tpu.memref_slice %arg25[%dma_wait3A_243, %dma_wait3A_244] : memref<384x8xf32, #tpu.memory_space<vmem>> -> memref<128x8xf32, #tpu.memory_space<vmem>>
    %dma_wait3A_246 = arith.constant 0 : i32
    %dma_wait3A_247 = arith.constant 0 : i32
    %dma_wait3A_248 = tpu.memref_slice %arg7[%dma_wait3A_246, %dma_wait3A_247] : memref<6280x8xf32, #tpu.memory_space<hbm>> -> memref<128x8xf32, #tpu.memory_space<hbm>>
    %dma_wait3A_249 = arith.constant 0 : i32
    %dma_wait3A_250 = arith.constant 0 : i32
    %dma_wait3A_251 = tpu.memref_slice %arg25[%dma_wait3A_249, %dma_wait3A_250] : memref<384x8xf32, #tpu.memory_space<vmem>> -> memref<128x8xf32, #tpu.memory_space<vmem>>
    %dma_wait3A_252 = arith.constant 0 : i32
    %dma_wait3A_253 = arith.constant 0 : i32
    %dma_wait3A_254 = tpu.memref_slice %arg7[%dma_wait3A_252, %dma_wait3A_253] : memref<6280x8xf32, #tpu.memory_space<hbm>> -> memref<128x8xf32, #tpu.memory_space<hbm>>
    tpu.wait_dma2 semaphore(%arg31 : memref<!tpu.dma_semaphore, #tpu.memory_space<semaphore_mem>>) src(%dma_wait3A_254 : memref<128x8xf32, #tpu.memory_space<hbm>>) dst(%dma_wait3A_251 : memref<128x8xf32, #tpu.memory_space<vmem>>)
    %barrier3A_255 = arith.constant 0 : index
    tpu.barrier barrier_id(%barrier3A_255)
    %lt3A = arith.constant 15 : i32
    %lt3A_256 = arith.cmpi slt, %arg1, %lt3A : i32
    %convert_element_type3A = arith.extui %lt3A_256 : i1 to i32
    %cond3A = arith.constant 0 : i32
    %cond3A_257 = arith.cmpi ne, %convert_element_type3A, %cond3A : i32
    scf.if %cond3A_257 {
      %mul3A_262 = arith.constant 6248 : i32
      %mul3A_263 = arith.muli %arg1, %mul3A_262 : i32
      "tpu.region"() ({
        %run_scoped3A = tpu.sem_alloc : memref<!tpu.dma_semaphore, #tpu.memory_space<semaphore_mem>>
        %dma_start3A_264 = arith.constant 0 : i32
        %dma_start3A_265 = tpu.memref_slice %arg8[%arg0, %mul3A_263, %dma_start3A_264] : memref<2x100000x8xf32, #tpu.memory_space<hbm>> -> memref<1x6248x8xf32, #tpu.memory_space<hbm>>
        %dma_start3A_266 = tpu.memref_squeeze %dma_start3A_265 : memref<1x6248x8xf32, #tpu.memory_space<hbm>> -> memref<6248x8xf32, #tpu.memory_space<hbm>>
        %dma_start3A_267 = arith.constant 0 : i32
        %dma_start3A_268 = tpu.memref_slice %arg10[%mul3A_263, %dma_start3A_267] : memref<100000x8xf32, #tpu.memory_space<vmem_shared>> -> memref<6248x8xf32, #tpu.memory_space<vmem_shared>>
        tpu.enqueue_dma source(%dma_start3A_268 : memref<6248x8xf32, #tpu.memory_space<vmem_shared>>) target(%dma_start3A_266 : memref<6248x8xf32, #tpu.memory_space<hbm>>) target_semaphore(%run_scoped3A : memref<!tpu.dma_semaphore, #tpu.memory_space<semaphore_mem>>)
        %dma_wait3A_269 = arith.constant 0 : i32
        %dma_wait3A_270 = tpu.memref_slice %arg8[%arg0, %mul3A_263, %dma_wait3A_269] : memref<2x100000x8xf32, #tpu.memory_space<hbm>> -> memref<1x6248x8xf32, #tpu.memory_space<hbm>>
        %dma_wait3A_271 = tpu.memref_squeeze %dma_wait3A_270 : memref<1x6248x8xf32, #tpu.memory_space<hbm>> -> memref<6248x8xf32, #tpu.memory_space<hbm>>
        %dma_wait3A_272 = arith.constant 0 : i32
        %dma_wait3A_273 = tpu.memref_slice %arg10[%mul3A_263, %dma_wait3A_272] : memref<100000x8xf32, #tpu.memory_space<vmem_shared>> -> memref<6248x8xf32, #tpu.memory_space<vmem_shared>>
        tpu.wait_dma2 semaphore(%run_scoped3A : memref<!tpu.dma_semaphore, #tpu.memory_space<semaphore_mem>>) src(%dma_wait3A_273 : memref<6248x8xf32, #tpu.memory_space<vmem_shared>>) dst(%dma_wait3A_271 : memref<6248x8xf32, #tpu.memory_space<hbm>>)
        tpu.yield
      }) : () -> ()
      "tpu.region"() ({
        %run_scoped3A = tpu.sem_alloc : memref<!tpu.dma_semaphore, #tpu.memory_space<semaphore_mem>>
        %dma_start3A_264 = arith.constant 0 : i32
        %dma_start3A_265 = tpu.memref_slice %arg9[%arg0, %mul3A_263, %dma_start3A_264] : memref<2x100000x8xf32, #tpu.memory_space<hbm>> -> memref<1x6248x8xf32, #tpu.memory_space<hbm>>
        %dma_start3A_266 = tpu.memref_squeeze %dma_start3A_265 : memref<1x6248x8xf32, #tpu.memory_space<hbm>> -> memref<6248x8xf32, #tpu.memory_space<hbm>>
        %dma_start3A_267 = arith.constant 0 : i32
        %dma_start3A_268 = tpu.memref_slice %arg11[%mul3A_263, %dma_start3A_267] : memref<100000x8xf32, #tpu.memory_space<vmem_shared>> -> memref<6248x8xf32, #tpu.memory_space<vmem_shared>>
        tpu.enqueue_dma source(%dma_start3A_268 : memref<6248x8xf32, #tpu.memory_space<vmem_shared>>) target(%dma_start3A_266 : memref<6248x8xf32, #tpu.memory_space<hbm>>) target_semaphore(%run_scoped3A : memref<!tpu.dma_semaphore, #tpu.memory_space<semaphore_mem>>)
        %dma_wait3A_269 = arith.constant 0 : i32
        %dma_wait3A_270 = tpu.memref_slice %arg9[%arg0, %mul3A_263, %dma_wait3A_269] : memref<2x100000x8xf32, #tpu.memory_space<hbm>> -> memref<1x6248x8xf32, #tpu.memory_space<hbm>>
        %dma_wait3A_271 = tpu.memref_squeeze %dma_wait3A_270 : memref<1x6248x8xf32, #tpu.memory_space<hbm>> -> memref<6248x8xf32, #tpu.memory_space<hbm>>
        %dma_wait3A_272 = arith.constant 0 : i32
        %dma_wait3A_273 = tpu.memref_slice %arg11[%mul3A_263, %dma_wait3A_272] : memref<100000x8xf32, #tpu.memory_space<vmem_shared>> -> memref<6248x8xf32, #tpu.memory_space<vmem_shared>>
        tpu.wait_dma2 semaphore(%run_scoped3A : memref<!tpu.dma_semaphore, #tpu.memory_space<semaphore_mem>>) src(%dma_wait3A_273 : memref<6248x8xf32, #tpu.memory_space<vmem_shared>>) dst(%dma_wait3A_271 : memref<6248x8xf32, #tpu.memory_space<hbm>>)
        tpu.yield
      }) : () -> ()
    } else {
    }
    %eq3A = arith.constant 15 : i32
    %eq3A_258 = arith.cmpi eq, %arg1, %eq3A : i32
    %convert_element_type3A_259 = arith.extui %eq3A_258 : i1 to i32
    %cond3A_260 = arith.constant 0 : i32
    %cond3A_261 = arith.cmpi ne, %convert_element_type3A_259, %cond3A_260 : i32
    scf.if %cond3A_261 {
      "tpu.region"() ({
        %run_scoped3A = tpu.sem_alloc : memref<!tpu.dma_semaphore, #tpu.memory_space<semaphore_mem>>
        %dma_start3A_262 = arith.constant 93720 : i32
        %dma_start3A_263 = arith.constant 0 : i32
        %dma_start3A_264 = tpu.memref_slice %arg8[%arg0, %dma_start3A_262, %dma_start3A_263] : memref<2x100000x8xf32, #tpu.memory_space<hbm>> -> memref<1x6280x8xf32, #tpu.memory_space<hbm>>
        %dma_start3A_265 = tpu.memref_squeeze %dma_start3A_264 : memref<1x6280x8xf32, #tpu.memory_space<hbm>> -> memref<6280x8xf32, #tpu.memory_space<hbm>>
        %dma_start3A_266 = arith.constant 93720 : i32
        %dma_start3A_267 = arith.constant 0 : i32
        %dma_start3A_268 = tpu.memref_slice %arg10[%dma_start3A_266, %dma_start3A_267] : memref<100000x8xf32, #tpu.memory_space<vmem_shared>> -> memref<6280x8xf32, #tpu.memory_space<vmem_shared>>
        tpu.enqueue_dma source(%dma_start3A_268 : memref<6280x8xf32, #tpu.memory_space<vmem_shared>>) target(%dma_start3A_265 : memref<6280x8xf32, #tpu.memory_space<hbm>>) target_semaphore(%run_scoped3A : memref<!tpu.dma_semaphore, #tpu.memory_space<semaphore_mem>>)
        %dma_wait3A_269 = arith.constant 93720 : i32
        %dma_wait3A_270 = arith.constant 0 : i32
        %dma_wait3A_271 = tpu.memref_slice %arg8[%arg0, %dma_wait3A_269, %dma_wait3A_270] : memref<2x100000x8xf32, #tpu.memory_space<hbm>> -> memref<1x6280x8xf32, #tpu.memory_space<hbm>>
        %dma_wait3A_272 = tpu.memref_squeeze %dma_wait3A_271 : memref<1x6280x8xf32, #tpu.memory_space<hbm>> -> memref<6280x8xf32, #tpu.memory_space<hbm>>
        %dma_wait3A_273 = arith.constant 93720 : i32
        %dma_wait3A_274 = arith.constant 0 : i32
        %dma_wait3A_275 = tpu.memref_slice %arg10[%dma_wait3A_273, %dma_wait3A_274] : memref<100000x8xf32, #tpu.memory_space<vmem_shared>> -> memref<6280x8xf32, #tpu.memory_space<vmem_shared>>
        tpu.wait_dma2 semaphore(%run_scoped3A : memref<!tpu.dma_semaphore, #tpu.memory_space<semaphore_mem>>) src(%dma_wait3A_275 : memref<6280x8xf32, #tpu.memory_space<vmem_shared>>) dst(%dma_wait3A_272 : memref<6280x8xf32, #tpu.memory_space<hbm>>)
        tpu.yield
      }) : () -> ()
      "tpu.region"() ({
        %run_scoped3A = tpu.sem_alloc : memref<!tpu.dma_semaphore, #tpu.memory_space<semaphore_mem>>
        %dma_start3A_262 = arith.constant 93720 : i32
        %dma_start3A_263 = arith.constant 0 : i32
        %dma_start3A_264 = tpu.memref_slice %arg9[%arg0, %dma_start3A_262, %dma_start3A_263] : memref<2x100000x8xf32, #tpu.memory_space<hbm>> -> memref<1x6280x8xf32, #tpu.memory_space<hbm>>
        %dma_start3A_265 = tpu.memref_squeeze %dma_start3A_264 : memref<1x6280x8xf32, #tpu.memory_space<hbm>> -> memref<6280x8xf32, #tpu.memory_space<hbm>>
        %dma_start3A_266 = arith.constant 93720 : i32
        %dma_start3A_267 = arith.constant 0 : i32
        %dma_start3A_268 = tpu.memref_slice %arg11[%dma_start3A_266, %dma_start3A_267] : memref<100000x8xf32, #tpu.memory_space<vmem_shared>> -> memref<6280x8xf32, #tpu.memory_space<vmem_shared>>
        tpu.enqueue_dma source(%dma_start3A_268 : memref<6280x8xf32, #tpu.memory_space<vmem_shared>>) target(%dma_start3A_265 : memref<6280x8xf32, #tpu.memory_space<hbm>>) target_semaphore(%run_scoped3A : memref<!tpu.dma_semaphore, #tpu.memory_space<semaphore_mem>>)
        %dma_wait3A_269 = arith.constant 93720 : i32
        %dma_wait3A_270 = arith.constant 0 : i32
        %dma_wait3A_271 = tpu.memref_slice %arg9[%arg0, %dma_wait3A_269, %dma_wait3A_270] : memref<2x100000x8xf32, #tpu.memory_space<hbm>> -> memref<1x6280x8xf32, #tpu.memory_space<hbm>>
        %dma_wait3A_272 = tpu.memref_squeeze %dma_wait3A_271 : memref<1x6280x8xf32, #tpu.memory_space<hbm>> -> memref<6280x8xf32, #tpu.memory_space<hbm>>
        %dma_wait3A_273 = arith.constant 93720 : i32
        %dma_wait3A_274 = arith.constant 0 : i32
        %dma_wait3A_275 = tpu.memref_slice %arg11[%dma_wait3A_273, %dma_wait3A_274] : memref<100000x8xf32, #tpu.memory_space<vmem_shared>> -> memref<6280x8xf32, #tpu.memory_space<vmem_shared>>
        tpu.wait_dma2 semaphore(%run_scoped3A : memref<!tpu.dma_semaphore, #tpu.memory_space<semaphore_mem>>) src(%dma_wait3A_275 : memref<6280x8xf32, #tpu.memory_space<vmem_shared>>) dst(%dma_wait3A_272 : memref<6280x8xf32, #tpu.memory_space<hbm>>)
        tpu.yield
      }) : () -> ()
    } else {
    }
    return
  }
}

</mosaic_0001>

<sc_bundles>
// kernel: _sc_edge_scatter.3.cloned.1.call-start
scs
__scs_entry_jumppad:
0x0: {  	(pc) =	sbr.rel $0x88, $3  }
0x1: {  	(tag) =	ssettag $0x0;
	lr =	simm.s32 $0x1  }
0x2: {  	[smem:$0x3F9C] =	sst lr;
	_ =	strace $0xD0000000  }
0x3: {  	_ = 	snop  }
0x4: {  	_ = 	snop  }
0x5: {  	_ = 	snop  }
0x6: {  	_ = 	snop  }
0x7: {  	_ = 	snop  }
__scs_overlays_trampoline_lowered:
0x8: {  	[smem:$0x3FAB] =	sst s0  }
0x9: {  	[smem:$0x3FAC] =	sst s1  }
0xa: {  	[smem:$0x3FAD] =	sst s2  }
0xb: {  	[smem:$0x3FAE] =	sst s3  }
0xc: {  	[smem:$0x3FAF] =	sst s4  }
0xd: {  	[smem:$0x3FB0] =	sst s5  }
0xe: {  	[smem:$0x3FB1] =	sst s6  }
0xf: {  	[smem:$0x3FB2] =	sst s7  }
0x10: {  	[smem:$0x3FB3] =	sst s8  }
0x11: {  	[smem:$0x3FB4] =	sst s9;
	s0 =	simm.s32 @!p0 $0x0  }
0x12: {  	s1 =	sld [smem:$0x3F9A];
	s0 =	simm.s32 @p0 $0x1  }
0x13: {  	[smem:$0x3FB5] =	sst s0;
	s0 =	simm.s32 @!p1 $0x0  }
0x14: {  	s2 =	sld [smem:$0x3F99];
	s0 =	simm.s32 @p1 $0x1  }
0x15: {  	[smem:$0x3FB6] =	sst s0;
	s0 =	simm.s32 @!p2 $0x0  }
0x16: {  	s3 =	sld [smem:$0x3FDB];
	s0 =	simm.s32 @p2 $0x1  }
0x17: {  	s4 =	simm.s32 $0x1BF5;
	[smem:$0x3FB8] =	sst s0  }
0x18: {  	s0 =	sld [smem:$0x3F9B];
	_ =	swait.ge [sflag:s4], $0x0  }
0x19: {  	s7 =	sld [smem:$0x3F9C]  }
0x1a: {  	s8 =	sadd.s32 $0xFFFFE003, lr  }
0x1b: {  	s9 =	sadd.s32 $0xFFFFFEF7, lr;
	s5 =	simm.s32 $0xFFFFFFFF;
	p2 =	slt.u32 s8, $0xFFFFF086  }
0x1c: {  	p1 =	slt.u32 s9, $0xF7A;
	s5 =	simm.s32 @!p2 $0x0  }
0x1d: {  	s5 =	simm.s32 @p1 $0x1;
	p0 =	seq.s32 s7, s2  }
0x1e: {  	s7 =	smul.u32 @!p0 $0xF7A, s2;
	p2 =	seq.s32 @!p0 s5, $0x0  }
0x1f: {  	s9 =	smul.u32 $0xF7A, s1;
	s8 =	simm.s32 @!p0 $0x1BF5;
	p2 =	por !p2, p0  }
0x20: {  	[sflag:s8] =	ssyncset.s32 @!p0 $0xFFFFF086;
	s6 =	sadd.s32 @!p0 s3, s7;
	s7 =	simm.s32 @!p0 $0x108  }
0x21: {  	s3 =	sadd.s32 s3, s9;
	s6 =	sadd.s32 @!p0 $0x88, s6;
	s7 =	simm.s32 @p2 $0x1082  }
0x22: {  	[simem:s7], [sflag:s8] =	dma.local @!p0 [hbm:s6], $0xF7A  }
0x23: {  	s9 =	sor.u32 $0xD0000000, s2;
	s6 =	simm.s32 $0x108;
	_ =	swait.ge @!p0 [sflag:s8], $0x0  }
0x24: {  	s3 =	sadd.s32 $0x88, s3;
	s6 =	simm.s32 @!p1 $0x1082;
	[sflag:s4] =	ssyncset.s32 $0xFFFFF086  }
0x25: {  	[simem:s6], [sflag:s4] =	dma.local [hbm:s3], $0xF7A  }
0x26: {  	[smem:$0x3F9C] =	sst s1;
	(tag) =	ssettag s2;
	_ =	strace s9  }
0x27: {  	s1 =	sld [smem:$0x3FAC]  }
0x28: {  	s2 =	sld [smem:$0x3FAD]  }
0x29: {  	s4 =	sld [smem:$0x3FAF]  }
0x2a: {  	p0 =	seq.s32 s5, $0x0;
	s5 =	sld [smem:$0x3FB0]  }
0x2b: {  	s6 =	sld [smem:$0x3FB1]  }
0x2c: {  	s7 =	sld [smem:$0x3FB2]  }
0x2d: {  	s3 =	simm.s32 $0x108;
	s8 =	sld [smem:$0x3FB3]  }
0x2e: {  	s3 =	simm.s32 @!p0 $0x1082;
	s9 =	sld [smem:$0x3FB4]  }
0x2f: {  	lr =	sadd.s32 s0, s3;
	s0 =	sld [smem:$0x3FAB]  }
0x30: {  	s3 =	sld [smem:$0x3FAE]  }
0x31: {  	[smem:$0x3FB7] =	sst s10  }
0x32: {  	s10 =	sld [smem:$0x3FB5];
	_ =	sdelay $0x3  }
0x33: {  	p0 =	seq.s32 s10, $0x1;
	s10 =	sld [smem:$0x3FB7];
	_ =	sdelay $0x3  }
0x34: {  	[smem:$0x3FB7] =	sst s10  }
0x35: {  	s10 =	sld [smem:$0x3FB6];
	_ =	sdelay $0x3  }
0x36: {  	p1 =	seq.s32 s10, $0x1;
	s10 =	sld [smem:$0x3FB7];
	_ =	sdelay $0x3  }
0x37: {  	[smem:$0x3FB7] =	sst s10  }
0x38: {  	s10 =	sld [smem:$0x3FB8]  }
0x39: {  	_ = 	snop;
	(pc) =	sbr.ind lr, $3  }
0x3a: {  	_ = 	snop  }
0x3b: {  	_ = 	snop  }
0x3c: {  	p2 =	seq.s32 s10, $0x1;
	s10 =	sld [smem:$0x3FB7]  }
0x3d: {  	_ =	shalt  }
0x3e: {  	_ =	shalt  }
0x3f: {  	_ =	shalt  }
0x40: {  	_ =	shalt  }
0x41: {  	_ =	shalt  }
0x42: {  	_ =	shalt  }
0x43: {  	_ =	shalt  }
0x44: {  	_ =	shalt  }
0x45: {  	_ =	shalt  }
0x46: {  	_ =	shalt  }
0x47: {  	_ =	shalt  }
0x48: {  	_ =	shalt  }
0x49: {  	_ =	shalt  }
0x4a: {  	_ =	shalt  }
0x4b: {  	_ =	shalt  }
0x4c: {  	_ =	shalt  }
0x4d: {  	_ =	shalt  }
0x4e: {  	_ =	shalt  }
0x4f: {  	_ =	shalt  }
0x50: {  	_ =	shalt  }
0x51: {  	_ =	shalt  }
0x52: {  	_ =	shalt  }
0x53: {  	_ =	shalt  }
0x54: {  	_ =	shalt  }
0x55: {  	_ =	shalt  }
0x56: {  	_ =	shalt  }
0x57: {  	_ =	shalt  }
0x58: {  	_ =	shalt  }
0x59: {  	_ =	shalt  }
0x5a: {  	_ =	shalt  }
0x5b: {  	_ =	shalt  }
0x5c: {  	_ =	shalt  }
0x5d: {  	_ =	shalt  }
0x5e: {  	_ =	shalt  }
0x5f: {  	_ =	shalt  }
0x60: {  	_ =	shalt  }
0x61: {  	_ =	shalt  }
0x62: {  	_ =	shalt  }
0x63: {  	_ =	shalt  }
0x64: {  	_ =	shalt  }
0x65: {  	_ =	shalt  }
0x66: {  	_ =	shalt  }
0x67: {  	_ =	shalt  }
0x68: {  	_ =	shalt  }
0x69: {  	_ =	shalt  }
0x6a: {  	_ =	shalt  }
0x6b: {  	_ =	shalt  }
0x6c: {  	_ =	shalt  }
0x6d: {  	_ =	shalt  }
0x6e: {  	_ =	shalt  }
0x6f: {  	_ =	shalt  }
0x70: {  	_ =	shalt  }
0x71: {  	_ =	shalt  }
0x72: {  	_ =	shalt  }
0x73: {  	_ =	shalt  }
0x74: {  	_ =	shalt  }
0x75: {  	_ =	shalt  }
0x76: {  	_ =	shalt  }
0x77: {  	_ =	shalt  }
0x78: {  	_ =	shalt  }
0x79: {  	_ =	shalt  }
0x7a: {  	_ =	shalt  }
0x7b: {  	_ =	shalt  }
0x7c: {  	_ =	shalt  }
0x7d: {  	_ =	shalt  }
0x7e: {  	_ =	shalt  }
0x7f: {  	_ =	shalt  }
0x80: {  	_ =	shalt  }
0x81: {  	_ =	shalt  }
0x82: {  	_ =	shalt  }
0x83: {  	_ =	shalt  }
0x84: {  	_ =	shalt  }
0x85: {  	_ =	shalt  }
0x86: {  	_ =	shalt  }
0x87: {  	_ =	shalt  }
.Lfunc_end0:
.L_simem_size_0:
called_computation_lowered:
.L_overlay_start_0:
0x88: {  	s2 =	sld [smem:$0x3FD9]  }
0x89: {  	s3 =	sld [smem:$0x3FFE];
	_ =	sdelay $0x1  }
0x8a: {  	s1 =	srdreg.scid  }
0x8b: {  	s0 =	sand.u32 $0x1, s1  }
0x8c: {  	s14 =	sshll.u32 s0, $0xA;
	s2 =	sadd.s32 s3, s2  }
0x8d: {  	s2 =	sadd.s32 s2, s14  }
0x8e: {  	[smem:$0x3FC3] =	sst s2  }
0x8f: {  	_ = 	snop  }
0x90: {  	s2 =	sld [smem:$0x3FC9]  }
0x91: {  	s15 =	sld [smem:$0x3FC8]  }
0x92: {  	s4 =	sld [smem:$0x3FD0]  }
0x93: {  	s5 =	sld [smem:$0x3FC7]  }
0x94: {  	s6 =	sld [smem:$0x3FC6]  }
0x95: {  	s8 =	simm.s32 $0xA;
	s9 =	simm.s32 $0x10;
	s7 =	sld [smem:$0x3FC5]  }
0x96: {  	[smem:s9], [sflag:s8] =	dma.local [hbm:s4], $0x1  }
0x97: {  	_ =	swait.eq [sflag:s8], $0x1  }
0x98: {  	[sflag:s8] =	ssyncset.done $0x0  }
0x99: {  	s16 =	sld [smem:$0x10];
	[sflag:s8] =	ssyncadd.s32 $0xFFFFFFFF  }
0x9a: {  	s17 =	sld [smem:$0x11];
	(tm) =	ssettm $0x1  }
0x9b: {  	s18 =	sld [smem:$0x3FFB];
	_ =	sdelay $0x3  }
0x9c: {  	_ =	strace s18  }
0x9d: {  	s9 =	sld [smem:$0x3FFC];
	_ =	sdelay $0x3  }
0x9e: {  	_ =	strace s9  }
0x9f: {  	s9 =	sld [smem:$0x3FFD];
	_ =	sdelay $0x3  }
0xa0: {  	_ =	strace s9  }
0xa1: {  	_ =	strace $0x8FFFFFFF  }
0xa2: {  	s19 =	sld [smem:$0x3FDB];
	_ =	sdelay $0x1  }
0xa3: {  	s10 =	simm.s32 $_scs_section_size  }
0xa4: {  	s11 =	simm.s32 $_size__tile_overlayer_lowered;
	s12 =	simm.s32 $_tile_overlayer_lowered  }
0xa5: {  	s22 =	simm.s32 $0x1BFF;
	s21 =	sshll.u32 s12, $0x1;
	s9 =	sadd.s32 s10, s19  }
0xa6: {  	s13 =	simm.s32 $0x0;
	s20 =	sshll.u32 s11, $0x1;
	s11 =	sadd.s32 s21, s9  }
0xa7: {  	[timem:s13], [sflag:s22] =	dma.local [hbm:s11], s20  }
0xa8: {  	_ =	swait.ge [sflag:s22], s20  }
0xa9: {  	s10 =	ssub.s32 $0x0, s20;
	[sflag:s22] =	ssyncset.done $0x0  }
0xaa: {  	[sflag:s22] =	ssyncadd.s32 s10;
	_ =	sdelay $0x1  }
0xab: {  	s23 =	simm.s32 $0x1B8B  }
0xac: {  	_ =	swait.ge [sflag:s23], $0x1  }
0xad: {  	[sflag:s23] =	ssyncset.done $0x0  }
0xae: {  	s25 =	simm.s32 $0x1B8E;
	s24 =	sld [smem:$0x3FFE];
	[sflag:s23] =	ssyncadd.s32 $0xFFFFFFFF  }
0xaf: {  	s26 =	simm.s32 $execute0_lowered;
	[smem:$0x3FD2] =	sst s25  }
0xb0: {  	s11 =	sshll.u32 s26, $0x1;
	_ =	strace $0x80000046;
	[dreg:$0x1] =	wrdreg $0xFFFFFFFF  }
0xb1: {  	s28 =	simm.s32 $_size_execute0_lowered;
	s9 =	sadd.s32 s9, s11;
	[dreg:$0x0] =	wrdreg $0x0  }
0xb2: {  	s11 =	sshll.u32 s28, $0x1;
	[dreg:$0x2] =	wrdreg s9  }
0xb3: {  	[dreg:$0x3] =	wrdreg s11  }
0xb4: {  	[dreg:$0x4] =	wrdreg $0xC0  }
0xb5: {  	_ =	task [dreg:s13], $0x5FFFF  }
0xb6: {  	[dreg:$0x1] =	wrdreg $0xFFFFFFFF  }
0xb7: {  	[dreg:$0x0] =	wrdreg $0x60  }
0xb8: {  	[dreg:$0x2] =	wrdreg s2  }
0xb9: {  	[dreg:$0x3] =	wrdreg s15  }
0xba: {  	[dreg:$0x4] =	wrdreg s5  }
0xbb: {  	[dreg:$0x5] =	wrdreg s6  }
0xbc: {  	[dreg:$0x6] =	wrdreg s7  }
0xbd: {  	[dreg:$0x7] =	wrdreg s24  }
0xbe: {  	[dreg:$0x8] =	wrdreg s16  }
0xbf: {  	[dreg:$0x9] =	wrdreg s17  }
0xc0: {  	[dreg:$0xa] =	wrdreg $0x0  }
0xc1: {  	[dreg:$0xb] =	wrdreg $0xC3500  }
0xc2: {  	[dreg:$0xc] =	wrdreg $0x9  }
0xc3: {  	_ =	task.clear_ibuf [dreg:s13], $0xDFFFF;
	_ =	strace $0x90000046  }
0xc4: {  	s29 =	simm.s32 $0x9;
	_ =	strace $0x80000048  }
0xc5: {  	_ =	swait.ge [sflag:s29], $0x1  }
0xc6: {  	[sflag:s29] =	ssyncadd.s32 $0xFFFFFFFF  }
0xc7: {  	_ =	strace $0x90000048  }
0xc8: {  	_ =	sfence  }
0xc9: {  	s30 =	sld [smem:$0x0];
	_ =	sdelay $0x2  }
0xca: {  	s31 =	sshll.u32 s1, $0xD;
	s1 =	sshrl.u32 s1, $0x2  }
0xcb: {  	s3 =	sand.u32 $0x4000, s31;
	s1 =	sadd.s32 s1, s30  }
0xcc: {  	s0 =	sor.u32 s3, s0;
	s1 =	sshll.u32 s1, $0x11  }
0xcd: {  	s0 =	sor.u32 s1, s0  }
0xce: {  	s0 =	sadd.s32 $0x8F2B, s0  }
0xcf: {  	[sflag:s0] =	ssyncadd.remote.s32 $0x1  }
0xd0: {  	_ =	sfence.sel $0xFFFF  }
0xd1: {  	[dreg:$0x0] =	wrdreg $0xFFFFFFFF;
	(pc) =	sbr.abs _section_cstart, $3  }
0xd2: {  	[dreg:$0x1] =	wrdreg $0xFFFFFFFF  }
0xd3: {  	_ =	task.clear_ibuf [dreg:s13], $0x2FFFF;
	_ =	strace $0x9FFFFFFF  }
0xd4: {  	(tm) =	ssettm $0x7FFFFFFF  }
0xd5: {  	_ =	shalt  }
tec
execute0_lowered:
.L_overlay_start_1:
0x0: {  	(tag) =	ssettag $0x1  }
0x1: {  	s10 =	rddreg [dreg:$0x0]  }
0x2: {  	s12 =	rddreg [dreg:$0x1]  }
0x3: {  	s13 =	rddreg [dreg:$0x2]  }
0x4: {  	s0 =	rddreg [dreg:$0x5]  }
0x5: {  	s1 =	rddreg [dreg:$0x6]  }
0x6: {  	s2 =	rddreg [dreg:$0x7]  }
0x7: {  	s6 =	rddreg [dreg:$0x8]  }
0x8: {  	s7 =	rddreg [dreg:$0x9];
	s9 =	simm.s32 $0x0;
	s3 =	srdreg.scid  }
0x9: {  	s14 =	stileid.u32;
	s28 =	simm.s32 $0x1;
	s30 =	simm.s32 $0x18D20  }
0xa: {  	[smem:$0x7FF] =	sst s9;
	s3 =	sand.u32 $0x1, s3;
	s4 =	sshll.u32 s14, $0x1  }
0xb: {  	s8 =	smul.u32 $0xC340, s14;
	s0 =	sadd.s32 $0xA00, s0;
	s25 =	sshll.u32 s14, $0x6  }
0xc: {  	p0 =	seq.s32 s14, $0xF;
	s14 =	simm.s32 $0x80;
	_ =	strace $0x80000047  }
0xd: {  	s5 =	ssub.s32 $0x2, s3;
	s4 =	sor.u32 s3, s4;
	[dreg:$0xb] =	wrdreg s0  }
0xe: {  	s31 =	sor.u32 $0x1C07, s25;
	s3 =	smul.u32 $0xC3500, s3;
	s24 =	sshrl.u32 s5, $0x1  }
0xf: {  	s11 =	smul.u32 $0x18780, s4;
	s29 =	sadd.s32 s8, s6;
	s15 =	sadd.s32 s8, s7  }
0x10: {  	[dreg:$0xd] =	wrdreg s31;
	s0 =	ssub.s32 s5, s24;
	s19 =	sadd.s32 s8, s3  }
0x11: {  	s3 =	sshrl.u32 s3, $0x3;
	s8 =	simm.s32 $0x19A20;
	[dreg:$0xc] =	wrdreg s29  }
0x12: {  	s26 =	sshrl.u32 s11, $0x3;
	s5 =	sshrl.u32 s19, $0x3;
	s0 =	smax.u32 s0, $0x1  }
0x13: {  	s3 =	sadd.s32 $0x16E18, s3;
	s25 =	sadd.s32 $0x300, s11;
	[dreg:$0x19] =	wrdreg s0  }
0x14: {  	s19 =	simm.s32 $0x186A0;
	s16 =	sadd.s32 s10, s26;
	[dreg:$0x1c] =	wrdreg s25  }
0x15: {  	s17 =	sadd.s32 s12, s26;
	s18 =	sadd.s32 s13, s26;
	[dreg:$0xf] =	wrdreg s16  }
0x16: {  	s4 =	sadd.s32 $0x30, s26;
	s21 =	sadd.s32 s1, s5;
	[dreg:$0x10] =	wrdreg s17  }
0x17: {  	s5 =	sadd.s32 s2, s5;
	s1 =	sadd.s32 s1, s3;
	[dreg:$0x11] =	wrdreg s18  }
0x18: {  	s22 =	sadd.s32 s2, s3;
	s26 =	sadd.s32 $0x480, s11;
	[dreg:$0x13] =	wrdreg s21  }
0x19: {  	s25 =	simm.s32 $0x1B820;
	s2 =	simm.s32 $0x2;
	[dreg:$0x14] =	wrdreg s5  }
0x1a: {  	s3 =	simm.s32 $0x6;
	s20 =	sadd.s32 s10, s4;
	[dreg:$0x15] =	wrdreg s1  }
0x1b: {  	s5 =	smov.u32 s15;
	[dreg:$0x16] =	wrdreg s22;
	s23 =	sadd.s32 s12, s4  }
0x1c: {  	s24 =	sadd.s32 s13, s4;
	s1 =	sadd.s32 $0xB70C0, s6;
	[dreg:$0x1d] =	wrdreg s26  }
0x1d: {  	s4 =	simm.s32 $0x18E20;
	s15 =	simm.s32 $0x1A620;
	s16 =	simm.s32 $0x1B9A0  }
0x1e: {  	s17 =	simm.s32 $0x1C5A0;
	s18 =	simm.s32 $0x1D1A0;
	s21 =	simm.s32 $0x189A0  }
0x1f: {  	s22 =	simm.s32 $0x1B220;
	s26 =	simm.s32 $0x18CA0;
	[dreg:$0x12] =	wrdreg s20  }
.Ltmp0:
0x20: {  	s12 =	simm.s32 $0x5;
	[dreg:$0x17] =	wrdreg s23;
	(pc) =	sbr.rel .LBB2_1-.Ltmp0, $4  }
0x21: {  	s13 =	simm.s32 $0x18DA0;
	[dreg:$0x18] =	wrdreg s24;
	s0 =	sshrl.u32 @p0 s1, $0x3  }
0x22: {  	v0 =	vlaneseq.u32;
	s10 =	simm.s32 $0x0;
	[dreg:$0x1a] =	wrdreg s0;
	s0 =	sadd.s32 $0xB70C0, s7  }
0x23: {  	v1 =	vor.u32 $0xFFFFFFC8, v0;
	s20 =	simm.s32 $0x18820;
	[dreg:$0xe] =	wrdreg s5;
	s0 =	sshrl.u32 @p0 s0, $0x3  }
0x24: {  	v2 =	vor.u32 $0xFFFFFFD8, v0;
	v3 =	vor.u32 $0xFFFFFFE8, v0;
	v4 =	vor.u32 $0xFFFFFFF8, v0;
	s23 =	simm.s32 $0x1B3A0;
	s24 =	simm.s32 $0x1B520;
	[dreg:$0x1b] =	wrdreg s0  }
.LBB2_10:
0x25: {  	s0 =	simm.s32 $0x3  }
0x26: {  	_ =	swait.ge [sflag:s0], $0x400  }
0x27: {  	[sflag:s0] =	ssyncset.done $0x0  }
0x28: {  	[sflag:s0] =	ssyncadd.s32 $0xFFFFFC00  }
0x29: {  	_ =	swait.ge [sflag:s0], $0x400  }
0x2a: {  	[sflag:s0] =	ssyncset.done $0x0  }
0x2b: {  	[sflag:s0] =	ssyncadd.s32 $0xFFFFFC00  }
0x2c: {  	_ =	swait.ge [sflag:s0], $0x400  }
0x2d: {  	[sflag:s0] =	ssyncset.done $0x0  }
0x2e: {  	[sflag:s0] =	ssyncadd.s32 $0xFFFFFC00  }
0x2f: {  	_ =	swait.ge [sflag:s0], $0x400  }
0x30: {  	[sflag:s0] =	ssyncset.done $0x0  }
0x31: {  	[sflag:s0] =	ssyncadd.s32 $0xFFFFFC00  }
0x32: {  	_ =	swait.ge [sflag:s0], $0x400  }
0x33: {  	[sflag:s0] =	ssyncset.done $0x0  }
0x34: {  	[sflag:s0] =	ssyncadd.s32 $0xFFFFFC00  }
0x35: {  	_ =	swait.ge [sflag:s0], $0x400  }
0x36: {  	[sflag:s0] =	ssyncset.done $0x0  }
0x37: {  	[sflag:s0] =	ssyncadd.s32 $0xFFFFFC00  }
0x38: {  	_ =	swait.ge [sflag:s0], $0x400  }
0x39: {  	[sflag:s0] =	ssyncset.done $0x0  }
0x3a: {  	[sflag:s0] =	ssyncadd.s32 $0xFFFFFC00  }
0x3b: {  	_ =	swait.ge [sflag:s0], $0x400  }
0x3c: {  	[sflag:s0] =	ssyncset.done $0x0  }
0x3d: {  	[sflag:s0] =	ssyncadd.s32 $0xFFFFFC00  }
0x3e: {  	_ =	swait.ge [sflag:s0], $0x400  }
0x3f: {  	[sflag:s0] =	ssyncset.done $0x0  }
0x40: {  	s10 =	simm.s32 $0x4;
	[sflag:s0] =	ssyncadd.s32 $0xFFFFFC00  }
0x41: {  	_ =	swait.ge [sflag:s10], $0x400  }
0x42: {  	[sflag:s10] =	ssyncset.done $0x0  }
0x43: {  	[sflag:s10] =	ssyncadd.s32 $0xFFFFFC00  }
0x44: {  	_ =	swait.ge [sflag:s10], $0x400  }
0x45: {  	[sflag:s10] =	ssyncset.done $0x0  }
0x46: {  	[sflag:s10] =	ssyncadd.s32 $0xFFFFFC00  }
0x47: {  	_ =	swait.ge [sflag:s10], $0x400  }
0x48: {  	[sflag:s10] =	ssyncset.done $0x0  }
0x49: {  	[sflag:s10] =	ssyncadd.s32 $0xFFFFFC00  }
0x4a: {  	_ =	swait.ge [sflag:s10], $0x400  }
0x4b: {  	[sflag:s10] =	ssyncset.done $0x0  }
0x4c: {  	[sflag:s10] =	ssyncadd.s32 $0xFFFFFC00  }
0x4d: {  	_ =	swait.ge [sflag:s10], $0x400  }
0x4e: {  	[sflag:s10] =	ssyncset.done $0x0  }
0x4f: {  	[sflag:s10] =	ssyncadd.s32 $0xFFFFFC00  }
0x50: {  	_ =	swait.ge [sflag:s10], $0x400  }
0x51: {  	[sflag:s10] =	ssyncset.done $0x0  }
0x52: {  	[sflag:s10] =	ssyncadd.s32 $0xFFFFFC00  }
0x53: {  	_ =	swait.ge [sflag:s10], $0x400  }
0x54: {  	[sflag:s10] =	ssyncset.done $0x0  }
0x55: {  	[sflag:s10] =	ssyncadd.s32 $0xFFFFFC00  }
0x56: {  	_ =	swait.ge [sflag:s10], $0x400  }
0x57: {  	[sflag:s10] =	ssyncset.done $0x0  }
0x58: {  	[sflag:s10] =	ssyncadd.s32 $0xFFFFFC00  }
0x59: {  	_ =	swait.ge [sflag:s10], $0x400  }
0x5a: {  	[sflag:s10] =	ssyncset.done $0x0  }
0x5b: {  	[sflag:s10] =	ssyncadd.s32 $0xFFFFFC00  }
0x5c: {  	[bflag:$0x0] =	sbarrier.arrive $0xFFFF  }
0x5d: {  	s31 =	rddreg [dreg:$0xd]  }
0x5e: {  	s0 =	rddreg [dreg:$0x15]  }
0x5f: {  	s1 =	rddreg [dreg:$0x1a]  }
0x60: {  	[hbm:s0], [sflag:s31] =	dma.local @p0 [spmem:s1], $0x1888  }
0x61: {  	s0 =	simm.s32 @p0 $0x7  }
0x62: {  	_ =	swait.ge @p0 [sflag:s0], $0x1888  }
0x63: {  	[sflag:s0] =	ssyncset.done @p0 $0x0;
	s1 =	rddreg [dreg:$0x16]  }
0x64: {  	s5 =	rddreg [dreg:$0x1b];
	[sflag:s0] =	ssyncadd.s32 @p0 $0xFFFFE778  }
0x65: {  	[hbm:s1], [sflag:s31] =	dma.local @p0 [spmem:s5], $0x1888  }
0x66: {  	_ =	swait.ge @p0 [sflag:s0], $0x1888  }
0x67: {  	[sflag:s0] =	ssyncset.done @p0 $0x0;
	s29 =	rddreg [dreg:$0xc]  }
0x68: {  	s1 =	rddreg [dreg:$0x13];
	[sflag:s0] =	ssyncadd.s32 @p0 $0xFFFFE778;
	s0 =	sshrl.u32 @!p0 s29, $0x3  }
0x69: {  	[hbm:s1], [sflag:s31] =	dma.local @!p0 [spmem:s0], $0x1868  }
0x6a: {  	s0 =	simm.s32 @!p0 $0x7  }
0x6b: {  	_ =	swait.ge @!p0 [sflag:s0], $0x1868  }
0x6c: {  	[sflag:s0] =	ssyncset.done @!p0 $0x0;
	s5 =	rddreg [dreg:$0xe]  }
0x6d: {  	s10 =	rddreg [dreg:$0x14];
	[sflag:s0] =	ssyncadd.s32 @!p0 $0xFFFFE798;
	s1 =	sshrl.u32 @!p0 s5, $0x3  }
0x6e: {  	[hbm:s10], [sflag:s31] =	dma.local @!p0 [spmem:s1], $0x1868  }
0x6f: {  	_ =	swait.ge @!p0 [sflag:s0], $0x1868  }
0x70: {  	s1 =	rddreg [dreg:$0x1e]  }
0x71: {  	s10 =	sadd.s32 $0x1, s1;
	s1 =	rddreg [dreg:$0x19]  }
0x72: {  	p1 =	sne.s32 s10, s1  }
.Ltmp1:
0x73: {  	_ = 	snop;
	(pc) =	sbr.rel @!p1 .LBB2_11-.Ltmp1, $3  }
0x74: {  	_ =	sdelay $0x1  }
0x75: {  	[sflag:s0] =	ssyncset.done @!p0 $0x0  }
0x76: {  	[sflag:s0] =	ssyncadd.s32 @!p0 $0xFFFFE798  }
.LBB2_1:
0x77: {  	[dreg:$0x1e] =	wrdreg s10  }
0x78: {  	s0 =	sshrl.u32 s29, $0x3;
	s1 =	rddreg [dreg:$0xb];
	s10 =	simm.s32 $0x7  }
0x79: {  	[spmem:s0], [sflag:s31] =	dma.local [hbm:s1], $0x1888  }
0x7a: {  	_ =	swait.ge [sflag:s10], $0x1888  }
0x7b: {  	[sflag:s10] =	ssyncset.done $0x0  }
0x7c: {  	s29 =	sshrl.u32 s5, $0x3;
	[sflag:s10] =	ssyncadd.s32 $0xFFFFE778  }
0x7d: {  	[spmem:s29], [sflag:s31] =	dma.local [hbm:s1], $0x1888  }
0x7e: {  	_ =	swait.ge [sflag:s10], $0x1888  }
0x7f: {  	[sflag:s10] =	ssyncset.done $0x0  }
0x80: {  	[sflag:s10] =	ssyncadd.s32 $0xFFFFE778  }
0x81: {  	[tilespmem:s4], [sflag:$0x7] =	stream.linear.gather [hbm4b:s1+s9], $0xC00, $0x38;
	[tilespmem:$0x1DDA0] =	vst v63  }
0x82: {  	_ =	swait.ge [sflag:s10], $0xC00  }
0x83: {  	[sflag:s10] =	ssyncset.done $0x0  }
0x84: {  	[sflag:s10] =	ssyncadd.s32 $0xFFFFF400  }
0x85: {  	[tilespmem:s8], [sflag:$0x7] =	stream.linear.gather [hbm4b:s1+s9], $0xC00, $0x38;
	[tilespmem:$0x1DDA0] =	vst v63  }
0x86: {  	_ =	swait.ge [sflag:s10], $0xC00  }
0x87: {  	[sflag:s10] =	ssyncset.done $0x0  }
0x88: {  	[sflag:s10] =	ssyncadd.s32 $0xFFFFF400  }
0x89: {  	[tilespmem:s15], [sflag:$0x7] =	stream.linear.gather [hbm4b:s1+s9], $0xC00, $0x38;
	[tilespmem:$0x1DDA0] =	vst v63  }
0x8a: {  	_ =	swait.ge [sflag:s10], $0xC00  }
0x8b: {  	[sflag:s10] =	ssyncset.done $0x0  }
0x8c: {  	[sflag:s10] =	ssyncadd.s32 $0xFFFFF400  }
0x8d: {  	[tilespmem:s16], [sflag:$0x7] =	stream.linear.gather [hbm4b:s1+s9], $0xC00, $0x38;
	[tilespmem:$0x1DDA0] =	vst v63  }
0x8e: {  	_ =	swait.ge [sflag:s10], $0xC00  }
0x8f: {  	[sflag:s10] =	ssyncset.done $0x0  }
0x90: {  	[sflag:s10] =	ssyncadd.s32 $0xFFFFF400  }
0x91: {  	[tilespmem:s17], [sflag:$0x7] =	stream.linear.gather [hbm4b:s1+s9], $0xC00, $0x38;
	[tilespmem:$0x1DDA0] =	vst v63  }
0x92: {  	_ =	swait.ge [sflag:s10], $0xC00  }
0x93: {  	[sflag:s10] =	ssyncset.done $0x0  }
0x94: {  	[sflag:s10] =	ssyncadd.s32 $0xFFFFF400  }
0x95: {  	[tilespmem:s18], [sflag:$0x7] =	stream.linear.gather [hbm4b:s1+s9], $0xC00, $0x38;
	[tilespmem:$0x1DDA0] =	vst v63  }
0x96: {  	_ =	swait.ge [sflag:s10], $0xC00  }
0x97: {  	[sflag:s10] =	ssyncset.done $0x0  }
0x98: {  	[sflag:s10] =	ssyncadd.s32 $0xFFFFF400  }
0x99: {  	[bflag:$0x0] =	sbarrier.arrive $0xFFFF  }
0x9a: {  	s31 =	rddreg [dreg:$0xf]  }
0x9b: {  	[tilespmem:s19], [sflag:$0x1] =	stream.linear.gather [hbm4b:s31+s9], $0x180, $0x38;
	[tilespmem:$0x1DDA0] =	vst v63  }
0x9c: {  	s1 =	rddreg [dreg:$0x10]  }
0x9d: {  	[tilespmem:s20], [sflag:$0x1] =	stream.linear.gather [hbm4b:s1+s9], $0x180, $0x38;
	[tilespmem:$0x1DDA0] =	vst v63  }
0x9e: {  	s5 =	rddreg [dreg:$0x11]  }
0x9f: {  	[tilespmem:s21], [sflag:$0x1] =	stream.linear.gather [hbm4b:s5+s9], $0x180, $0x38;
	[tilespmem:$0x1DDA0] =	vst v63  }
0xa0: {  	s10 =	rddreg [dreg:$0x12]  }
0xa1: {  	[tilespmem:s22], [sflag:$0x2] =	stream.linear.gather [hbm4b:s10+s9], $0x180, $0x38;
	[tilespmem:$0x1DDA0] =	vst v63  }
.Ltmp2:
0xa2: {  	_ = 	snop;
	(pc) =	sbr.rel .LBB2_2-.Ltmp2, $4  }
0xa3: {  	s29 =	rddreg [dreg:$0x17]  }
0xa4: {  	[tilespmem:s23], [sflag:$0x2] =	stream.linear.gather [hbm4b:s29+s9], $0x180, $0x38;
	[tilespmem:$0x1DDA0] =	vst v63  }
0xa5: {  	s31 =	rddreg [dreg:$0x18];
	s5 =	simm.s32 $0x0  }
0xa6: {  	[tilespmem:s24], [sflag:$0x2] =	stream.linear.gather [hbm4b:s31+s9], $0x180, $0x38;
	[tilespmem:$0x1DDA0] =	vst v63  }
.LBB2_9:
0xa7: {  	s5 =	sadd.s32 $0x1, s5  }
0xa8: {  	p1 =	sne.s32 s5, $0x83  }
.Ltmp3:
0xa9: {  	_ = 	snop;
	(pc) =	sbr.rel @!p1 .LBB2_10-.Ltmp3, $1  }
0xaa: {  	_ =	sdelay $0x3  }
.LBB2_2:
0xab: {  	p1 =	seq.s32 s5, $0x0  }
0xac: {  	s0 =	simm.s32 @!p1 $0x3  }
0xad: {  	_ =	swait.ge @!p1 [sflag:s0], $0x400  }
0xae: {  	[sflag:s0] =	ssyncset.done @!p1 $0x0  }
0xaf: {  	[sflag:s0] =	ssyncadd.s32 @!p1 $0xFFFFFC00  }
0xb0: {  	_ =	swait.ge @!p1 [sflag:s0], $0x400  }
0xb1: {  	[sflag:s0] =	ssyncset.done @!p1 $0x0  }
0xb2: {  	[sflag:s0] =	ssyncadd.s32 @!p1 $0xFFFFFC00  }
0xb3: {  	_ =	swait.ge @!p1 [sflag:s0], $0x400  }
0xb4: {  	[sflag:s0] =	ssyncset.done @!p1 $0x0  }
0xb5: {  	[sflag:s0] =	ssyncadd.s32 @!p1 $0xFFFFFC00  }
0xb6: {  	_ =	swait.ge @!p1 [sflag:s0], $0x400  }
0xb7: {  	[sflag:s0] =	ssyncset.done @!p1 $0x0  }
0xb8: {  	[sflag:s0] =	ssyncadd.s32 @!p1 $0xFFFFFC00  }
0xb9: {  	_ =	swait.ge @!p1 [sflag:s0], $0x400  }
0xba: {  	[sflag:s0] =	ssyncset.done @!p1 $0x0  }
0xbb: {  	[sflag:s0] =	ssyncadd.s32 @!p1 $0xFFFFFC00  }
0xbc: {  	_ =	swait.ge @!p1 [sflag:s0], $0x400  }
0xbd: {  	[sflag:s0] =	ssyncset.done @!p1 $0x0  }
0xbe: {  	[sflag:s0] =	ssyncadd.s32 @!p1 $0xFFFFFC00  }
0xbf: {  	_ =	swait.ge @!p1 [sflag:s0], $0x400  }
0xc0: {  	[sflag:s0] =	ssyncset.done @!p1 $0x0  }
0xc1: {  	[sflag:s0] =	ssyncadd.s32 @!p1 $0xFFFFFC00  }
0xc2: {  	_ =	swait.ge @!p1 [sflag:s0], $0x400  }
0xc3: {  	[sflag:s0] =	ssyncset.done @!p1 $0x0  }
0xc4: {  	[sflag:s0] =	ssyncadd.s32 @!p1 $0xFFFFFC00  }
0xc5: {  	s31 =	smul.u32 $0x300, s5;
	_ =	swait.ge @!p1 [sflag:s0], $0x400  }
0xc6: {  	[sflag:s0] =	ssyncset.done @!p1 $0x0  }
0xc7: {  	s1 =	sadd.s32 s11, s31;
	[sflag:s0] =	ssyncadd.s32 @!p1 $0xFFFFFC00  }
0xc8: {  	s1 =	sshrl.u32 s1, $0x3;
	s0 =	rddreg [dreg:$0x3]  }
0xc9: {  	s10 =	simm.s32 $0x18B20;
	s29 =	rddreg [dreg:$0x4];
	s0 =	sadd.s32 s0, s1  }
0xca: {  	[tilespmem:s10], [sflag:$0x5] =	stream.linear.gather [hbm4b:s0+s9], $0x180, $0x38;
	[tilespmem:$0x1DDA0] =	vst v63  }
0xcb: {  	s0 =	sadd.s32 s29, s1  }
0xcc: {  	[tilespmem:s26], [sflag:$0x5] =	stream.linear.gather [hbm4b:s0+s9], $0x180, $0x38;
	[tilespmem:$0x1DDA0] =	vst v63  }
0xcd: {  	_ =	swait.ge [sflag:s28], $0x180  }
0xce: {  	[sflag:s28] =	ssyncset.done $0x0  }
0xcf: {  	s10 =	simm.s32 $0x0;
	[sflag:s28] =	ssyncadd.s32 $0xFFFFFE80  }
0xd0: {  	v5 =	vor.u32 s10, v0;
	_ =	swait.ge [sflag:s28], $0x180  }
0xd1: {  	v6 =	vand.u32 v1, v5;
	[sflag:s28] =	ssyncset.done $0x0  }
0xd2: {  	[sflag:s28] =	ssyncadd.s32 $0xFFFFFE80  }
0xd3: {  	_ =	swait.ge [sflag:s28], $0x180  }
0xd4: {  	[sflag:s28] =	ssyncset.done $0x0  }
0xd5: {  	[sflag:s28] =	ssyncadd.s32 $0xFFFFFE80  }
0xd6: {  	v5 =	vshll.u32 v5, $0x3;
	v7 =	vld.idx.msk [tilespmem:v6+s19+$0x0], $0xffff  }
0xd7: {  	v9 =	vor.u32 $0x1, v5;
	v8 =	vld.idx.msk [tilespmem:v6+s20+$0x0], $0xffff  }
0xd8: {  	v10 =	vor.u32 $0x2, v5;
	v6 =	vld.idx.msk [tilespmem:v6+s21+$0x0], $0xffff;
	_ =	sdelay $0x2  }
0xd9: {  	[tilespmem:v5+s4+$0x0] =	vst.idx.msk $0xffff, v7  }
0xda: {  	[tilespmem:v9+s4+$0x0] =	vst.idx.msk $0xffff, v8  }
0xdb: {  	v11 =	vxor.u32 $0x80000000, v7;
	[tilespmem:v10+s4+$0x0] =	vst.idx.msk $0xffff, v6  }
0xdc: {  	[tilespmem:v5+s8+$0x0] =	vst.idx.msk $0xffff, v11;
	v11 =	vxor.u32 $0x80000000, v8  }
0xdd: {  	v13 =	vor.u32 $0x3, v5;
	v12 =	vmul.f32 v7, v7;
	[tilespmem:v9+s8+$0x0] =	vst.idx.msk $0xffff, v11;
	v11 =	vxor.u32 $0x80000000, v6  }
0xde: {  	s29 =	simm.s32 $0x10;
	v14 =	vor.u32 $0x4, v5;
	[tilespmem:v10+s8+$0x0] =	vst.idx.msk $0xffff, v11;
	v11 =	vmul.f32 v8, v8  }
0xdf: {  	v15 =	vor.u32 s29, v0;
	v46 =	vmul.f32 v6, v6;
	[tilespmem:v5+s15+$0x0] =	vst.idx.msk $0xffff, v12;
	v5 =	vor.u32 $0x5, v5  }
0xe0: {  	v16 =	vmul.f32 v8, v7;
	[tilespmem:v9+s15+$0x0] =	vst.idx.msk $0xffff, v11;
	v9 =	vand.u32 v2, v15  }
0xe1: {  	v8 =	vmul.f32 v6, v8;
	[tilespmem:v10+s15+$0x0] =	vst.idx.msk $0xffff, v46  }
0xe2: {  	v6 =	vmul.f32 v6, v7;
	[tilespmem:v13+s15+$0x0] =	vst.idx.msk $0xffff, v16  }
0xe3: {  	[tilespmem:v14+s15+$0x0] =	vst.idx.msk $0xffff, v8  }
0xe4: {  	[tilespmem:v5+s15+$0x0] =	vst.idx.msk $0xffff, v6  }
0xe5: {  	v6 =	vshll.u32 v15, $0x3;
	v5 =	vld.idx.msk [tilespmem:v9+s19+$0x0], $0xffff  }
0xe6: {  	v7 =	vld.idx.msk [tilespmem:v9+s20+$0x0], $0xffff;
	v8 =	vor.u32 $0x1, v6  }
0xe7: {  	v9 =	vld.idx.msk [tilespmem:v9+s21+$0x0], $0xffff;
	v10 =	vor.u32 $0x2, v6;
	_ =	sdelay $0x2  }
0xe8: {  	[tilespmem:v6+s4+$0x0] =	vst.idx.msk $0xffff, v5  }
0xe9: {  	[tilespmem:v8+s4+$0x0] =	vst.idx.msk $0xffff, v7  }
0xea: {  	v11 =	vxor.u32 $0x80000000, v5;
	[tilespmem:v10+s4+$0x0] =	vst.idx.msk $0xffff, v9  }
0xeb: {  	[tilespmem:v6+s8+$0x0] =	vst.idx.msk $0xffff, v11;
	v11 =	vxor.u32 $0x80000000, v7  }
0xec: {  	v48 =	vor.u32 $0x3, v6;
	v47 =	vmul.f32 v5, v5;
	[tilespmem:v8+s8+$0x0] =	vst.idx.msk $0xffff, v11;
	v11 =	vxor.u32 $0x80000000, v9  }
0xed: {  	s1 =	simm.s32 $0x20;
	v49 =	vor.u32 $0x4, v6;
	[tilespmem:v10+s8+$0x0] =	vst.idx.msk $0xffff, v11;
	v11 =	vmul.f32 v7, v7  }
0xee: {  	v51 =	vor.u32 s1, v0;
	v50 =	vmul.f32 v9, v9;
	[tilespmem:v6+s15+$0x0] =	vst.idx.msk $0xffff, v47;
	v6 =	vor.u32 $0x5, v6  }
0xef: {  	v52 =	vmul.f32 v7, v5;
	[tilespmem:v8+s15+$0x0] =	vst.idx.msk $0xffff, v11;
	v8 =	vand.u32 v3, v51  }
0xf0: {  	v7 =	vmul.f32 v9, v7;
	[tilespmem:v10+s15+$0x0] =	vst.idx.msk $0xffff, v50  }
0xf1: {  	v5 =	vmul.f32 v9, v5;
	[tilespmem:v48+s15+$0x0] =	vst.idx.msk $0xffff, v52  }
0xf2: {  	[tilespmem:v49+s15+$0x0] =	vst.idx.msk $0xffff, v7  }
0xf3: {  	[tilespmem:v6+s15+$0x0] =	vst.idx.msk $0xffff, v5  }
0xf4: {  	v6 =	vshll.u32 v51, $0x3;
	v5 =	vld.idx.msk [tilespmem:v8+s19+$0x0], $0xffff  }
0xf5: {  	v7 =	vld.idx.msk [tilespmem:v8+s20+$0x0], $0xffff;
	v9 =	vor.u32 $0x1, v6  }
0xf6: {  	v8 =	vld.idx.msk [tilespmem:v8+s21+$0x0], $0xffff;
	v10 =	vor.u32 $0x2, v6;
	_ =	sdelay $0x2  }
0xf7: {  	[tilespmem:v6+s4+$0x0] =	vst.idx.msk $0xffff, v5  }
0xf8: {  	[tilespmem:v9+s4+$0x0] =	vst.idx.msk $0xffff, v7  }
0xf9: {  	v11 =	vxor.u32 $0x80000000, v5;
	[tilespmem:v10+s4+$0x0] =	vst.idx.msk $0xffff, v8  }
0xfa: {  	[tilespmem:v6+s8+$0x0] =	vst.idx.msk $0xffff, v11;
	v11 =	vxor.u32 $0x80000000, v7  }
0xfb: {  	v54 =	vor.u32 $0x3, v6;
	v53 =	vmul.f32 v5, v5;
	[tilespmem:v9+s8+$0x0] =	vst.idx.msk $0xffff, v11;
	v11 =	vxor.u32 $0x80000000, v8  }
0xfc: {  	s10 =	simm.s32 $0x30;
	v55 =	vor.u32 $0x4, v6;
	[tilespmem:v10+s8+$0x0] =	vst.idx.msk $0xffff, v11;
	v11 =	vmul.f32 v7, v7  }
0xfd: {  	v57 =	vor.u32 s10, v0;
	v56 =	vmul.f32 v8, v8;
	[tilespmem:v6+s15+$0x0] =	vst.idx.msk $0xffff, v53;
	v6 =	vor.u32 $0x5, v6  }
0xfe: {  	v58 =	vmul.f32 v7, v5;
	[tilespmem:v9+s15+$0x0] =	vst.idx.msk $0xffff, v11;
	v9 =	vand.u32 v4, v57  }
0xff: {  	v7 =	vmul.f32 v8, v7;
	[tilespmem:v10+s15+$0x0] =	vst.idx.msk $0xffff, v56  }
0x100: {  	v5 =	vmul.f32 v8, v5;
	[tilespmem:v54+s15+$0x0] =	vst.idx.msk $0xffff, v58  }
0x101: {  	[tilespmem:v55+s15+$0x0] =	vst.idx.msk $0xffff, v7  }
0x102: {  	[tilespmem:v6+s15+$0x0] =	vst.idx.msk $0xffff, v5  }
0x103: {  	v7 =	vshll.u32 v57, $0x3;
	v5 =	vld.idx.msk [tilespmem:v9+s19+$0x0], $0xffff  }
0x104: {  	v8 =	vor.u32 $0x1, v7;
	v6 =	vld.idx.msk [tilespmem:v9+s20+$0x0], $0xffff  }
0x105: {  	v10 =	vor.u32 $0x2, v7;
	v9 =	vld.idx.msk [tilespmem:v9+s21+$0x0], $0xffff;
	_ =	sdelay $0x2  }
0x106: {  	[tilespmem:v7+s4+$0x0] =	vst.idx.msk $0xffff, v5  }
0x107: {  	[tilespmem:v8+s4+$0x0] =	vst.idx.msk $0xffff, v6  }
0x108: {  	v11 =	vxor.u32 $0x80000000, v5;
	[tilespmem:v10+s4+$0x0] =	vst.idx.msk $0xffff, v9  }
0x109: {  	[tilespmem:v7+s8+$0x0] =	vst.idx.msk $0xffff, v11;
	v11 =	vxor.u32 $0x80000000, v6  }
0x10a: {  	v59 =	vmul.f32 v5, v5;
	[tilespmem:v8+s8+$0x0] =	vst.idx.msk $0xffff, v11;
	v11 =	vxor.u32 $0x80000000, v9  }
0x10b: {  	v60 =	vor.u32 $0x3, v7;
	[tilespmem:v10+s8+$0x0] =	vst.idx.msk $0xffff, v11;
	v11 =	vmul.f32 v6, v6  }
0x10c: {  	s29 =	simm.s32 $0x40;
	v61 =	vor.u32 $0x4, v7;
	v62 =	vmul.f32 v9, v9;
	v63 =	vmul.f32 v6, v5;
	[tilespmem:v7+s15+$0x0] =	vst.idx.msk $0xffff, v59  }
0x10d: {  	[tilespmem:v8+s15+$0x0] =	vst.idx.msk $0xffff, v11;
	v11 =	vmul.f32 v9, v6;
	v6 =	vor.u32 s29, v0;
	v8 =	vor.u32 $0x5, v7  }
0x10e: {  	v7 =	vand.u32 v1, v6  }
0x10f: {  	[tilespmem:v10+s15+$0x0] =	vst.idx.msk $0xffff, v62  }
0x110: {  	v5 =	vmul.f32 v9, v5;
	[tilespmem:v60+s15+$0x0] =	vst.idx.msk $0xffff, v63  }
0x111: {  	s1 =	sshll.u32 s5, $0x1;
	s0 =	simm.s32 $0x4;
	s10 =	simm.s32 $0x70;
	[tilespmem:v61+s15+$0x0] =	vst.idx.msk $0xffff, v11  }
.LBB2_3:
0x112: {  	s0 =	sadd.s32 $0x4, s0;
	[tilespmem:v8+s15+$0x0] =	vst.idx.msk $0xffff, v5  }
0x113: {  	p2 =	slt.u32 s0, $0x14;
	v5 =	vld.idx.msk [tilespmem:v7+s19+$0x0], $0xffff  }
0x114: {  	v6 =	vshll.u32 v6, $0x3;
	v8 =	vld.idx.msk [tilespmem:v7+s20+$0x0], $0xffff  }
0x115: {  	v9 =	vor.u32 $0x1, v6;
	v7 =	vld.idx.msk [tilespmem:v7+s21+$0x0], $0xffff  }
0x116: {  	v10 =	vor.u32 $0x2, v6;
	_ =	sdelay $0x2  }
0x117: {  	[tilespmem:v6+s4+$0x0] =	vst.idx.msk $0xffff, v5  }
0x118: {  	v11 =	vmul.f32 v8, v5;
	[tilespmem:v9+s4+$0x0] =	vst.idx.msk $0xffff, v8  }
0x119: {  	v12 =	vxor.u32 $0x80000000, v5;
	v13 =	vmul.f32 v7, v8;
	v14 =	vmul.f32 v7, v5;
	[tilespmem:v10+s4+$0x0] =	vst.idx.msk $0xffff, v7  }
0x11a: {  	[tilespmem:v6+s8+$0x0] =	vst.idx.msk $0xffff, v12;
	v12 =	vxor.u32 $0x80000000, v8  }
0x11b: {  	v15 =	vor.u32 $0x3, v6;
	v5 =	vmul.f32 v5, v5;
	[tilespmem:v9+s8+$0x0] =	vst.idx.msk $0xffff, v12;
	v12 =	vxor.u32 $0x80000000, v7  }
0x11c: {  	s29 =	sadd.s32 $0xFFFFFFE0, s10;
	v8 =	vmul.f32 v8, v8;
	[tilespmem:v10+s8+$0x0] =	vst.idx.msk $0xffff, v12;
	v12 =	vor.u32 $0x4, v6  }
0x11d: {  	[tilespmem:v6+s15+$0x0] =	vst.idx.msk $0xffff, v5;
	v5 =	vmul.f32 v7, v7;
	v6 =	vor.u32 $0x5, v6;
	v7 =	vor.u32 s29, v0  }
0x11e: {  	[tilespmem:v9+s15+$0x0] =	vst.idx.msk $0xffff, v8;
	v8 =	vand.u32 v2, v7  }
0x11f: {  	[tilespmem:v10+s15+$0x0] =	vst.idx.msk $0xffff, v5  }
0x120: {  	[tilespmem:v15+s15+$0x0] =	vst.idx.msk $0xffff, v11  }
0x121: {  	[tilespmem:v12+s15+$0x0] =	vst.idx.msk $0xffff, v13  }
0x122: {  	[tilespmem:v6+s15+$0x0] =	vst.idx.msk $0xffff, v14  }
0x123: {  	v5 =	vld.idx.msk [tilespmem:v8+s19+$0x0], $0xffff  }
0x124: {  	v7 =	vshll.u32 v7, $0x3;
	v6 =	vld.idx.msk [tilespmem:v8+s20+$0x0], $0xffff  }
0x125: {  	v9 =	vor.u32 $0x1, v7;
	v8 =	vld.idx.msk [tilespmem:v8+s21+$0x0], $0xffff  }
0x126: {  	v10 =	vor.u32 $0x2, v7;
	_ =	sdelay $0x2  }
0x127: {  	[tilespmem:v7+s4+$0x0] =	vst.idx.msk $0xffff, v5  }
0x128: {  	v11 =	vmul.f32 v6, v5;
	[tilespmem:v9+s4+$0x0] =	vst.idx.msk $0xffff, v6  }
0x129: {  	v12 =	vxor.u32 $0x80000000, v5;
	v13 =	vmul.f32 v8, v6;
	v14 =	vmul.f32 v8, v5;
	[tilespmem:v10+s4+$0x0] =	vst.idx.msk $0xffff, v8  }
0x12a: {  	[tilespmem:v7+s8+$0x0] =	vst.idx.msk $0xffff, v12;
	v12 =	vxor.u32 $0x80000000, v6  }
0x12b: {  	v15 =	vor.u32 $0x3, v7;
	v5 =	vmul.f32 v5, v5;
	[tilespmem:v9+s8+$0x0] =	vst.idx.msk $0xffff, v12;
	v12 =	vxor.u32 $0x80000000, v8  }
0x12c: {  	s29 =	sadd.s32 $0xFFFFFFF0, s10;
	v6 =	vmul.f32 v6, v6;
	[tilespmem:v10+s8+$0x0] =	vst.idx.msk $0xffff, v12;
	v12 =	vor.u32 $0x4, v7  }
0x12d: {  	[tilespmem:v7+s15+$0x0] =	vst.idx.msk $0xffff, v5;
	v5 =	vmul.f32 v8, v8;
	v7 =	vor.u32 $0x5, v7;
	v8 =	vor.u32 s29, v0  }
0x12e: {  	[tilespmem:v9+s15+$0x0] =	vst.idx.msk $0xffff, v6;
	v6 =	vand.u32 v3, v8  }
0x12f: {  	[tilespmem:v10+s15+$0x0] =	vst.idx.msk $0xffff, v5  }
0x130: {  	[tilespmem:v15+s15+$0x0] =	vst.idx.msk $0xffff, v11  }
0x131: {  	[tilespmem:v12+s15+$0x0] =	vst.idx.msk $0xffff, v13  }
0x132: {  	[tilespmem:v7+s15+$0x0] =	vst.idx.msk $0xffff, v14  }
0x133: {  	v5 =	vld.idx.msk [tilespmem:v6+s19+$0x0], $0xffff  }
0x134: {  	v8 =	vshll.u32 v8, $0x3;
	v7 =	vld.idx.msk [tilespmem:v6+s20+$0x0], $0xffff  }
0x135: {  	v9 =	vor.u32 $0x1, v8;
	v6 =	vld.idx.msk [tilespmem:v6+s21+$0x0], $0xffff  }
0x136: {  	v10 =	vor.u32 $0x2, v8;
	_ =	sdelay $0x2  }
0x137: {  	[tilespmem:v8+s4+$0x0] =	vst.idx.msk $0xffff, v5  }
0x138: {  	v11 =	vmul.f32 v7, v5;
	[tilespmem:v9+s4+$0x0] =	vst.idx.msk $0xffff, v7  }
0x139: {  	v12 =	vxor.u32 $0x80000000, v5;
	v13 =	vmul.f32 v6, v7;
	v14 =	vmul.f32 v6, v5;
	[tilespmem:v10+s4+$0x0] =	vst.idx.msk $0xffff, v6  }
0x13a: {  	[tilespmem:v8+s8+$0x0] =	vst.idx.msk $0xffff, v12;
	v12 =	vxor.u32 $0x80000000, v7  }
0x13b: {  	v15 =	vor.u32 $0x3, v8;
	v5 =	vmul.f32 v5, v5;
	[tilespmem:v9+s8+$0x0] =	vst.idx.msk $0xffff, v12;
	v12 =	vxor.u32 $0x80000000, v6  }
0x13c: {  	v7 =	vmul.f32 v7, v7;
	[tilespmem:v10+s8+$0x0] =	vst.idx.msk $0xffff, v12;
	v12 =	vor.u32 $0x4, v8  }
0x13d: {  	[tilespmem:v8+s15+$0x0] =	vst.idx.msk $0xffff, v5;
	v5 =	vmul.f32 v6, v6;
	v6 =	vor.u32 $0x5, v8;
	v8 =	vor.u32 s10, v0  }
0x13e: {  	[tilespmem:v9+s15+$0x0] =	vst.idx.msk $0xffff, v7;
	v7 =	vand.u32 v4, v8  }
0x13f: {  	[tilespmem:v10+s15+$0x0] =	vst.idx.msk $0xffff, v5  }
0x140: {  	[tilespmem:v15+s15+$0x0] =	vst.idx.msk $0xffff, v11  }
0x141: {  	[tilespmem:v12+s15+$0x0] =	vst.idx.msk $0xffff, v13  }
0x142: {  	[tilespmem:v6+s15+$0x0] =	vst.idx.msk $0xffff, v14  }
0x143: {  	v6 =	vld.idx.msk [tilespmem:v7+s19+$0x0], $0xffff  }
0x144: {  	v8 =	vshll.u32 v8, $0x3;
	v9 =	vld.idx.msk [tilespmem:v7+s20+$0x0], $0xffff  }
0x145: {  	v10 =	vor.u32 $0x1, v8;
	v7 =	vld.idx.msk [tilespmem:v7+s21+$0x0], $0xffff  }
0x146: {  	v11 =	vor.u32 $0x2, v8;
	_ =	sdelay $0x2  }
0x147: {  	[tilespmem:v8+s4+$0x0] =	vst.idx.msk $0xffff, v6  }
0x148: {  	v12 =	vmul.f32 v9, v6;
	[tilespmem:v10+s4+$0x0] =	vst.idx.msk $0xffff, v9  }
0x149: {  	v13 =	vxor.u32 $0x80000000, v6;
	v14 =	vmul.f32 v7, v9;
	v5 =	vmul.f32 v7, v6;
	[tilespmem:v11+s4+$0x0] =	vst.idx.msk $0xffff, v7  }
0x14a: {  	[tilespmem:v8+s8+$0x0] =	vst.idx.msk $0xffff, v13;
	v13 =	vxor.u32 $0x80000000, v9  }
0x14b: {  	s10 =	sadd.s32 $0x40, s10;
	v16 =	vor.u32 $0x3, v8;
	v15 =	vmul.f32 v6, v6;
	[tilespmem:v10+s8+$0x0] =	vst.idx.msk $0xffff, v13;
	v13 =	vxor.u32 $0x80000000, v7  }
0x14c: {  	s29 =	sadd.s32 $0xFFFFFFD0, s10;
	v9 =	vmul.f32 v9, v9;
	[tilespmem:v11+s8+$0x0] =	vst.idx.msk $0xffff, v13;
	v13 =	vor.u32 $0x4, v8  }
.Ltmp4:
0x14d: {  	v6 =	vor.u32 s29, v0;
	[tilespmem:v8+s15+$0x0] =	vst.idx.msk $0xffff, v15;
	v15 =	vmul.f32 v7, v7;
	v8 =	vor.u32 $0x5, v8;
	(pc) =	sbr.rel @p2 .LBB2_3-.Ltmp4, $4  }
0x14e: {  	v7 =	vand.u32 v1, v6;
	[tilespmem:v10+s15+$0x0] =	vst.idx.msk $0xffff, v9  }
0x14f: {  	[tilespmem:v11+s15+$0x0] =	vst.idx.msk $0xffff, v15  }
0x150: {  	[tilespmem:v16+s15+$0x0] =	vst.idx.msk $0xffff, v12  }
0x151: {  	[tilespmem:v13+s15+$0x0] =	vst.idx.msk $0xffff, v14  }
0x152: {  	_ =	sdelay $0x3  }
0x153: {  	[tilespmem:v8+s15+$0x0] =	vst.idx.msk $0xffff, v5  }
0x154: {  	v6 =	vshll.u32 v6, $0x3;
	v5 =	vld.idx.msk [tilespmem:v7+s19+$0x0], $0xffff  }
0x155: {  	v8 =	vld.idx.msk [tilespmem:v7+s20+$0x0], $0xffff;
	v9 =	vor.u32 $0x1, v6  }
0x156: {  	v7 =	vld.idx.msk [tilespmem:v7+s21+$0x0], $0xffff;
	v10 =	vor.u32 $0x2, v6;
	_ =	sdelay $0x2  }
0x157: {  	[tilespmem:v6+s4+$0x0] =	vst.idx.msk $0xffff, v5  }
0x158: {  	[tilespmem:v9+s4+$0x0] =	vst.idx.msk $0xffff, v8  }
0x159: {  	v11 =	vxor.u32 $0x80000000, v5;
	[tilespmem:v10+s4+$0x0] =	vst.idx.msk $0xffff, v7  }
0x15a: {  	v19 =	vxor.u32 $0x80000000, v8;
	[tilespmem:v6+s8+$0x0] =	vst.idx.msk $0xffff, v11  }
0x15b: {  	v13 =	vor.u32 $0x3, v6;
	v20 =	vxor.u32 $0x80000000, v7;
	v12 =	vmul.f32 v5, v5;
	[tilespmem:v9+s8+$0x0] =	vst.idx.msk $0xffff, v19  }
0x15c: {  	s0 =	sadd.s32 $0xFFFFFFE0, s10;
	v14 =	vor.u32 $0x4, v6;
	v21 =	vmul.f32 v8, v8;
	[tilespmem:v10+s8+$0x0] =	vst.idx.msk $0xffff, v20  }
0x15d: {  	v15 =	vor.u32 s0, v0;
	v22 =	vmul.f32 v7, v7;
	[tilespmem:v6+s15+$0x0] =	vst.idx.msk $0xffff, v12;
	v6 =	vor.u32 $0x5, v6  }
0x15e: {  	v24 =	vand.u32 v2, v15;
	v23 =	vmul.f32 v8, v5;
	[tilespmem:v9+s15+$0x0] =	vst.idx.msk $0xffff, v21  }
0x15f: {  	v8 =	vmul.f32 v7, v8;
	[tilespmem:v10+s15+$0x0] =	vst.idx.msk $0xffff, v22  }
0x160: {  	v5 =	vmul.f32 v7, v5;
	[tilespmem:v13+s15+$0x0] =	vst.idx.msk $0xffff, v23  }
0x161: {  	[tilespmem:v14+s15+$0x0] =	vst.idx.msk $0xffff, v8  }
0x162: {  	[tilespmem:v6+s15+$0x0] =	vst.idx.msk $0xffff, v5  }
0x163: {  	v6 =	vshll.u32 v15, $0x3;
	v5 =	vld.idx.msk [tilespmem:v24+s19+$0x0], $0xffff  }
0x164: {  	v7 =	vld.idx.msk [tilespmem:v24+s20+$0x0], $0xffff;
	v25 =	vor.u32 $0x1, v6  }
0x165: {  	v9 =	vld.idx.msk [tilespmem:v24+s21+$0x0], $0xffff;
	v26 =	vor.u32 $0x2, v6;
	_ =	sdelay $0x2  }
0x166: {  	[tilespmem:v6+s4+$0x0] =	vst.idx.msk $0xffff, v5  }
0x167: {  	[tilespmem:v25+s4+$0x0] =	vst.idx.msk $0xffff, v7  }
0x168: {  	v27 =	vxor.u32 $0x80000000, v5;
	[tilespmem:v26+s4+$0x0] =	vst.idx.msk $0xffff, v9  }
0x169: {  	v28 =	vxor.u32 $0x80000000, v7;
	[tilespmem:v6+s8+$0x0] =	vst.idx.msk $0xffff, v27  }
0x16a: {  	v31 =	vor.u32 $0x3, v6;
	v29 =	vxor.u32 $0x80000000, v9;
	v30 =	vmul.f32 v5, v5;
	[tilespmem:v25+s8+$0x0] =	vst.idx.msk $0xffff, v28  }
0x16b: {  	s29 =	sadd.s32 $0xFFFFFFF0, s10;
	v33 =	vor.u32 $0x4, v6;
	v32 =	vmul.f32 v7, v7;
	[tilespmem:v26+s8+$0x0] =	vst.idx.msk $0xffff, v29  }
0x16c: {  	v35 =	vor.u32 s29, v0;
	v34 =	vmul.f32 v9, v9;
	[tilespmem:v6+s15+$0x0] =	vst.idx.msk $0xffff, v30;
	v6 =	vor.u32 $0x5, v6  }
0x16d: {  	v37 =	vand.u32 v3, v35;
	v36 =	vmul.f32 v7, v5;
	[tilespmem:v25+s15+$0x0] =	vst.idx.msk $0xffff, v32  }
0x16e: {  	v7 =	vmul.f32 v9, v7;
	[tilespmem:v26+s15+$0x0] =	vst.idx.msk $0xffff, v34  }
0x16f: {  	v5 =	vmul.f32 v9, v5;
	[tilespmem:v31+s15+$0x0] =	vst.idx.msk $0xffff, v36  }
0x170: {  	[tilespmem:v33+s15+$0x0] =	vst.idx.msk $0xffff, v7  }
0x171: {  	[tilespmem:v6+s15+$0x0] =	vst.idx.msk $0xffff, v5  }
0x172: {  	v6 =	vshll.u32 v35, $0x3;
	v5 =	vld.idx.msk [tilespmem:v37+s19+$0x0], $0xffff  }
0x173: {  	v7 =	vld.idx.msk [tilespmem:v37+s20+$0x0], $0xffff;
	v38 =	vor.u32 $0x1, v6  }
0x174: {  	v39 =	vld.idx.msk [tilespmem:v37+s21+$0x0], $0xffff;
	v40 =	vor.u32 $0x2, v6;
	_ =	sdelay $0x2  }
0x175: {  	[tilespmem:v6+s4+$0x0] =	vst.idx.msk $0xffff, v5  }
0x176: {  	[tilespmem:v38+s4+$0x0] =	vst.idx.msk $0xffff, v7  }
0x177: {  	v41 =	vxor.u32 $0x80000000, v5;
	[tilespmem:v40+s4+$0x0] =	vst.idx.msk $0xffff, v39  }
0x178: {  	v42 =	vxor.u32 $0x80000000, v7;
	[tilespmem:v6+s8+$0x0] =	vst.idx.msk $0xffff, v41  }
0x179: {  	v45 =	vor.u32 $0x3, v6;
	v43 =	vxor.u32 $0x80000000, v39;
	v44 =	vmul.f32 v5, v5;
	[tilespmem:v38+s8+$0x0] =	vst.idx.msk $0xffff, v42  }
0x17a: {  	v47 =	vor.u32 $0x4, v6;
	v46 =	vmul.f32 v7, v7;
	[tilespmem:v40+s8+$0x0] =	vst.idx.msk $0xffff, v43  }
0x17b: {  	v49 =	vor.u32 s10, v0;
	v48 =	vmul.f32 v39, v39;
	[tilespmem:v6+s15+$0x0] =	vst.idx.msk $0xffff, v44;
	v6 =	vor.u32 $0x5, v6  }
0x17c: {  	v51 =	vand.u32 v4, v49;
	v50 =	vmul.f32 v7, v5;
	[tilespmem:v38+s15+$0x0] =	vst.idx.msk $0xffff, v46  }
0x17d: {  	v7 =	vmul.f32 v39, v7;
	[tilespmem:v40+s15+$0x0] =	vst.idx.msk $0xffff, v48  }
0x17e: {  	v5 =	vmul.f32 v39, v5;
	[tilespmem:v45+s15+$0x0] =	vst.idx.msk $0xffff, v50  }
0x17f: {  	[tilespmem:v47+s15+$0x0] =	vst.idx.msk $0xffff, v7  }
0x180: {  	[tilespmem:v6+s15+$0x0] =	vst.idx.msk $0xffff, v5  }
0x181: {  	v6 =	vshll.u32 v49, $0x3;
	v5 =	vld.idx.msk [tilespmem:v51+s19+$0x0], $0xffff  }
0x182: {  	v7 =	vld.idx.msk [tilespmem:v51+s20+$0x0], $0xffff;
	v52 =	vor.u32 $0x1, v6  }
0x183: {  	v53 =	vld.idx.msk [tilespmem:v51+s21+$0x0], $0xffff;
	v54 =	vor.u32 $0x2, v6;
	_ =	sdelay $0x2  }
0x184: {  	[tilespmem:v6+s4+$0x0] =	vst.idx.msk $0xffff, v5  }
0x185: {  	[tilespmem:v52+s4+$0x0] =	vst.idx.msk $0xffff, v7  }
0x186: {  	v55 =	vxor.u32 $0x80000000, v5;
	[tilespmem:v54+s4+$0x0] =	vst.idx.msk $0xffff, v53  }
0x187: {  	v56 =	vxor.u32 $0x80000000, v7;
	[tilespmem:v6+s8+$0x0] =	vst.idx.msk $0xffff, v55  }
0x188: {  	v59 =	vor.u32 $0x3, v6;
	v57 =	vxor.u32 $0x80000000, v53;
	v58 =	vmul.f32 v5, v5;
	[tilespmem:v52+s8+$0x0] =	vst.idx.msk $0xffff, v56  }
0x189: {  	v61 =	vor.u32 $0x4, v6;
	v60 =	vmul.f32 v7, v7;
	[tilespmem:v54+s8+$0x0] =	vst.idx.msk $0xffff, v57  }
0x18a: {  	v62 =	vmul.f32 v53, v53;
	[tilespmem:v6+s15+$0x0] =	vst.idx.msk $0xffff, v58;
	v6 =	vor.u32 $0x5, v6  }
0x18b: {  	v63 =	vmul.f32 v7, v5;
	[tilespmem:v52+s15+$0x0] =	vst.idx.msk $0xffff, v60  }
0x18c: {  	v7 =	vmul.f32 v53, v7;
	[tilespmem:v54+s15+$0x0] =	vst.idx.msk $0xffff, v62  }
0x18d: {  	v5 =	vmul.f32 v53, v5;
	[tilespmem:v59+s15+$0x0] =	vst.idx.msk $0xffff, v63  }
0x18e: {  	[tilespmem:v61+s15+$0x0] =	vst.idx.msk $0xffff, v7  }
0x18f: {  	[tilespmem:v6+s15+$0x0] =	vst.idx.msk $0xffff, v5  }
0x190: {  	_ =	swait.ge [sflag:s12], $0x180  }
0x191: {  	[sflag:s12] =	ssyncset.done $0x0  }
0x192: {  	[sflag:s12] =	ssyncadd.s32 $0xFFFFFE80  }
0x193: {  	_ =	swait.ge [sflag:s12], $0x180  }
0x194: {  	[sflag:s12] =	ssyncset.done $0x0  }
0x195: {  	s29 =	simm.s32 $0x18B20;
	[sflag:s12] =	ssyncadd.s32 $0xFFFFFE80  }
0x196: {  	[spmem:s6] =	stream.indirect.scatter.add.f32 [tilespmem:s4], [sflag:$0x3], $0x8, s29, s14, $0xb8;
	[tilespmem:$0x1DDA0] =	vst v63  }
0x197: {  	_ = 	snop  }
0x198: {  	[spmem:s6] =	stream.indirect.scatter.add.f32 [tilespmem:s8], [sflag:$0x3], $0x8, s26, s14, $0xb8;
	[tilespmem:$0x1DDA0] =	vst v63  }
0x199: {  	_ = 	snop  }
0x19a: {  	[spmem:s7] =	stream.indirect.scatter.add.f32 [tilespmem:s15], [sflag:$0x3], $0x8, s26, s14, $0xb8;
	[tilespmem:$0x1DDA0] =	vst v63  }
0x19b: {  	s10 =	simm.s32 $0x18BA0;
	s29 =	simm.s32 $0x19220  }
0x19c: {  	[spmem:s6] =	stream.indirect.scatter.add.f32 [tilespmem:s29], [sflag:$0x3], $0x8, s10, s14, $0xb8;
	[tilespmem:$0x1DDA0] =	vst v63  }
0x19d: {  	s10 =	simm.s32 $0x19E20  }
0x19e: {  	[spmem:s6] =	stream.indirect.scatter.add.f32 [tilespmem:s10], [sflag:$0x3], $0x8, s30, s14, $0xb8;
	[tilespmem:$0x1DDA0] =	vst v63  }
0x19f: {  	s29 =	simm.s32 $0x1AA20  }
0x1a0: {  	[spmem:s7] =	stream.indirect.scatter.add.f32 [tilespmem:s29], [sflag:$0x3], $0x8, s30, s14, $0xb8;
	[tilespmem:$0x1DDA0] =	vst v63  }
0x1a1: {  	p2 =	seq.s32 s5, $0x82;
	s10 =	simm.s32 $0x18C20;
	s29 =	simm.s32 $0x19620  }
0x1a2: {  	[spmem:s6] =	stream.indirect.scatter.add.f32 [tilespmem:s29], [sflag:$0x3], $0x8, s10, s14, $0xb8;
	[tilespmem:$0x1DDA0] =	vst v63  }
.Ltmp5:
0x1a3: {  	_ = 	snop;
	(pc) =	sbr.rel @p2 .LBB2_10-.Ltmp5, $4  }
0x1a4: {  	s10 =	simm.s32 $0x1A220  }
0x1a5: {  	[spmem:s6] =	stream.indirect.scatter.add.f32 [tilespmem:s10], [sflag:$0x3], $0x8, s13, s14, $0xb8;
	[tilespmem:$0x1DDA0] =	vst v63  }
0x1a6: {  	s29 =	simm.s32 $0x1AE20  }
0x1a7: {  	[spmem:s7] =	stream.indirect.scatter.add.f32 [tilespmem:s29], [sflag:$0x3], $0x8, s13, s14, $0xb8;
	[tilespmem:$0x1DDA0] =	vst v63  }
0x1a8: {  	s0 =	rddreg [dreg:$0x1c]  }
0x1a9: {  	s0 =	sadd.s32 s31, s0  }
0x1aa: {  	s10 =	rddreg [dreg:$0x0];
	s0 =	sshrl.u32 s0, $0x3  }
0x1ab: {  	s29 =	rddreg [dreg:$0x1];
	s10 =	sadd.s32 s10, s0  }
0x1ac: {  	[tilespmem:s19], [sflag:$0x1] =	stream.linear.gather [hbm4b:s10+s9], $0x180, $0x38;
	[tilespmem:$0x1DDA0] =	vst v63  }
0x1ad: {  	s10 =	sadd.s32 s29, s0;
	s29 =	rddreg [dreg:$0x2]  }
0x1ae: {  	[tilespmem:s20], [sflag:$0x1] =	stream.linear.gather [hbm4b:s10+s9], $0x180, $0x38;
	[tilespmem:$0x1DDA0] =	vst v63  }
0x1af: {  	s0 =	sadd.s32 s29, s0  }
0x1b0: {  	[tilespmem:s21], [sflag:$0x1] =	stream.linear.gather [hbm4b:s0+s9], $0x180, $0x38;
	[tilespmem:$0x1DDA0] =	vst v63  }
0x1b1: {  	s0 =	sor.u32 $0x1, s1  }
0x1b2: {  	p2 =	sgt.u32 s0, $0x104  }
.Ltmp6:
0x1b3: {  	_ = 	snop;
	(pc) =	sbr.rel @p2 .LBB2_9-.Ltmp6, $1  }
0x1b4: {  	_ =	sdelay $0x3  }
0x1b5: {  	s1 =	simm.s32 @!p1 $0x4  }
0x1b6: {  	_ =	swait.ge @!p1 [sflag:s1], $0x400  }
0x1b7: {  	[sflag:s1] =	ssyncset.done @!p1 $0x0  }
0x1b8: {  	[sflag:s1] =	ssyncadd.s32 @!p1 $0xFFFFFC00  }
0x1b9: {  	_ =	swait.ge @!p1 [sflag:s1], $0x400  }
0x1ba: {  	[sflag:s1] =	ssyncset.done @!p1 $0x0  }
0x1bb: {  	[sflag:s1] =	ssyncadd.s32 @!p1 $0xFFFFFC00  }
0x1bc: {  	_ =	swait.ge @!p1 [sflag:s1], $0x400  }
0x1bd: {  	[sflag:s1] =	ssyncset.done @!p1 $0x0  }
0x1be: {  	[sflag:s1] =	ssyncadd.s32 @!p1 $0xFFFFFC00  }
0x1bf: {  	_ =	swait.ge @!p1 [sflag:s1], $0x400  }
0x1c0: {  	[sflag:s1] =	ssyncset.done @!p1 $0x0  }
0x1c1: {  	[sflag:s1] =	ssyncadd.s32 @!p1 $0xFFFFFC00  }
0x1c2: {  	_ =	swait.ge @!p1 [sflag:s1], $0x400  }
0x1c3: {  	[sflag:s1] =	ssyncset.done @!p1 $0x0  }
0x1c4: {  	[sflag:s1] =	ssyncadd.s32 @!p1 $0xFFFFFC00  }
0x1c5: {  	_ =	swait.ge @!p1 [sflag:s1], $0x400  }
0x1c6: {  	[sflag:s1] =	ssyncset.done @!p1 $0x0  }
0x1c7: {  	[sflag:s1] =	ssyncadd.s32 @!p1 $0xFFFFFC00  }
0x1c8: {  	_ =	swait.ge @!p1 [sflag:s1], $0x400  }
0x1c9: {  	[sflag:s1] =	ssyncset.done @!p1 $0x0  }
0x1ca: {  	[sflag:s1] =	ssyncadd.s32 @!p1 $0xFFFFFC00  }
0x1cb: {  	_ =	swait.ge @!p1 [sflag:s1], $0x400  }
0x1cc: {  	[sflag:s1] =	ssyncset.done @!p1 $0x0  }
0x1cd: {  	[sflag:s1] =	ssyncadd.s32 @!p1 $0xFFFFFC00  }
0x1ce: {  	s0 =	smul.u32 $0x180, s0;
	_ =	swait.ge @!p1 [sflag:s1], $0x400  }
0x1cf: {  	[sflag:s1] =	ssyncset.done @!p1 $0x0  }
0x1d0: {  	s0 =	sadd.s32 s11, s0;
	[sflag:s1] =	ssyncadd.s32 @!p1 $0xFFFFFC00  }
0x1d1: {  	s0 =	sshrl.u32 s0, $0x3;
	s1 =	rddreg [dreg:$0x3]  }
0x1d2: {  	s10 =	simm.s32 $0x1B6A0;
	s1 =	sadd.s32 s1, s0  }
0x1d3: {  	[tilespmem:s10], [sflag:$0x6] =	stream.linear.gather [hbm4b:s1+s9], $0x180, $0x38;
	[tilespmem:$0x1DDA0] =	vst v63  }
0x1d4: {  	s10 =	rddreg [dreg:$0x4]  }
0x1d5: {  	s0 =	sadd.s32 s10, s0  }
0x1d6: {  	[tilespmem:s25], [sflag:$0x6] =	stream.linear.gather [hbm4b:s0+s9], $0x180, $0x38;
	[tilespmem:$0x1DDA0] =	vst v63  }
0x1d7: {  	_ =	swait.ge [sflag:s2], $0x180  }
0x1d8: {  	[sflag:s2] =	ssyncset.done $0x0  }
0x1d9: {  	s29 =	simm.s32 $0x0;
	[sflag:s2] =	ssyncadd.s32 $0xFFFFFE80  }
0x1da: {  	v5 =	vor.u32 s29, v0;
	_ =	swait.ge [sflag:s2], $0x180  }
0x1db: {  	v6 =	vand.u32 v1, v5;
	[sflag:s2] =	ssyncset.done $0x0  }
0x1dc: {  	[sflag:s2] =	ssyncadd.s32 $0xFFFFFE80  }
0x1dd: {  	_ =	swait.ge [sflag:s2], $0x180  }
0x1de: {  	[sflag:s2] =	ssyncset.done $0x0  }
0x1df: {  	[sflag:s2] =	ssyncadd.s32 $0xFFFFFE80  }
0x1e0: {  	v5 =	vshll.u32 v5, $0x3;
	v7 =	vld.idx.msk [tilespmem:v6+s22+$0x0], $0xffff  }
0x1e1: {  	v9 =	vor.u32 $0x1, v5;
	v8 =	vld.idx.msk [tilespmem:v6+s23+$0x0], $0xffff  }
0x1e2: {  	v10 =	vor.u32 $0x2, v5;
	v6 =	vld.idx.msk [tilespmem:v6+s24+$0x0], $0xffff;
	_ =	sdelay $0x2  }
0x1e3: {  	[tilespmem:v5+s16+$0x0] =	vst.idx.msk $0xffff, v7  }
0x1e4: {  	[tilespmem:v9+s16+$0x0] =	vst.idx.msk $0xffff, v8  }
0x1e5: {  	v11 =	vxor.u32 $0x80000000, v7;
	[tilespmem:v10+s16+$0x0] =	vst.idx.msk $0xffff, v6  }
0x1e6: {  	[tilespmem:v5+s17+$0x0] =	vst.idx.msk $0xffff, v11;
	v11 =	vxor.u32 $0x80000000, v8  }
0x1e7: {  	v13 =	vor.u32 $0x3, v5;
	v12 =	vmul.f32 v7, v7;
	[tilespmem:v9+s17+$0x0] =	vst.idx.msk $0xffff, v11;
	v11 =	vxor.u32 $0x80000000, v6  }
0x1e8: {  	v14 =	vor.u32 $0x4, v5;
	s1 =	simm.s32 $0x10;
	[tilespmem:v10+s17+$0x0] =	vst.idx.msk $0xffff, v11;
	v11 =	vmul.f32 v8, v8  }
0x1e9: {  	v15 =	vor.u32 s1, v0;
	v46 =	vmul.f32 v6, v6;
	[tilespmem:v5+s18+$0x0] =	vst.idx.msk $0xffff, v12;
	v5 =	vor.u32 $0x5, v5  }
0x1ea: {  	v16 =	vmul.f32 v8, v7;
	[tilespmem:v9+s18+$0x0] =	vst.idx.msk $0xffff, v11;
	v9 =	vand.u32 v2, v15  }
0x1eb: {  	v8 =	vmul.f32 v6, v8;
	[tilespmem:v10+s18+$0x0] =	vst.idx.msk $0xffff, v46  }
0x1ec: {  	v6 =	vmul.f32 v6, v7;
	[tilespmem:v13+s18+$0x0] =	vst.idx.msk $0xffff, v16  }
0x1ed: {  	[tilespmem:v14+s18+$0x0] =	vst.idx.msk $0xffff, v8  }
0x1ee: {  	[tilespmem:v5+s18+$0x0] =	vst.idx.msk $0xffff, v6  }
0x1ef: {  	v6 =	vshll.u32 v15, $0x3;
	v5 =	vld.idx.msk [tilespmem:v9+s22+$0x0], $0xffff  }
0x1f0: {  	v7 =	vld.idx.msk [tilespmem:v9+s23+$0x0], $0xffff;
	v8 =	vor.u32 $0x1, v6  }
0x1f1: {  	v9 =	vld.idx.msk [tilespmem:v9+s24+$0x0], $0xffff;
	v10 =	vor.u32 $0x2, v6;
	_ =	sdelay $0x2  }
0x1f2: {  	[tilespmem:v6+s16+$0x0] =	vst.idx.msk $0xffff, v5  }
0x1f3: {  	[tilespmem:v8+s16+$0x0] =	vst.idx.msk $0xffff, v7  }
0x1f4: {  	v11 =	vxor.u32 $0x80000000, v5;
	[tilespmem:v10+s16+$0x0] =	vst.idx.msk $0xffff, v9  }
0x1f5: {  	[tilespmem:v6+s17+$0x0] =	vst.idx.msk $0xffff, v11;
	v11 =	vxor.u32 $0x80000000, v7  }
0x1f6: {  	v48 =	vor.u32 $0x3, v6;
	v47 =	vmul.f32 v5, v5;
	[tilespmem:v8+s17+$0x0] =	vst.idx.msk $0xffff, v11;
	v11 =	vxor.u32 $0x80000000, v9  }
0x1f7: {  	s10 =	simm.s32 $0x20;
	v49 =	vor.u32 $0x4, v6;
	[tilespmem:v10+s17+$0x0] =	vst.idx.msk $0xffff, v11;
	v11 =	vmul.f32 v7, v7  }
0x1f8: {  	v51 =	vor.u32 s10, v0;
	v50 =	vmul.f32 v9, v9;
	[tilespmem:v6+s18+$0x0] =	vst.idx.msk $0xffff, v47;
	v6 =	vor.u32 $0x5, v6  }
0x1f9: {  	v52 =	vmul.f32 v7, v5;
	[tilespmem:v8+s18+$0x0] =	vst.idx.msk $0xffff, v11;
	v8 =	vand.u32 v3, v51  }
0x1fa: {  	v7 =	vmul.f32 v9, v7;
	[tilespmem:v10+s18+$0x0] =	vst.idx.msk $0xffff, v50  }
0x1fb: {  	v5 =	vmul.f32 v9, v5;
	[tilespmem:v48+s18+$0x0] =	vst.idx.msk $0xffff, v52  }
0x1fc: {  	[tilespmem:v49+s18+$0x0] =	vst.idx.msk $0xffff, v7  }
0x1fd: {  	[tilespmem:v6+s18+$0x0] =	vst.idx.msk $0xffff, v5  }
0x1fe: {  	v6 =	vshll.u32 v51, $0x3;
	v5 =	vld.idx.msk [tilespmem:v8+s22+$0x0], $0xffff  }
0x1ff: {  	v7 =	vld.idx.msk [tilespmem:v8+s23+$0x0], $0xffff;
	v9 =	vor.u32 $0x1, v6  }
0x200: {  	v8 =	vld.idx.msk [tilespmem:v8+s24+$0x0], $0xffff;
	v10 =	vor.u32 $0x2, v6;
	_ =	sdelay $0x2  }
0x201: {  	[tilespmem:v6+s16+$0x0] =	vst.idx.msk $0xffff, v5  }
0x202: {  	[tilespmem:v9+s16+$0x0] =	vst.idx.msk $0xffff, v7  }
0x203: {  	v11 =	vxor.u32 $0x80000000, v5;
	[tilespmem:v10+s16+$0x0] =	vst.idx.msk $0xffff, v8  }
0x204: {  	[tilespmem:v6+s17+$0x0] =	vst.idx.msk $0xffff, v11;
	v11 =	vxor.u32 $0x80000000, v7  }
0x205: {  	v54 =	vor.u32 $0x3, v6;
	v53 =	vmul.f32 v5, v5;
	[tilespmem:v9+s17+$0x0] =	vst.idx.msk $0xffff, v11;
	v11 =	vxor.u32 $0x80000000, v8  }
0x206: {  	s25 =	simm.s32 $0x30;
	v55 =	vor.u32 $0x4, v6;
	[tilespmem:v10+s17+$0x0] =	vst.idx.msk $0xffff, v11;
	v11 =	vmul.f32 v7, v7  }
0x207: {  	v57 =	vor.u32 s25, v0;
	v56 =	vmul.f32 v8, v8;
	[tilespmem:v6+s18+$0x0] =	vst.idx.msk $0xffff, v53;
	v6 =	vor.u32 $0x5, v6  }
0x208: {  	v58 =	vmul.f32 v7, v5;
	[tilespmem:v9+s18+$0x0] =	vst.idx.msk $0xffff, v11;
	v9 =	vand.u32 v4, v57  }
0x209: {  	v7 =	vmul.f32 v8, v7;
	[tilespmem:v10+s18+$0x0] =	vst.idx.msk $0xffff, v56  }
0x20a: {  	v5 =	vmul.f32 v8, v5;
	[tilespmem:v54+s18+$0x0] =	vst.idx.msk $0xffff, v58  }
0x20b: {  	[tilespmem:v55+s18+$0x0] =	vst.idx.msk $0xffff, v7  }
0x20c: {  	[tilespmem:v6+s18+$0x0] =	vst.idx.msk $0xffff, v5  }
0x20d: {  	v7 =	vshll.u32 v57, $0x3;
	v5 =	vld.idx.msk [tilespmem:v9+s22+$0x0], $0xffff  }
0x20e: {  	v8 =	vor.u32 $0x1, v7;
	v6 =	vld.idx.msk [tilespmem:v9+s23+$0x0], $0xffff  }
0x20f: {  	v10 =	vor.u32 $0x2, v7;
	v9 =	vld.idx.msk [tilespmem:v9+s24+$0x0], $0xffff;
	_ =	sdelay $0x2  }
0x210: {  	[tilespmem:v7+s16+$0x0] =	vst.idx.msk $0xffff, v5  }
0x211: {  	[tilespmem:v8+s16+$0x0] =	vst.idx.msk $0xffff, v6  }
0x212: {  	v11 =	vxor.u32 $0x80000000, v5;
	[tilespmem:v10+s16+$0x0] =	vst.idx.msk $0xffff, v9  }
0x213: {  	[tilespmem:v7+s17+$0x0] =	vst.idx.msk $0xffff, v11;
	v11 =	vxor.u32 $0x80000000, v6  }
0x214: {  	v59 =	vmul.f32 v5, v5;
	[tilespmem:v8+s17+$0x0] =	vst.idx.msk $0xffff, v11;
	v11 =	vxor.u32 $0x80000000, v9  }
0x215: {  	v60 =	vor.u32 $0x3, v7;
	[tilespmem:v10+s17+$0x0] =	vst.idx.msk $0xffff, v11;
	v11 =	vmul.f32 v6, v6  }
0x216: {  	s29 =	simm.s32 $0x40;
	v61 =	vor.u32 $0x4, v7;
	v62 =	vmul.f32 v9, v9;
	v63 =	vmul.f32 v6, v5;
	[tilespmem:v7+s18+$0x0] =	vst.idx.msk $0xffff, v59  }
0x217: {  	[tilespmem:v8+s18+$0x0] =	vst.idx.msk $0xffff, v11;
	v11 =	vmul.f32 v9, v6;
	v6 =	vor.u32 s29, v0;
	v8 =	vor.u32 $0x5, v7  }
0x218: {  	v7 =	vand.u32 v1, v6  }
0x219: {  	[tilespmem:v10+s18+$0x0] =	vst.idx.msk $0xffff, v62  }
0x21a: {  	v5 =	vmul.f32 v9, v5;
	[tilespmem:v60+s18+$0x0] =	vst.idx.msk $0xffff, v63  }
0x21b: {  	s1 =	simm.s32 $0x70;
	s0 =	simm.s32 $0x4;
	[tilespmem:v61+s18+$0x0] =	vst.idx.msk $0xffff, v11  }
.LBB2_7:
0x21c: {  	s0 =	sadd.s32 $0x4, s0;
	[tilespmem:v8+s18+$0x0] =	vst.idx.msk $0xffff, v5  }
0x21d: {  	p1 =	slt.u32 s0, $0x14;
	v5 =	vld.idx.msk [tilespmem:v7+s22+$0x0], $0xffff  }
0x21e: {  	v6 =	vshll.u32 v6, $0x3;
	v8 =	vld.idx.msk [tilespmem:v7+s23+$0x0], $0xffff  }
0x21f: {  	v9 =	vor.u32 $0x1, v6;
	v7 =	vld.idx.msk [tilespmem:v7+s24+$0x0], $0xffff  }
0x220: {  	v10 =	vor.u32 $0x2, v6;
	_ =	sdelay $0x2  }
0x221: {  	[tilespmem:v6+s16+$0x0] =	vst.idx.msk $0xffff, v5  }
0x222: {  	v11 =	vmul.f32 v8, v5;
	[tilespmem:v9+s16+$0x0] =	vst.idx.msk $0xffff, v8  }
0x223: {  	v12 =	vxor.u32 $0x80000000, v5;
	v13 =	vmul.f32 v7, v8;
	v14 =	vmul.f32 v7, v5;
	[tilespmem:v10+s16+$0x0] =	vst.idx.msk $0xffff, v7  }
0x224: {  	[tilespmem:v6+s17+$0x0] =	vst.idx.msk $0xffff, v12;
	v12 =	vxor.u32 $0x80000000, v8  }
0x225: {  	v15 =	vor.u32 $0x3, v6;
	v5 =	vmul.f32 v5, v5;
	[tilespmem:v9+s17+$0x0] =	vst.idx.msk $0xffff, v12;
	v12 =	vxor.u32 $0x80000000, v7  }
0x226: {  	s10 =	sadd.s32 $0xFFFFFFE0, s1;
	v8 =	vmul.f32 v8, v8;
	[tilespmem:v10+s17+$0x0] =	vst.idx.msk $0xffff, v12;
	v12 =	vor.u32 $0x4, v6  }
0x227: {  	[tilespmem:v6+s18+$0x0] =	vst.idx.msk $0xffff, v5;
	v5 =	vmul.f32 v7, v7;
	v6 =	vor.u32 $0x5, v6;
	v7 =	vor.u32 s10, v0  }
0x228: {  	[tilespmem:v9+s18+$0x0] =	vst.idx.msk $0xffff, v8;
	v8 =	vand.u32 v2, v7  }
0x229: {  	[tilespmem:v10+s18+$0x0] =	vst.idx.msk $0xffff, v5  }
0x22a: {  	[tilespmem:v15+s18+$0x0] =	vst.idx.msk $0xffff, v11  }
0x22b: {  	[tilespmem:v12+s18+$0x0] =	vst.idx.msk $0xffff, v13  }
0x22c: {  	[tilespmem:v6+s18+$0x0] =	vst.idx.msk $0xffff, v14  }
0x22d: {  	v5 =	vld.idx.msk [tilespmem:v8+s22+$0x0], $0xffff  }
0x22e: {  	v7 =	vshll.u32 v7, $0x3;
	v6 =	vld.idx.msk [tilespmem:v8+s23+$0x0], $0xffff  }
0x22f: {  	v9 =	vor.u32 $0x1, v7;
	v8 =	vld.idx.msk [tilespmem:v8+s24+$0x0], $0xffff  }
0x230: {  	v10 =	vor.u32 $0x2, v7;
	_ =	sdelay $0x2  }
0x231: {  	[tilespmem:v7+s16+$0x0] =	vst.idx.msk $0xffff, v5  }
0x232: {  	v11 =	vmul.f32 v6, v5;
	[tilespmem:v9+s16+$0x0] =	vst.idx.msk $0xffff, v6  }
0x233: {  	v12 =	vxor.u32 $0x80000000, v5;
	v13 =	vmul.f32 v8, v6;
	v14 =	vmul.f32 v8, v5;
	[tilespmem:v10+s16+$0x0] =	vst.idx.msk $0xffff, v8  }
0x234: {  	[tilespmem:v7+s17+$0x0] =	vst.idx.msk $0xffff, v12;
	v12 =	vxor.u32 $0x80000000, v6  }
0x235: {  	v15 =	vor.u32 $0x3, v7;
	v5 =	vmul.f32 v5, v5;
	[tilespmem:v9+s17+$0x0] =	vst.idx.msk $0xffff, v12;
	v12 =	vxor.u32 $0x80000000, v8  }
0x236: {  	s10 =	sadd.s32 $0xFFFFFFF0, s1;
	v6 =	vmul.f32 v6, v6;
	[tilespmem:v10+s17+$0x0] =	vst.idx.msk $0xffff, v12;
	v12 =	vor.u32 $0x4, v7  }
0x237: {  	[tilespmem:v7+s18+$0x0] =	vst.idx.msk $0xffff, v5;
	v5 =	vmul.f32 v8, v8;
	v7 =	vor.u32 $0x5, v7;
	v8 =	vor.u32 s10, v0  }
0x238: {  	[tilespmem:v9+s18+$0x0] =	vst.idx.msk $0xffff, v6;
	v6 =	vand.u32 v3, v8  }
0x239: {  	[tilespmem:v10+s18+$0x0] =	vst.idx.msk $0xffff, v5  }
0x23a: {  	[tilespmem:v15+s18+$0x0] =	vst.idx.msk $0xffff, v11  }
0x23b: {  	[tilespmem:v12+s18+$0x0] =	vst.idx.msk $0xffff, v13  }
0x23c: {  	[tilespmem:v7+s18+$0x0] =	vst.idx.msk $0xffff, v14  }
0x23d: {  	v5 =	vld.idx.msk [tilespmem:v6+s22+$0x0], $0xffff  }
0x23e: {  	v8 =	vshll.u32 v8, $0x3;
	v7 =	vld.idx.msk [tilespmem:v6+s23+$0x0], $0xffff  }
0x23f: {  	v9 =	vor.u32 $0x1, v8;
	v6 =	vld.idx.msk [tilespmem:v6+s24+$0x0], $0xffff  }
0x240: {  	v10 =	vor.u32 $0x2, v8;
	_ =	sdelay $0x2  }
0x241: {  	[tilespmem:v8+s16+$0x0] =	vst.idx.msk $0xffff, v5  }
0x242: {  	v11 =	vmul.f32 v7, v5;
	[tilespmem:v9+s16+$0x0] =	vst.idx.msk $0xffff, v7  }
0x243: {  	v12 =	vxor.u32 $0x80000000, v5;
	v13 =	vmul.f32 v6, v7;
	v14 =	vmul.f32 v6, v5;
	[tilespmem:v10+s16+$0x0] =	vst.idx.msk $0xffff, v6  }
0x244: {  	[tilespmem:v8+s17+$0x0] =	vst.idx.msk $0xffff, v12;
	v12 =	vxor.u32 $0x80000000, v7  }
0x245: {  	v15 =	vor.u32 $0x3, v8;
	v5 =	vmul.f32 v5, v5;
	[tilespmem:v9+s17+$0x0] =	vst.idx.msk $0xffff, v12;
	v12 =	vxor.u32 $0x80000000, v6  }
0x246: {  	v7 =	vmul.f32 v7, v7;
	[tilespmem:v10+s17+$0x0] =	vst.idx.msk $0xffff, v12;
	v12 =	vor.u32 $0x4, v8  }
0x247: {  	[tilespmem:v8+s18+$0x0] =	vst.idx.msk $0xffff, v5;
	v5 =	vmul.f32 v6, v6;
	v6 =	vor.u32 $0x5, v8;
	v8 =	vor.u32 s1, v0  }
0x248: {  	[tilespmem:v9+s18+$0x0] =	vst.idx.msk $0xffff, v7;
	v7 =	vand.u32 v4, v8  }
0x249: {  	[tilespmem:v10+s18+$0x0] =	vst.idx.msk $0xffff, v5  }
0x24a: {  	[tilespmem:v15+s18+$0x0] =	vst.idx.msk $0xffff, v11  }
0x24b: {  	[tilespmem:v12+s18+$0x0] =	vst.idx.msk $0xffff, v13  }
0x24c: {  	[tilespmem:v6+s18+$0x0] =	vst.idx.msk $0xffff, v14  }
0x24d: {  	v6 =	vld.idx.msk [tilespmem:v7+s22+$0x0], $0xffff  }
0x24e: {  	v8 =	vshll.u32 v8, $0x3;
	v9 =	vld.idx.msk [tilespmem:v7+s23+$0x0], $0xffff  }
0x24f: {  	v10 =	vor.u32 $0x1, v8;
	v7 =	vld.idx.msk [tilespmem:v7+s24+$0x0], $0xffff  }
0x250: {  	v11 =	vor.u32 $0x2, v8;
	_ =	sdelay $0x2  }
0x251: {  	[tilespmem:v8+s16+$0x0] =	vst.idx.msk $0xffff, v6  }
0x252: {  	v12 =	vmul.f32 v9, v6;
	[tilespmem:v10+s16+$0x0] =	vst.idx.msk $0xffff, v9  }
0x253: {  	v13 =	vxor.u32 $0x80000000, v6;
	v14 =	vmul.f32 v7, v9;
	v5 =	vmul.f32 v7, v6;
	[tilespmem:v11+s16+$0x0] =	vst.idx.msk $0xffff, v7  }
0x254: {  	[tilespmem:v8+s17+$0x0] =	vst.idx.msk $0xffff, v13;
	v13 =	vxor.u32 $0x80000000, v9  }
0x255: {  	s1 =	sadd.s32 $0x40, s1;
	v16 =	vor.u32 $0x3, v8;
	v15 =	vmul.f32 v6, v6;
	[tilespmem:v10+s17+$0x0] =	vst.idx.msk $0xffff, v13;
	v13 =	vxor.u32 $0x80000000, v7  }
0x256: {  	s10 =	sadd.s32 $0xFFFFFFD0, s1;
	v9 =	vmul.f32 v9, v9;
	[tilespmem:v11+s17+$0x0] =	vst.idx.msk $0xffff, v13;
	v13 =	vor.u32 $0x4, v8  }
.Ltmp7:
0x257: {  	v6 =	vor.u32 s10, v0;
	[tilespmem:v8+s18+$0x0] =	vst.idx.msk $0xffff, v15;
	v15 =	vmul.f32 v7, v7;
	v8 =	vor.u32 $0x5, v8;
	(pc) =	sbr.rel @p1 .LBB2_7-.Ltmp7, $4  }
0x258: {  	v7 =	vand.u32 v1, v6;
	[tilespmem:v10+s18+$0x0] =	vst.idx.msk $0xffff, v9  }
0x259: {  	[tilespmem:v11+s18+$0x0] =	vst.idx.msk $0xffff, v15  }
0x25a: {  	[tilespmem:v16+s18+$0x0] =	vst.idx.msk $0xffff, v12  }
0x25b: {  	[tilespmem:v13+s18+$0x0] =	vst.idx.msk $0xffff, v14  }
0x25c: {  	_ =	sdelay $0x3  }
0x25d: {  	[tilespmem:v8+s18+$0x0] =	vst.idx.msk $0xffff, v5  }
0x25e: {  	v6 =	vshll.u32 v6, $0x3;
	v5 =	vld.idx.msk [tilespmem:v7+s22+$0x0], $0xffff  }
0x25f: {  	v8 =	vld.idx.msk [tilespmem:v7+s23+$0x0], $0xffff;
	v9 =	vor.u32 $0x1, v6  }
0x260: {  	v7 =	vld.idx.msk [tilespmem:v7+s24+$0x0], $0xffff;
	v10 =	vor.u32 $0x2, v6;
	_ =	sdelay $0x2  }
0x261: {  	[tilespmem:v6+s16+$0x0] =	vst.idx.msk $0xffff, v5  }
0x262: {  	[tilespmem:v9+s16+$0x0] =	vst.idx.msk $0xffff, v8  }
0x263: {  	v11 =	vxor.u32 $0x80000000, v5;
	[tilespmem:v10+s16+$0x0] =	vst.idx.msk $0xffff, v7  }
0x264: {  	v19 =	vxor.u32 $0x80000000, v8;
	[tilespmem:v6+s17+$0x0] =	vst.idx.msk $0xffff, v11  }
0x265: {  	v13 =	vor.u32 $0x3, v6;
	v20 =	vxor.u32 $0x80000000, v7;
	v12 =	vmul.f32 v5, v5;
	[tilespmem:v9+s17+$0x0] =	vst.idx.msk $0xffff, v19  }
0x266: {  	s0 =	sadd.s32 $0xFFFFFFE0, s1;
	v14 =	vor.u32 $0x4, v6;
	v21 =	vmul.f32 v8, v8;
	[tilespmem:v10+s17+$0x0] =	vst.idx.msk $0xffff, v20  }
0x267: {  	v15 =	vor.u32 s0, v0;
	v22 =	vmul.f32 v7, v7;
	[tilespmem:v6+s18+$0x0] =	vst.idx.msk $0xffff, v12;
	v6 =	vor.u32 $0x5, v6  }
0x268: {  	v24 =	vand.u32 v2, v15;
	v23 =	vmul.f32 v8, v5;
	[tilespmem:v9+s18+$0x0] =	vst.idx.msk $0xffff, v21  }
0x269: {  	v8 =	vmul.f32 v7, v8;
	[tilespmem:v10+s18+$0x0] =	vst.idx.msk $0xffff, v22  }
0x26a: {  	v5 =	vmul.f32 v7, v5;
	[tilespmem:v13+s18+$0x0] =	vst.idx.msk $0xffff, v23  }
0x26b: {  	[tilespmem:v14+s18+$0x0] =	vst.idx.msk $0xffff, v8  }
0x26c: {  	[tilespmem:v6+s18+$0x0] =	vst.idx.msk $0xffff, v5  }
0x26d: {  	v6 =	vshll.u32 v15, $0x3;
	v5 =	vld.idx.msk [tilespmem:v24+s22+$0x0], $0xffff  }
0x26e: {  	v7 =	vld.idx.msk [tilespmem:v24+s23+$0x0], $0xffff;
	v25 =	vor.u32 $0x1, v6  }
0x26f: {  	v9 =	vld.idx.msk [tilespmem:v24+s24+$0x0], $0xffff;
	v26 =	vor.u32 $0x2, v6;
	_ =	sdelay $0x2  }
0x270: {  	[tilespmem:v6+s16+$0x0] =	vst.idx.msk $0xffff, v5  }
0x271: {  	[tilespmem:v25+s16+$0x0] =	vst.idx.msk $0xffff, v7  }
0x272: {  	v27 =	vxor.u32 $0x80000000, v5;
	[tilespmem:v26+s16+$0x0] =	vst.idx.msk $0xffff, v9  }
0x273: {  	v28 =	vxor.u32 $0x80000000, v7;
	[tilespmem:v6+s17+$0x0] =	vst.idx.msk $0xffff, v27  }
0x274: {  	v31 =	vor.u32 $0x3, v6;
	v29 =	vxor.u32 $0x80000000, v9;
	v30 =	vmul.f32 v5, v5;
	[tilespmem:v25+s17+$0x0] =	vst.idx.msk $0xffff, v28  }
0x275: {  	s25 =	sadd.s32 $0xFFFFFFF0, s1;
	v33 =	vor.u32 $0x4, v6;
	v32 =	vmul.f32 v7, v7;
	[tilespmem:v26+s17+$0x0] =	vst.idx.msk $0xffff, v29  }
0x276: {  	v35 =	vor.u32 s25, v0;
	v34 =	vmul.f32 v9, v9;
	[tilespmem:v6+s18+$0x0] =	vst.idx.msk $0xffff, v30;
	v6 =	vor.u32 $0x5, v6  }
0x277: {  	v37 =	vand.u32 v3, v35;
	v36 =	vmul.f32 v7, v5;
	[tilespmem:v25+s18+$0x0] =	vst.idx.msk $0xffff, v32  }
0x278: {  	v7 =	vmul.f32 v9, v7;
	[tilespmem:v26+s18+$0x0] =	vst.idx.msk $0xffff, v34  }
0x279: {  	v5 =	vmul.f32 v9, v5;
	[tilespmem:v31+s18+$0x0] =	vst.idx.msk $0xffff, v36  }
0x27a: {  	[tilespmem:v33+s18+$0x0] =	vst.idx.msk $0xffff, v7  }
0x27b: {  	[tilespmem:v6+s18+$0x0] =	vst.idx.msk $0xffff, v5  }
0x27c: {  	v6 =	vshll.u32 v35, $0x3;
	v5 =	vld.idx.msk [tilespmem:v37+s22+$0x0], $0xffff  }
0x27d: {  	v7 =	vld.idx.msk [tilespmem:v37+s23+$0x0], $0xffff;
	v38 =	vor.u32 $0x1, v6  }
0x27e: {  	v39 =	vld.idx.msk [tilespmem:v37+s24+$0x0], $0xffff;
	v40 =	vor.u32 $0x2, v6;
	_ =	sdelay $0x2  }
0x27f: {  	[tilespmem:v6+s16+$0x0] =	vst.idx.msk $0xffff, v5  }
0x280: {  	[tilespmem:v38+s16+$0x0] =	vst.idx.msk $0xffff, v7  }
0x281: {  	v41 =	vxor.u32 $0x80000000, v5;
	[tilespmem:v40+s16+$0x0] =	vst.idx.msk $0xffff, v39  }
0x282: {  	v42 =	vxor.u32 $0x80000000, v7;
	[tilespmem:v6+s17+$0x0] =	vst.idx.msk $0xffff, v41  }
0x283: {  	v45 =	vor.u32 $0x3, v6;
	v43 =	vxor.u32 $0x80000000, v39;
	v44 =	vmul.f32 v5, v5;
	[tilespmem:v38+s17+$0x0] =	vst.idx.msk $0xffff, v42  }
0x284: {  	v47 =	vor.u32 $0x4, v6;
	v46 =	vmul.f32 v7, v7;
	[tilespmem:v40+s17+$0x0] =	vst.idx.msk $0xffff, v43  }
0x285: {  	v49 =	vor.u32 s1, v0;
	v48 =	vmul.f32 v39, v39;
	[tilespmem:v6+s18+$0x0] =	vst.idx.msk $0xffff, v44;
	v6 =	vor.u32 $0x5, v6  }
0x286: {  	v51 =	vand.u32 v4, v49;
	v50 =	vmul.f32 v7, v5;
	[tilespmem:v38+s18+$0x0] =	vst.idx.msk $0xffff, v46  }
0x287: {  	v7 =	vmul.f32 v39, v7;
	[tilespmem:v40+s18+$0x0] =	vst.idx.msk $0xffff, v48  }
0x288: {  	v5 =	vmul.f32 v39, v5;
	[tilespmem:v45+s18+$0x0] =	vst.idx.msk $0xffff, v50  }
0x289: {  	[tilespmem:v47+s18+$0x0] =	vst.idx.msk $0xffff, v7  }
0x28a: {  	[tilespmem:v6+s18+$0x0] =	vst.idx.msk $0xffff, v5  }
0x28b: {  	v6 =	vshll.u32 v49, $0x3;
	v5 =	vld.idx.msk [tilespmem:v51+s22+$0x0], $0xffff  }
0x28c: {  	v7 =	vld.idx.msk [tilespmem:v51+s23+$0x0], $0xffff;
	v52 =	vor.u32 $0x1, v6  }
0x28d: {  	v53 =	vld.idx.msk [tilespmem:v51+s24+$0x0], $0xffff;
	v54 =	vor.u32 $0x2, v6;
	_ =	sdelay $0x2  }
0x28e: {  	[tilespmem:v6+s16+$0x0] =	vst.idx.msk $0xffff, v5  }
0x28f: {  	[tilespmem:v52+s16+$0x0] =	vst.idx.msk $0xffff, v7  }
0x290: {  	v55 =	vxor.u32 $0x80000000, v5;
	[tilespmem:v54+s16+$0x0] =	vst.idx.msk $0xffff, v53  }
0x291: {  	v56 =	vxor.u32 $0x80000000, v7;
	[tilespmem:v6+s17+$0x0] =	vst.idx.msk $0xffff, v55  }
0x292: {  	v59 =	vor.u32 $0x3, v6;
	v57 =	vxor.u32 $0x80000000, v53;
	v58 =	vmul.f32 v5, v5;
	[tilespmem:v52+s17+$0x0] =	vst.idx.msk $0xffff, v56  }
0x293: {  	v61 =	vor.u32 $0x4, v6;
	v60 =	vmul.f32 v7, v7;
	[tilespmem:v54+s17+$0x0] =	vst.idx.msk $0xffff, v57  }
0x294: {  	v62 =	vmul.f32 v53, v53;
	[tilespmem:v6+s18+$0x0] =	vst.idx.msk $0xffff, v58;
	v6 =	vor.u32 $0x5, v6  }
0x295: {  	v63 =	vmul.f32 v7, v5;
	[tilespmem:v52+s18+$0x0] =	vst.idx.msk $0xffff, v60  }
0x296: {  	v7 =	vmul.f32 v53, v7;
	[tilespmem:v54+s18+$0x0] =	vst.idx.msk $0xffff, v62  }
0x297: {  	v5 =	vmul.f32 v53, v5;
	[tilespmem:v59+s18+$0x0] =	vst.idx.msk $0xffff, v63  }
0x298: {  	[tilespmem:v61+s18+$0x0] =	vst.idx.msk $0xffff, v7  }
0x299: {  	[tilespmem:v6+s18+$0x0] =	vst.idx.msk $0xffff, v5  }
0x29a: {  	_ =	swait.ge [sflag:s3], $0x180  }
0x29b: {  	[sflag:s3] =	ssyncset.done $0x0  }
0x29c: {  	[sflag:s3] =	ssyncadd.s32 $0xFFFFFE80  }
0x29d: {  	_ =	swait.ge [sflag:s3], $0x180  }
0x29e: {  	[sflag:s3] =	ssyncset.done $0x0  }
0x29f: {  	s29 =	simm.s32 $0x1B6A0;
	[sflag:s3] =	ssyncadd.s32 $0xFFFFFE80  }
0x2a0: {  	[spmem:s6] =	stream.indirect.scatter.add.f32 [tilespmem:s16], [sflag:$0x4], $0x8, s29, s14, $0xb8;
	[tilespmem:$0x1DDA0] =	vst v63  }
0x2a1: {  	s1 =	simm.s32 $0x1B820  }
0x2a2: {  	[spmem:s6] =	stream.indirect.scatter.add.f32 [tilespmem:s17], [sflag:$0x4], $0x8, s1, s14, $0xb8;
	[tilespmem:$0x1DDA0] =	vst v63  }
0x2a3: {  	_ = 	snop  }
0x2a4: {  	[spmem:s7] =	stream.indirect.scatter.add.f32 [tilespmem:s18], [sflag:$0x4], $0x8, s1, s14, $0xb8;
	[tilespmem:$0x1DDA0] =	vst v63  }
0x2a5: {  	s10 =	simm.s32 $0x1B720;
	s29 =	simm.s32 $0x1BDA0  }
0x2a6: {  	[spmem:s6] =	stream.indirect.scatter.add.f32 [tilespmem:s29], [sflag:$0x4], $0x8, s10, s14, $0xb8;
	[tilespmem:$0x1DDA0] =	vst v63  }
0x2a7: {  	s0 =	simm.s32 $0x1B8A0;
	s10 =	simm.s32 $0x1C9A0  }
0x2a8: {  	[spmem:s6] =	stream.indirect.scatter.add.f32 [tilespmem:s10], [sflag:$0x4], $0x8, s0, s14, $0xb8;
	[tilespmem:$0x1DDA0] =	vst v63  }
0x2a9: {  	s29 =	simm.s32 $0x1D5A0  }
0x2aa: {  	[spmem:s7] =	stream.indirect.scatter.add.f32 [tilespmem:s29], [sflag:$0x4], $0x8, s0, s14, $0xb8;
	[tilespmem:$0x1DDA0] =	vst v63  }
0x2ab: {  	s10 =	simm.s32 $0x1B7A0;
	s29 =	simm.s32 $0x1C1A0  }
0x2ac: {  	[spmem:s6] =	stream.indirect.scatter.add.f32 [tilespmem:s29], [sflag:$0x4], $0x8, s10, s14, $0xb8;
	[tilespmem:$0x1DDA0] =	vst v63  }
0x2ad: {  	s0 =	simm.s32 $0x1B920;
	s10 =	simm.s32 $0x1CDA0  }
0x2ae: {  	[spmem:s6] =	stream.indirect.scatter.add.f32 [tilespmem:s10], [sflag:$0x4], $0x8, s0, s14, $0xb8;
	[tilespmem:$0x1DDA0] =	vst v63  }
0x2af: {  	s29 =	simm.s32 $0x1D9A0  }
0x2b0: {  	[spmem:s7] =	stream.indirect.scatter.add.f32 [tilespmem:s29], [sflag:$0x4], $0x8, s0, s14, $0xb8;
	[tilespmem:$0x1DDA0] =	vst v63  }
0x2b1: {  	p1 =	sgt.u32 s5, $0x80;
	s0 =	rddreg [dreg:$0x1d]  }
0x2b2: {  	s0 =	sadd.s32 @!p1 s31, s0  }
0x2b3: {  	s1 =	rddreg [dreg:$0x0];
	s0 =	sshrl.u32 @!p1 s0, $0x3  }
0x2b4: {  	s10 =	simm.s32 @!p1 $0x0;
	s29 =	simm.s32 @!p1 $0x1B220;
	s1 =	sadd.s32 @!p1 s1, s0  }
0x2b5: {  	[tilespmem:s29], [sflag:$0x2] =	stream.linear.gather @!p1 [hbm4b:s1+s10], $0x180, $0x38;
	[tilespmem:$0x1DDA0] =	vst v63  }
0x2b6: {  	s1 =	rddreg [dreg:$0x1]  }
.Ltmp8:
0x2b7: {  	s29 =	simm.s32 @!p1 $0x1B3A0;
	s1 =	sadd.s32 @!p1 s1, s0;
	(pc) =	sbr.rel .LBB2_9-.Ltmp8, $4  }
0x2b8: {  	[tilespmem:s29], [sflag:$0x2] =	stream.linear.gather @!p1 [hbm4b:s1+s10], $0x180, $0x38;
	[tilespmem:$0x1DDA0] =	vst v63  }
0x2b9: {  	s1 =	rddreg [dreg:$0x2]  }
0x2ba: {  	s25 =	simm.s32 $0x1B820;
	s0 =	sadd.s32 @!p1 s1, s0;
	s1 =	simm.s32 @!p1 $0x1B520  }
0x2bb: {  	[tilespmem:s1], [sflag:$0x2] =	stream.linear.gather @!p1 [hbm4b:s0+s10], $0x180, $0x38;
	[tilespmem:$0x1DDA0] =	vst v63  }
.LBB2_11:
0x2bc: {  	_ =	sfence.sel $0x180000  }
0x2bd: {  	[bflag:$0x0] =	sbarrier.arrive $0xFFFF  }
0x2be: {  	_ =	strace $0x90000047  }
0x2bf: {  	s0 =	stileid.u32;
	[bflag:$0x2] =	sbarrier.arrive $0xFFFF  }
0x2c0: {  	p0 =	sne.s32 s0, $0x0;
	s0 =	rddreg [dreg:$0xa]  }
0x2c1: {  	s0 =	sadd.s32 @!p0 $0x100000, s0  }
0x2c2: {  	[sflag:s0] =	ssyncadd.tile.s32 @!p0 $0x1;
	_ =	shalt  }
.Lfunc_end2:
_tile_overlayer_lowered:
.L_overlay_start_2:
0x2c3: {  	(tag) =	ssettag $0x2  }
0x2c4: {  	s0 =	rddreg [dreg:$0x0];
	s2 =	stileid.u32  }
0x2c5: {  	s1 =	rddreg [dreg:$0x1];
	p0 =	sne.s32 s2, $0x0  }
0x2c6: {  	s3 =	rddreg [dreg:$0x2];
	[bflag:$0x3] =	sbarrier.arrive $0xFFFF;
	s2 =	simm.s32 @!p0 $0x1C07  }
0x2c7: {  	[timem:s3], [sflag:s2] =	dma.local @!p0 [hbm:s0], s1  }
0x2c8: {  	s0 =	simm.s32 @!p0 $0x7  }
0x2c9: {  	_ =	swait.ge @!p0 [sflag:s0], s1  }
0x2ca: {  	s1 =	ssub.s32 @!p0 $0x0, s1;
	[sflag:s0] =	ssyncset.done @!p0 $0x0  }
0x2cb: {  	[sflag:s0] =	ssyncadd.s32 @!p0 s1  }
0x2cc: {  	[bflag:$0x3] =	sbarrier.arrive $0xFFFF  }
0x2cd: {  	_ =	shalt  }

</sc_bundles>
